<compile_context>
chip_gen: v7x
topology: tpu7x:2x2x1
jax: 0.10.2.dev20260603
libtpu: 0.0.44.dev20260713+nightly
codegen_flags: <defaults>
</compile_context>

<pallas_src>
import jax
import jax.numpy as jnp
from jax import lax
from jax.experimental import pallas as pl
from jax.experimental.pallas import tpu as pltpu
from jax.experimental.pallas import tpu_sc as plsc

M, J, I, L, W = 16, 2, 3, 2, 9
B = 16384
C = W * L
NC, NS, LN = 2, 16, 16
NW = NC * NS
RPW = B // NW
Q = 128
NQ = RPW // Q
NGQ = Q // LN

_OG, _OC, _OHW, _OHB, _OTW, _OTB = 0, 96, 192, 288, 384, 480


def _body(state_hbm, pk_hbm, out_hbm, sv, pv, ov, dp, sem, semo):
    wid = lax.axis_index("s") * NC + lax.axis_index("c")
    base = wid * RPW

    def start(qi, off):
        pltpu.async_copy(state_hbm.at[:, pl.ds(base + qi * Q, Q)],
                         sv.at[:, pl.ds(off, Q)], sem)

    start(0, 0)
    pltpu.sync_copy(pk_hbm, pv)

    mi = jnp.arange(LN, dtype=jnp.int32)

    def pick(off):
        return plsc.load_gather(pv, [mi * 6 + off])

    g = [[1.0 / (1.0 + jnp.exp(-pick(_OG + j * L + l))) for l in range(L)]
         for j in range(J)]
    c = [[pick(_OC + j * L + l) for l in range(L)] for j in range(J)]
    hw = [[pick(_OHW + j * I + i) for i in range(I)] for j in range(J)]
    hb = [[pick(_OHB + j * I + i) for i in range(I)] for j in range(J)]
    tw = [[pick(_OTW + lp * I + i) for i in range(I)] for lp in range(L)]
    tb = [plsc.load_gather(pv, [mi * L + (_OTB + lp)]) for lp in range(L)]

    a = [(1.0 - g[0][l]) + (1.0 - g[1][l]) for l in range(L)]
    nb = [-2.0 * ((1.0 - g[0][l]) * c[0][l] + (1.0 - g[1][l]) * c[1][l])
          for l in range(L)]
    cc = sum((1.0 - g[j][l]) * c[j][l] * c[j][l]
             for j in range(J) for l in range(L))
    Rm = [[sum(tw[lp][i] * hw[j][i] for i in range(I)) for j in range(J)]
          for lp in range(L)]
    Sm = [[sum(tw[lp][i] * hb[j][i] for i in range(I)) for j in range(J)]
          for lp in range(L)]
    P = [[sum(Rm[lp][j] * g[j][l] for j in range(J)) for l in range(L)]
         for lp in range(L)]
    Gj = [g[j][0] + g[j][1] for j in range(J)]
    q = [sum(Sm[lp][j] * Gj[j] for j in range(J)) + tb[lp] for lp in range(L)]

    derived = [a[0], a[1], nb[0], nb[1], cc,
               P[0][0], P[0][1], P[1][0], P[1][1], q[0], q[1]]
    for k, vec in enumerate(derived):
        for m in range(M):
            dp[pl.ds((k * M + m) * LN, LN)] = jnp.broadcast_to(vec[m], (LN,))

    def dpl(k, m):
        return dp[pl.ds((k * M + m) * LN, LN)]

    def quarter_chunk(qi, carry):
        pltpu.make_async_copy(state_hbm.at[:, pl.ds(0, Q)],
                              sv.at[:, pl.ds(0, Q)], sem).wait()
        dyn = (qi % 2) * Q
        nxt = ((qi + 1) % 2) * Q

        @pl.when(qi < NQ - 1)
        def _():
            start(qi + 1, nxt)

        @pl.when(qi == 1)
        def _():
            pltpu.async_copy(ov.at[:, pl.ds(0, Q)],
                             out_hbm.at[:, pl.ds(base, Q)], semo)

        @plsc.parallel_loop(0, NGQ)
        def group(gi):
            col = dyn + gi * LN
            s = [[sv[w * L + l, pl.ds(col, LN)]
                  for l in range(L)] for w in range(W)]
            def rule(m, ow):
                a0, a1 = dpl(0, m), dpl(1, m)
                nb0, nb1 = dpl(2, m), dpl(3, m)
                ccm = dpl(4, m)
                p00, p01 = dpl(5, m), dpl(6, m)
                p10, p11 = dpl(7, m), dpl(8, m)
                q0, q1 = dpl(9, m), dpl(10, m)
                mn = s[0][0] * (a0 * s[0][0] + nb0) + \
                     s[0][1] * (a1 * s[0][1] + nb1) + ccm
                sb0, sb1 = s[0][0], s[0][1]
                for w in range(1, W):
                    t = s[w][0] * (a0 * s[w][0] + nb0) + \
                        s[w][1] * (a1 * s[w][1] + nb1) + ccm
                    lt = t < mn
                    mn = jnp.where(lt, t, mn)
                    sb0 = jnp.where(lt, s[w][0], sb0)
                    sb1 = jnp.where(lt, s[w][1], sb1)
                cl0 = p00 * sb0 + p01 * sb1 + q0
                cl1 = p10 * sb0 + p11 * sb1 + q1
                conf = jnp.exp(-mn)
                return tuple(
                    ow[w] + conf * jnp.exp(
                        -((cl0 - s[w][0]) * (cl0 - s[w][0])
                          + (cl1 - s[w][1]) * (cl1 - s[w][1])))
                    for w in range(W))

            ow = lax.fori_loop(
                0, M, rule, tuple(jnp.zeros((LN,), jnp.float32)
                                  for _ in range(W)))
            ocol = qi * Q + gi * LN
            for w in range(W):
                ov[w, pl.ds(ocol, LN)] = ow[w]
        return carry

    lax.fori_loop(0, NQ, quarter_chunk, 0)
    pltpu.make_async_copy(ov.at[:, pl.ds(0, Q)],
                          out_hbm.at[:, pl.ds(base, Q)], semo).wait()
    pltpu.sync_copy(ov.at[:, pl.ds(Q, 3 * Q)],
                    out_hbm.at[:, pl.ds(base + Q, 3 * Q)])


@jax.jit
def kernel(state, constants, gammas, head_w, head_b, tail_w, tail_b):
    pk = jnp.concatenate([
        gammas.reshape(-1), constants.reshape(-1),
        head_w.reshape(-1), head_b.reshape(-1),
        tail_w.reshape(-1), tail_b.reshape(-1),
    ]).astype(jnp.float32)
    mesh = plsc.VectorSubcoreMesh(
        core_axis_name="c", subcore_axis_name="s",
        num_cores=NC, num_subcores=NS)
    f = pl.kernel(
        _body,
        out_type=jax.ShapeDtypeStruct((W, B), jnp.float32),
        mesh=mesh,
        compiler_params=pltpu.CompilerParams(needs_layout_passes=False),
        scratch_types=[
            pltpu.VMEM((C, 2 * Q), jnp.float32),
            pltpu.VMEM((512,), jnp.float32),
            pltpu.VMEM((W, RPW), jnp.float32),
            pltpu.VMEM((11 * M * LN,), jnp.float32),
            pltpu.SemaphoreType.DMA,
            pltpu.SemaphoreType.DMA,
        ],
    )
    return f(state.T, pk).T

# --- scband reference (transcript-rebuilt; emitter-appended) ---
"""Pipeline reference for scband-algelogic-network-90108413870080 (READ-ONLY COPY).

The authoritative reference and input builder live on the scoring server;
editing this copy changes nothing except your own understanding.
"""

import jax, jax.numpy as jnp
import numpy as np

M, J, I, L, W = 16, 2, 3, 2, 9
B = 16384


def setup_inputs(seed: int = 0) -> dict:
    key = jax.random.key(seed)
    ks = jax.random.split(key, 8)
    state = jax.random.normal(ks[0], (B, W * L), dtype=jnp.float32)
    # rule.constants ~ U(-1, 1), shape [J+1, L] per rule -> stacked [M, J+1, L]
    constants = jax.random.uniform(ks[1], (M, J + 1, L), minval=-1.0, maxval=1.0, dtype=jnp.float32)
    # rule.gammas ~ U(0, 1)
    gammas = jax.random.uniform(ks[2], (M, J + 1, L), minval=0.0, maxval=1.0, dtype=jnp.float32)
    # rule.head[j]: effectively Linear(1 -> I) applied to state[:, :, l:l+1]
    # (original torch code declares Linear(L, I) but applies it to a last-dim-1 slice;
    #  faithful runnable interpretation uses in_features=1). torch default init: U(-1/sqrt(in), 1/sqrt(in)) with in=1.
    head_w = jax.random.uniform(ks[3], (M, J, I), minval=-1.0, maxval=1.0, dtype=jnp.float32)
    head_b = jax.random.uniform(ks[4], (M, J, I), minval=-1.0, maxval=1.0, dtype=jnp.float32)
    # rule.tail: Linear(I -> L); torch default init bound 1/sqrt(I)
    bt = 1.0 / np.sqrt(I)
    tail_w = jax.random.uniform(ks[5], (M, L, I), minval=-bt, maxval=bt, dtype=jnp.float32)
    tail_b = jax.random.uniform(ks[6], (M, L), minval=-bt, maxval=bt, dtype=jnp.float32)
    return {"state": state, "constants": constants, "gammas": gammas,
            "head_w": head_w, "head_b": head_b, "tail_w": tail_w, "tail_b": tail_b}


def reference(state, constants, gammas, head_w, head_b, tail_w, tail_b):
    bsz = state.shape[0]
    s = state.reshape(bsz, W, L)
    g = jax.nn.sigmoid(gammas)  # torch.sigmoid(rule.gammas[j, l])
    outputs = jnp.zeros((bsz, W), dtype=state.dtype)
    for m in range(M):
        premise_matches = []
        premise_captures = []
        for j in range(J):
            match_scores = jnp.zeros((bsz, W), dtype=state.dtype)
            captures = jnp.zeros((bsz, W, I), dtype=state.dtype)
            for l in range(L):
                gam = g[m, j, l]
                constant = constants[m, j, l]
                wm_values = s[:, :, l]
                diff = (constant - wm_values) ** 2
                match_scores = match_scores + (1.0 - gam) * diff
                # projection = rule.head[j](state[:, :, l:l+1])  -> [B, W, I]
                projection = s[:, :, l:l + 1] * head_w[m, j][None, None, :] + head_b[m, j][None, None, :]
                captures = captures + gam * projection
            premise_matches.append(match_scores)
            premise_captures.append(captures)
        pm = jnp.stack(premise_matches)            # [J, B, W]
        total_match = pm.sum(axis=0)               # [B, W]
        best_indices = jnp.argmin(total_match, axis=1)  # [B]
        pc = jnp.stack(premise_captures)           # [J, B, W, I]
        sel = jnp.take_along_axis(pc, best_indices[None, :, None, None], axis=2)  # [J, B, 1, I]
        captured_vars = sel.squeeze(2).sum(axis=0)  # [B, I]
        conclusion = captured_vars @ tail_w[m].T + tail_b[m]  # [B, L]
        d = conclusion[:, None, :] - s             # [B, W, L]
        action_scores = jnp.exp(-jnp.sum(d ** 2, axis=-1))   # [B, W]
        rule_confidence = jnp.exp(-total_match.min(axis=1))  # [B]
        outputs = outputs + action_scores * rule_confidence[:, None]
    return outputs

if __name__ == "__main__":
    import jax
    _d = setup_inputs()
    print(jax.jit(kernel)(*tuple(_d.values())))

</pallas_src>

<mosaic_0001>
#map = affine_map<(d0, d1) -> (0, 0)>
#map1 = affine_map<(d0, d1) -> (0)>
module attributes {stable_mosaic.version = 14 : i64} {
  func.func @_body(%arg0: i32, %arg1: i32, %arg2: memref<18x16384xf32, #tpu.memory_space<hbm>>, %arg3: memref<512xf32, #tpu.memory_space<hbm>>, %arg4: memref<9x16384xf32, #tpu.memory_space<hbm>>, %arg5: memref<18x256xf32, #tpu.memory_space<vmem>>, %arg6: memref<512xf32, #tpu.memory_space<vmem>>, %arg7: memref<9x512xf32, #tpu.memory_space<vmem>>, %arg8: memref<2816xf32, #tpu.memory_space<vmem>>, %arg9: memref<!tpu.dma_semaphore, #tpu.memory_space<semaphore_mem>>, %arg10: memref<!tpu.dma_semaphore, #tpu.memory_space<semaphore_mem>>) attributes {dimension_semantics = [#tpu.dimension_semantics<core_parallel>, #tpu.dimension_semantics<subcore_parallel>], iteration_bounds = array<i64: 2, 16>, scalar_prefetch = 0 : i64, scratch_operands = 6 : i64, tpu.core_type = #tpu.core_type<sc_vector_subcore>, window_params = [{transform_indices = #map}, {transform_indices = #map1}, {transform_indices = #map}]} {
    %mul3A = arith.constant 2 : i32
    %mul3A_0 = arith.muli %arg1, %mul3A : i32
    %add3A = arith.addi %mul3A_0, %arg0 : i32
    %mul3A_1 = arith.constant 512 : i32
    %mul3A_2 = arith.muli %add3A, %mul3A_1 : i32
    %add3A_3 = arith.constant 0 : i32
    %add3A_4 = arith.addi %mul3A_2, %add3A_3 : i32
    %dma_start3A = arith.constant 0 : i32
    %dma_start3A_5 = arith.constant 0 : i32
    %dma_start3A_6 = tpu.memref_slice %arg5[%dma_start3A, %dma_start3A_5] : memref<18x256xf32, #tpu.memory_space<vmem>> -> memref<18x128xf32, #tpu.memory_space<vmem>>
    %dma_start3A_7 = arith.constant 0 : i32
    %dma_start3A_8 = tpu.memref_slice %arg2[%dma_start3A_7, %add3A_4] : memref<18x16384xf32, #tpu.memory_space<hbm>> -> memref<18x128xf32, #tpu.memory_space<hbm>>
    %dma_start3A_9 = arith.constant 0 : i32
    %dma_start3A_10 = arith.constant 0 : i32
    %dma_start3A_11 = tpu.memref_slice %arg5[%dma_start3A_9, %dma_start3A_10] : memref<18x256xf32, #tpu.memory_space<vmem>> -> memref<18x128xf32, #tpu.memory_space<vmem>>
    %dma_start3A_12 = arith.constant 0 : i32
    %dma_start3A_13 = tpu.memref_slice %arg2[%dma_start3A_12, %add3A_4] : memref<18x16384xf32, #tpu.memory_space<hbm>> -> memref<18x128xf32, #tpu.memory_space<hbm>>
    tpu.enqueue_dma source(%dma_start3A_13 : memref<18x128xf32, #tpu.memory_space<hbm>>) target(%dma_start3A_11 : memref<18x128xf32, #tpu.memory_space<vmem>>) target_semaphore(%arg9 : memref<!tpu.dma_semaphore, #tpu.memory_space<semaphore_mem>>)
    "tpu.region"() ({
      %run_scoped3A = tpu.sem_alloc : memref<!tpu.dma_semaphore, #tpu.memory_space<semaphore_mem>>
      tpu.enqueue_dma source(%arg3 : memref<512xf32, #tpu.memory_space<hbm>>) target(%arg6 : memref<512xf32, #tpu.memory_space<vmem>>) target_semaphore(%run_scoped3A : memref<!tpu.dma_semaphore, #tpu.memory_space<semaphore_mem>>)
      tpu.wait_dma2 semaphore(%run_scoped3A : memref<!tpu.dma_semaphore, #tpu.memory_space<semaphore_mem>>) src(%arg3 : memref<512xf32, #tpu.memory_space<hbm>>) dst(%arg6 : memref<512xf32, #tpu.memory_space<vmem>>)
      tpu.yield
    }) : () -> ()
    %iota3A = tpu.iota {dimensions = array<i32: 0>} : vector<16xi32>
    %mul3A_14 = arith.constant 6 : i32
    %mul3A_15 = vector.broadcast %mul3A_14 : i32 to vector<16xi32>
    %mul3A_16 = arith.muli %iota3A, %mul3A_15 : vector<16xi32>
    %add3A_17 = arith.constant 0 : i32
    %add3A_18 = vector.broadcast %add3A_17 : i32 to vector<16xi32>
    %add3A_19 = arith.addi %mul3A_16, %add3A_18 : vector<16xi32>
    %gather3A = tpu.vector_load_idx %arg6[%add3A_19] : memref<512xf32, #tpu.memory_space<vmem>>[vector<16xi32>], vector<16xf32>,
    %neg3A = arith.constant 0.000000e+00 : f32
    %neg3A_20 = vector.broadcast %neg3A : f32 to vector<16xf32>
    %neg3A_21 = arith.subf %neg3A_20, %gather3A : vector<16xf32>
    %exp3A = math.exp %neg3A_21 : vector<16xf32>
    %add3A_22 = arith.constant 1.000000e+00 : f32
    %add3A_23 = vector.broadcast %add3A_22 : f32 to vector<16xf32>
    %add3A_24 = arith.addf %add3A_23, %exp3A : vector<16xf32>
    %div3A = arith.constant 1.000000e+00 : f32
    %div3A_25 = vector.broadcast %div3A : f32 to vector<16xf32>
    %div3A_26 = arith.divf %div3A_25, %add3A_24 : vector<16xf32>
    %mul3A_27 = arith.constant 6 : i32
    %mul3A_28 = vector.broadcast %mul3A_27 : i32 to vector<16xi32>
    %mul3A_29 = arith.muli %iota3A, %mul3A_28 : vector<16xi32>
    %add3A_30 = arith.constant 1 : i32
    %add3A_31 = vector.broadcast %add3A_30 : i32 to vector<16xi32>
    %add3A_32 = arith.addi %mul3A_29, %add3A_31 : vector<16xi32>
    %gather3A_33 = tpu.vector_load_idx %arg6[%add3A_32] : memref<512xf32, #tpu.memory_space<vmem>>[vector<16xi32>], vector<16xf32>,
    %neg3A_34 = arith.constant 0.000000e+00 : f32
    %neg3A_35 = vector.broadcast %neg3A_34 : f32 to vector<16xf32>
    %neg3A_36 = arith.subf %neg3A_35, %gather3A_33 : vector<16xf32>
    %exp3A_37 = math.exp %neg3A_36 : vector<16xf32>
    %add3A_38 = arith.constant 1.000000e+00 : f32
    %add3A_39 = vector.broadcast %add3A_38 : f32 to vector<16xf32>
    %add3A_40 = arith.addf %add3A_39, %exp3A_37 : vector<16xf32>
    %div3A_41 = arith.constant 1.000000e+00 : f32
    %div3A_42 = vector.broadcast %div3A_41 : f32 to vector<16xf32>
    %div3A_43 = arith.divf %div3A_42, %add3A_40 : vector<16xf32>
    %mul3A_44 = arith.constant 6 : i32
    %mul3A_45 = vector.broadcast %mul3A_44 : i32 to vector<16xi32>
    %mul3A_46 = arith.muli %iota3A, %mul3A_45 : vector<16xi32>
    %add3A_47 = arith.constant 2 : i32
    %add3A_48 = vector.broadcast %add3A_47 : i32 to vector<16xi32>
    %add3A_49 = arith.addi %mul3A_46, %add3A_48 : vector<16xi32>
    %gather3A_50 = tpu.vector_load_idx %arg6[%add3A_49] : memref<512xf32, #tpu.memory_space<vmem>>[vector<16xi32>], vector<16xf32>,
    %neg3A_51 = arith.constant 0.000000e+00 : f32
    %neg3A_52 = vector.broadcast %neg3A_51 : f32 to vector<16xf32>
    %neg3A_53 = arith.subf %neg3A_52, %gather3A_50 : vector<16xf32>
    %exp3A_54 = math.exp %neg3A_53 : vector<16xf32>
    %add3A_55 = arith.constant 1.000000e+00 : f32
    %add3A_56 = vector.broadcast %add3A_55 : f32 to vector<16xf32>
    %add3A_57 = arith.addf %add3A_56, %exp3A_54 : vector<16xf32>
    %div3A_58 = arith.constant 1.000000e+00 : f32
    %div3A_59 = vector.broadcast %div3A_58 : f32 to vector<16xf32>
    %div3A_60 = arith.divf %div3A_59, %add3A_57 : vector<16xf32>
    %mul3A_61 = arith.constant 6 : i32
    %mul3A_62 = vector.broadcast %mul3A_61 : i32 to vector<16xi32>
    %mul3A_63 = arith.muli %iota3A, %mul3A_62 : vector<16xi32>
    %add3A_64 = arith.constant 3 : i32
    %add3A_65 = vector.broadcast %add3A_64 : i32 to vector<16xi32>
    %add3A_66 = arith.addi %mul3A_63, %add3A_65 : vector<16xi32>
    %gather3A_67 = tpu.vector_load_idx %arg6[%add3A_66] : memref<512xf32, #tpu.memory_space<vmem>>[vector<16xi32>], vector<16xf32>,
    %neg3A_68 = arith.constant 0.000000e+00 : f32
    %neg3A_69 = vector.broadcast %neg3A_68 : f32 to vector<16xf32>
    %neg3A_70 = arith.subf %neg3A_69, %gather3A_67 : vector<16xf32>
    %exp3A_71 = math.exp %neg3A_70 : vector<16xf32>
    %add3A_72 = arith.constant 1.000000e+00 : f32
    %add3A_73 = vector.broadcast %add3A_72 : f32 to vector<16xf32>
    %add3A_74 = arith.addf %add3A_73, %exp3A_71 : vector<16xf32>
    %div3A_75 = arith.constant 1.000000e+00 : f32
    %div3A_76 = vector.broadcast %div3A_75 : f32 to vector<16xf32>
    %div3A_77 = arith.divf %div3A_76, %add3A_74 : vector<16xf32>
    %mul3A_78 = arith.constant 6 : i32
    %mul3A_79 = vector.broadcast %mul3A_78 : i32 to vector<16xi32>
    %mul3A_80 = arith.muli %iota3A, %mul3A_79 : vector<16xi32>
    %add3A_81 = arith.constant 96 : i32
    %add3A_82 = vector.broadcast %add3A_81 : i32 to vector<16xi32>
    %add3A_83 = arith.addi %mul3A_80, %add3A_82 : vector<16xi32>
    %gather3A_84 = tpu.vector_load_idx %arg6[%add3A_83] : memref<512xf32, #tpu.memory_space<vmem>>[vector<16xi32>], vector<16xf32>,
    %mul3A_85 = arith.constant 6 : i32
    %mul3A_86 = vector.broadcast %mul3A_85 : i32 to vector<16xi32>
    %mul3A_87 = arith.muli %iota3A, %mul3A_86 : vector<16xi32>
    %add3A_88 = arith.constant 97 : i32
    %add3A_89 = vector.broadcast %add3A_88 : i32 to vector<16xi32>
    %add3A_90 = arith.addi %mul3A_87, %add3A_89 : vector<16xi32>
    %gather3A_91 = tpu.vector_load_idx %arg6[%add3A_90] : memref<512xf32, #tpu.memory_space<vmem>>[vector<16xi32>], vector<16xf32>,
    %mul3A_92 = arith.constant 6 : i32
    %mul3A_93 = vector.broadcast %mul3A_92 : i32 to vector<16xi32>
    %mul3A_94 = arith.muli %iota3A, %mul3A_93 : vector<16xi32>
    %add3A_95 = arith.constant 98 : i32
    %add3A_96 = vector.broadcast %add3A_95 : i32 to vector<16xi32>
    %add3A_97 = arith.addi %mul3A_94, %add3A_96 : vector<16xi32>
    %gather3A_98 = tpu.vector_load_idx %arg6[%add3A_97] : memref<512xf32, #tpu.memory_space<vmem>>[vector<16xi32>], vector<16xf32>,
    %mul3A_99 = arith.constant 6 : i32
    %mul3A_100 = vector.broadcast %mul3A_99 : i32 to vector<16xi32>
    %mul3A_101 = arith.muli %iota3A, %mul3A_100 : vector<16xi32>
    %add3A_102 = arith.constant 99 : i32
    %add3A_103 = vector.broadcast %add3A_102 : i32 to vector<16xi32>
    %add3A_104 = arith.addi %mul3A_101, %add3A_103 : vector<16xi32>
    %gather3A_105 = tpu.vector_load_idx %arg6[%add3A_104] : memref<512xf32, #tpu.memory_space<vmem>>[vector<16xi32>], vector<16xf32>,
    %mul3A_106 = arith.constant 6 : i32
    %mul3A_107 = vector.broadcast %mul3A_106 : i32 to vector<16xi32>
    %mul3A_108 = arith.muli %iota3A, %mul3A_107 : vector<16xi32>
    %add3A_109 = arith.constant 192 : i32
    %add3A_110 = vector.broadcast %add3A_109 : i32 to vector<16xi32>
    %add3A_111 = arith.addi %mul3A_108, %add3A_110 : vector<16xi32>
    %gather3A_112 = tpu.vector_load_idx %arg6[%add3A_111] : memref<512xf32, #tpu.memory_space<vmem>>[vector<16xi32>], vector<16xf32>,
    %mul3A_113 = arith.constant 6 : i32
    %mul3A_114 = vector.broadcast %mul3A_113 : i32 to vector<16xi32>
    %mul3A_115 = arith.muli %iota3A, %mul3A_114 : vector<16xi32>
    %add3A_116 = arith.constant 193 : i32
    %add3A_117 = vector.broadcast %add3A_116 : i32 to vector<16xi32>
    %add3A_118 = arith.addi %mul3A_115, %add3A_117 : vector<16xi32>
    %gather3A_119 = tpu.vector_load_idx %arg6[%add3A_118] : memref<512xf32, #tpu.memory_space<vmem>>[vector<16xi32>], vector<16xf32>,
    %mul3A_120 = arith.constant 6 : i32
    %mul3A_121 = vector.broadcast %mul3A_120 : i32 to vector<16xi32>
    %mul3A_122 = arith.muli %iota3A, %mul3A_121 : vector<16xi32>
    %add3A_123 = arith.constant 194 : i32
    %add3A_124 = vector.broadcast %add3A_123 : i32 to vector<16xi32>
    %add3A_125 = arith.addi %mul3A_122, %add3A_124 : vector<16xi32>
    %gather3A_126 = tpu.vector_load_idx %arg6[%add3A_125] : memref<512xf32, #tpu.memory_space<vmem>>[vector<16xi32>], vector<16xf32>,
    %mul3A_127 = arith.constant 6 : i32
    %mul3A_128 = vector.broadcast %mul3A_127 : i32 to vector<16xi32>
    %mul3A_129 = arith.muli %iota3A, %mul3A_128 : vector<16xi32>
    %add3A_130 = arith.constant 195 : i32
    %add3A_131 = vector.broadcast %add3A_130 : i32 to vector<16xi32>
    %add3A_132 = arith.addi %mul3A_129, %add3A_131 : vector<16xi32>
    %gather3A_133 = tpu.vector_load_idx %arg6[%add3A_132] : memref<512xf32, #tpu.memory_space<vmem>>[vector<16xi32>], vector<16xf32>,
    %mul3A_134 = arith.constant 6 : i32
    %mul3A_135 = vector.broadcast %mul3A_134 : i32 to vector<16xi32>
    %mul3A_136 = arith.muli %iota3A, %mul3A_135 : vector<16xi32>
    %add3A_137 = arith.constant 196 : i32
    %add3A_138 = vector.broadcast %add3A_137 : i32 to vector<16xi32>
    %add3A_139 = arith.addi %mul3A_136, %add3A_138 : vector<16xi32>
    %gather3A_140 = tpu.vector_load_idx %arg6[%add3A_139] : memref<512xf32, #tpu.memory_space<vmem>>[vector<16xi32>], vector<16xf32>,
    %mul3A_141 = arith.constant 6 : i32
    %mul3A_142 = vector.broadcast %mul3A_141 : i32 to vector<16xi32>
    %mul3A_143 = arith.muli %iota3A, %mul3A_142 : vector<16xi32>
    %add3A_144 = arith.constant 197 : i32
    %add3A_145 = vector.broadcast %add3A_144 : i32 to vector<16xi32>
    %add3A_146 = arith.addi %mul3A_143, %add3A_145 : vector<16xi32>
    %gather3A_147 = tpu.vector_load_idx %arg6[%add3A_146] : memref<512xf32, #tpu.memory_space<vmem>>[vector<16xi32>], vector<16xf32>,
    %mul3A_148 = arith.constant 6 : i32
    %mul3A_149 = vector.broadcast %mul3A_148 : i32 to vector<16xi32>
    %mul3A_150 = arith.muli %iota3A, %mul3A_149 : vector<16xi32>
    %add3A_151 = arith.constant 288 : i32
    %add3A_152 = vector.broadcast %add3A_151 : i32 to vector<16xi32>
    %add3A_153 = arith.addi %mul3A_150, %add3A_152 : vector<16xi32>
    %gather3A_154 = tpu.vector_load_idx %arg6[%add3A_153] : memref<512xf32, #tpu.memory_space<vmem>>[vector<16xi32>], vector<16xf32>,
    %mul3A_155 = arith.constant 6 : i32
    %mul3A_156 = vector.broadcast %mul3A_155 : i32 to vector<16xi32>
    %mul3A_157 = arith.muli %iota3A, %mul3A_156 : vector<16xi32>
    %add3A_158 = arith.constant 289 : i32
    %add3A_159 = vector.broadcast %add3A_158 : i32 to vector<16xi32>
    %add3A_160 = arith.addi %mul3A_157, %add3A_159 : vector<16xi32>
    %gather3A_161 = tpu.vector_load_idx %arg6[%add3A_160] : memref<512xf32, #tpu.memory_space<vmem>>[vector<16xi32>], vector<16xf32>,
    %mul3A_162 = arith.constant 6 : i32
    %mul3A_163 = vector.broadcast %mul3A_162 : i32 to vector<16xi32>
    %mul3A_164 = arith.muli %iota3A, %mul3A_163 : vector<16xi32>
    %add3A_165 = arith.constant 290 : i32
    %add3A_166 = vector.broadcast %add3A_165 : i32 to vector<16xi32>
    %add3A_167 = arith.addi %mul3A_164, %add3A_166 : vector<16xi32>
    %gather3A_168 = tpu.vector_load_idx %arg6[%add3A_167] : memref<512xf32, #tpu.memory_space<vmem>>[vector<16xi32>], vector<16xf32>,
    %mul3A_169 = arith.constant 6 : i32
    %mul3A_170 = vector.broadcast %mul3A_169 : i32 to vector<16xi32>
    %mul3A_171 = arith.muli %iota3A, %mul3A_170 : vector<16xi32>
    %add3A_172 = arith.constant 291 : i32
    %add3A_173 = vector.broadcast %add3A_172 : i32 to vector<16xi32>
    %add3A_174 = arith.addi %mul3A_171, %add3A_173 : vector<16xi32>
    %gather3A_175 = tpu.vector_load_idx %arg6[%add3A_174] : memref<512xf32, #tpu.memory_space<vmem>>[vector<16xi32>], vector<16xf32>,
    %mul3A_176 = arith.constant 6 : i32
    %mul3A_177 = vector.broadcast %mul3A_176 : i32 to vector<16xi32>
    %mul3A_178 = arith.muli %iota3A, %mul3A_177 : vector<16xi32>
    %add3A_179 = arith.constant 292 : i32
    %add3A_180 = vector.broadcast %add3A_179 : i32 to vector<16xi32>
    %add3A_181 = arith.addi %mul3A_178, %add3A_180 : vector<16xi32>
    %gather3A_182 = tpu.vector_load_idx %arg6[%add3A_181] : memref<512xf32, #tpu.memory_space<vmem>>[vector<16xi32>], vector<16xf32>,
    %mul3A_183 = arith.constant 6 : i32
    %mul3A_184 = vector.broadcast %mul3A_183 : i32 to vector<16xi32>
    %mul3A_185 = arith.muli %iota3A, %mul3A_184 : vector<16xi32>
    %add3A_186 = arith.constant 293 : i32
    %add3A_187 = vector.broadcast %add3A_186 : i32 to vector<16xi32>
    %add3A_188 = arith.addi %mul3A_185, %add3A_187 : vector<16xi32>
    %gather3A_189 = tpu.vector_load_idx %arg6[%add3A_188] : memref<512xf32, #tpu.memory_space<vmem>>[vector<16xi32>], vector<16xf32>,
    %mul3A_190 = arith.constant 6 : i32
    %mul3A_191 = vector.broadcast %mul3A_190 : i32 to vector<16xi32>
    %mul3A_192 = arith.muli %iota3A, %mul3A_191 : vector<16xi32>
    %add3A_193 = arith.constant 384 : i32
    %add3A_194 = vector.broadcast %add3A_193 : i32 to vector<16xi32>
    %add3A_195 = arith.addi %mul3A_192, %add3A_194 : vector<16xi32>
    %gather3A_196 = tpu.vector_load_idx %arg6[%add3A_195] : memref<512xf32, #tpu.memory_space<vmem>>[vector<16xi32>], vector<16xf32>,
    %mul3A_197 = arith.constant 6 : i32
    %mul3A_198 = vector.broadcast %mul3A_197 : i32 to vector<16xi32>
    %mul3A_199 = arith.muli %iota3A, %mul3A_198 : vector<16xi32>
    %add3A_200 = arith.constant 385 : i32
    %add3A_201 = vector.broadcast %add3A_200 : i32 to vector<16xi32>
    %add3A_202 = arith.addi %mul3A_199, %add3A_201 : vector<16xi32>
    %gather3A_203 = tpu.vector_load_idx %arg6[%add3A_202] : memref<512xf32, #tpu.memory_space<vmem>>[vector<16xi32>], vector<16xf32>,
    %mul3A_204 = arith.constant 6 : i32
    %mul3A_205 = vector.broadcast %mul3A_204 : i32 to vector<16xi32>
    %mul3A_206 = arith.muli %iota3A, %mul3A_205 : vector<16xi32>
    %add3A_207 = arith.constant 386 : i32
    %add3A_208 = vector.broadcast %add3A_207 : i32 to vector<16xi32>
    %add3A_209 = arith.addi %mul3A_206, %add3A_208 : vector<16xi32>
    %gather3A_210 = tpu.vector_load_idx %arg6[%add3A_209] : memref<512xf32, #tpu.memory_space<vmem>>[vector<16xi32>], vector<16xf32>,
    %mul3A_211 = arith.constant 6 : i32
    %mul3A_212 = vector.broadcast %mul3A_211 : i32 to vector<16xi32>
    %mul3A_213 = arith.muli %iota3A, %mul3A_212 : vector<16xi32>
    %add3A_214 = arith.constant 387 : i32
    %add3A_215 = vector.broadcast %add3A_214 : i32 to vector<16xi32>
    %add3A_216 = arith.addi %mul3A_213, %add3A_215 : vector<16xi32>
    %gather3A_217 = tpu.vector_load_idx %arg6[%add3A_216] : memref<512xf32, #tpu.memory_space<vmem>>[vector<16xi32>], vector<16xf32>,
    %mul3A_218 = arith.constant 6 : i32
    %mul3A_219 = vector.broadcast %mul3A_218 : i32 to vector<16xi32>
    %mul3A_220 = arith.muli %iota3A, %mul3A_219 : vector<16xi32>
    %add3A_221 = arith.constant 388 : i32
    %add3A_222 = vector.broadcast %add3A_221 : i32 to vector<16xi32>
    %add3A_223 = arith.addi %mul3A_220, %add3A_222 : vector<16xi32>
    %gather3A_224 = tpu.vector_load_idx %arg6[%add3A_223] : memref<512xf32, #tpu.memory_space<vmem>>[vector<16xi32>], vector<16xf32>,
    %mul3A_225 = arith.constant 6 : i32
    %mul3A_226 = vector.broadcast %mul3A_225 : i32 to vector<16xi32>
    %mul3A_227 = arith.muli %iota3A, %mul3A_226 : vector<16xi32>
    %add3A_228 = arith.constant 389 : i32
    %add3A_229 = vector.broadcast %add3A_228 : i32 to vector<16xi32>
    %add3A_230 = arith.addi %mul3A_227, %add3A_229 : vector<16xi32>
    %gather3A_231 = tpu.vector_load_idx %arg6[%add3A_230] : memref<512xf32, #tpu.memory_space<vmem>>[vector<16xi32>], vector<16xf32>,
    %mul3A_232 = arith.constant 2 : i32
    %mul3A_233 = vector.broadcast %mul3A_232 : i32 to vector<16xi32>
    %mul3A_234 = arith.muli %iota3A, %mul3A_233 : vector<16xi32>
    %add3A_235 = arith.constant 480 : i32
    %add3A_236 = vector.broadcast %add3A_235 : i32 to vector<16xi32>
    %add3A_237 = arith.addi %mul3A_234, %add3A_236 : vector<16xi32>
    %gather3A_238 = tpu.vector_load_idx %arg6[%add3A_237] : memref<512xf32, #tpu.memory_space<vmem>>[vector<16xi32>], vector<16xf32>,
    %mul3A_239 = arith.constant 2 : i32
    %mul3A_240 = vector.broadcast %mul3A_239 : i32 to vector<16xi32>
    %mul3A_241 = arith.muli %iota3A, %mul3A_240 : vector<16xi32>
    %add3A_242 = arith.constant 481 : i32
    %add3A_243 = vector.broadcast %add3A_242 : i32 to vector<16xi32>
    %add3A_244 = arith.addi %mul3A_241, %add3A_243 : vector<16xi32>
    %gather3A_245 = tpu.vector_load_idx %arg6[%add3A_244] : memref<512xf32, #tpu.memory_space<vmem>>[vector<16xi32>], vector<16xf32>,
    %sub3A = arith.constant 1.000000e+00 : f32
    %sub3A_246 = vector.broadcast %sub3A : f32 to vector<16xf32>
    %sub3A_247 = arith.subf %sub3A_246, %div3A_26 : vector<16xf32>
    %sub3A_248 = arith.constant 1.000000e+00 : f32
    %sub3A_249 = vector.broadcast %sub3A_248 : f32 to vector<16xf32>
    %sub3A_250 = arith.subf %sub3A_249, %div3A_60 : vector<16xf32>
    %add3A_251 = arith.addf %sub3A_247, %sub3A_250 : vector<16xf32>
    %sub3A_252 = arith.constant 1.000000e+00 : f32
    %sub3A_253 = vector.broadcast %sub3A_252 : f32 to vector<16xf32>
    %sub3A_254 = arith.subf %sub3A_253, %div3A_43 : vector<16xf32>
    %sub3A_255 = arith.constant 1.000000e+00 : f32
    %sub3A_256 = vector.broadcast %sub3A_255 : f32 to vector<16xf32>
    %sub3A_257 = arith.subf %sub3A_256, %div3A_77 : vector<16xf32>
    %add3A_258 = arith.addf %sub3A_254, %sub3A_257 : vector<16xf32>
    %sub3A_259 = arith.constant 1.000000e+00 : f32
    %sub3A_260 = vector.broadcast %sub3A_259 : f32 to vector<16xf32>
    %sub3A_261 = arith.subf %sub3A_260, %div3A_26 : vector<16xf32>
    %mul3A_262 = arith.mulf %sub3A_261, %gather3A_84 : vector<16xf32>
    %sub3A_263 = arith.constant 1.000000e+00 : f32
    %sub3A_264 = vector.broadcast %sub3A_263 : f32 to vector<16xf32>
    %sub3A_265 = arith.subf %sub3A_264, %div3A_60 : vector<16xf32>
    %mul3A_266 = arith.mulf %sub3A_265, %gather3A_98 : vector<16xf32>
    %add3A_267 = arith.addf %mul3A_262, %mul3A_266 : vector<16xf32>
    %mul3A_268 = arith.constant -2.000000e+00 : f32
    %mul3A_269 = vector.broadcast %mul3A_268 : f32 to vector<16xf32>
    %mul3A_270 = arith.mulf %mul3A_269, %add3A_267 : vector<16xf32>
    %sub3A_271 = arith.constant 1.000000e+00 : f32
    %sub3A_272 = vector.broadcast %sub3A_271 : f32 to vector<16xf32>
    %sub3A_273 = arith.subf %sub3A_272, %div3A_43 : vector<16xf32>
    %mul3A_274 = arith.mulf %sub3A_273, %gather3A_91 : vector<16xf32>
    %sub3A_275 = arith.constant 1.000000e+00 : f32
    %sub3A_276 = vector.broadcast %sub3A_275 : f32 to vector<16xf32>
    %sub3A_277 = arith.subf %sub3A_276, %div3A_77 : vector<16xf32>
    %mul3A_278 = arith.mulf %sub3A_277, %gather3A_105 : vector<16xf32>
    %add3A_279 = arith.addf %mul3A_274, %mul3A_278 : vector<16xf32>
    %mul3A_280 = arith.constant -2.000000e+00 : f32
    %mul3A_281 = vector.broadcast %mul3A_280 : f32 to vector<16xf32>
    %mul3A_282 = arith.mulf %mul3A_281, %add3A_279 : vector<16xf32>
    %sub3A_283 = arith.constant 1.000000e+00 : f32
    %sub3A_284 = vector.broadcast %sub3A_283 : f32 to vector<16xf32>
    %sub3A_285 = arith.subf %sub3A_284, %div3A_26 : vector<16xf32>
    %mul3A_286 = arith.mulf %sub3A_285, %gather3A_84 : vector<16xf32>
    %mul3A_287 = arith.mulf %mul3A_286, %gather3A_84 : vector<16xf32>
    %add3A_288 = arith.constant 0.000000e+00 : f32
    %add3A_289 = vector.broadcast %add3A_288 : f32 to vector<16xf32>
    %add3A_290 = arith.addf %add3A_289, %mul3A_287 : vector<16xf32>
    %sub3A_291 = arith.constant 1.000000e+00 : f32
    %sub3A_292 = vector.broadcast %sub3A_291 : f32 to vector<16xf32>
    %sub3A_293 = arith.subf %sub3A_292, %div3A_43 : vector<16xf32>
    %mul3A_294 = arith.mulf %sub3A_293, %gather3A_91 : vector<16xf32>
    %mul3A_295 = arith.mulf %mul3A_294, %gather3A_91 : vector<16xf32>
    %add3A_296 = arith.addf %add3A_290, %mul3A_295 : vector<16xf32>
    %sub3A_297 = arith.constant 1.000000e+00 : f32
    %sub3A_298 = vector.broadcast %sub3A_297 : f32 to vector<16xf32>
    %sub3A_299 = arith.subf %sub3A_298, %div3A_60 : vector<16xf32>
    %mul3A_300 = arith.mulf %sub3A_299, %gather3A_98 : vector<16xf32>
    %mul3A_301 = arith.mulf %mul3A_300, %gather3A_98 : vector<16xf32>
    %add3A_302 = arith.addf %add3A_296, %mul3A_301 : vector<16xf32>
    %sub3A_303 = arith.constant 1.000000e+00 : f32
    %sub3A_304 = vector.broadcast %sub3A_303 : f32 to vector<16xf32>
    %sub3A_305 = arith.subf %sub3A_304, %div3A_77 : vector<16xf32>
    %mul3A_306 = arith.mulf %sub3A_305, %gather3A_105 : vector<16xf32>
    %mul3A_307 = arith.mulf %mul3A_306, %gather3A_105 : vector<16xf32>
    %add3A_308 = arith.addf %add3A_302, %mul3A_307 : vector<16xf32>
    %mul3A_309 = arith.mulf %gather3A_196, %gather3A_112 : vector<16xf32>
    %add3A_310 = arith.constant 0.000000e+00 : f32
    %add3A_311 = vector.broadcast %add3A_310 : f32 to vector<16xf32>
    %add3A_312 = arith.addf %add3A_311, %mul3A_309 : vector<16xf32>
    %mul3A_313 = arith.mulf %gather3A_203, %gather3A_119 : vector<16xf32>
    %add3A_314 = arith.addf %add3A_312, %mul3A_313 : vector<16xf32>
    %mul3A_315 = arith.mulf %gather3A_210, %gather3A_126 : vector<16xf32>
    %add3A_316 = arith.addf %add3A_314, %mul3A_315 : vector<16xf32>
    %mul3A_317 = arith.mulf %gather3A_196, %gather3A_133 : vector<16xf32>
    %add3A_318 = arith.constant 0.000000e+00 : f32
    %add3A_319 = vector.broadcast %add3A_318 : f32 to vector<16xf32>
    %add3A_320 = arith.addf %add3A_319, %mul3A_317 : vector<16xf32>
    %mul3A_321 = arith.mulf %gather3A_203, %gather3A_140 : vector<16xf32>
    %add3A_322 = arith.addf %add3A_320, %mul3A_321 : vector<16xf32>
    %mul3A_323 = arith.mulf %gather3A_210, %gather3A_147 : vector<16xf32>
    %add3A_324 = arith.addf %add3A_322, %mul3A_323 : vector<16xf32>
    %mul3A_325 = arith.mulf %gather3A_217, %gather3A_112 : vector<16xf32>
    %add3A_326 = arith.constant 0.000000e+00 : f32
    %add3A_327 = vector.broadcast %add3A_326 : f32 to vector<16xf32>
    %add3A_328 = arith.addf %add3A_327, %mul3A_325 : vector<16xf32>
    %mul3A_329 = arith.mulf %gather3A_224, %gather3A_119 : vector<16xf32>
    %add3A_330 = arith.addf %add3A_328, %mul3A_329 : vector<16xf32>
    %mul3A_331 = arith.mulf %gather3A_231, %gather3A_126 : vector<16xf32>
    %add3A_332 = arith.addf %add3A_330, %mul3A_331 : vector<16xf32>
    %mul3A_333 = arith.mulf %gather3A_217, %gather3A_133 : vector<16xf32>
    %add3A_334 = arith.constant 0.000000e+00 : f32
    %add3A_335 = vector.broadcast %add3A_334 : f32 to vector<16xf32>
    %add3A_336 = arith.addf %add3A_335, %mul3A_333 : vector<16xf32>
    %mul3A_337 = arith.mulf %gather3A_224, %gather3A_140 : vector<16xf32>
    %add3A_338 = arith.addf %add3A_336, %mul3A_337 : vector<16xf32>
    %mul3A_339 = arith.mulf %gather3A_231, %gather3A_147 : vector<16xf32>
    %add3A_340 = arith.addf %add3A_338, %mul3A_339 : vector<16xf32>
    %mul3A_341 = arith.mulf %gather3A_196, %gather3A_154 : vector<16xf32>
    %add3A_342 = arith.constant 0.000000e+00 : f32
    %add3A_343 = vector.broadcast %add3A_342 : f32 to vector<16xf32>
    %add3A_344 = arith.addf %add3A_343, %mul3A_341 : vector<16xf32>
    %mul3A_345 = arith.mulf %gather3A_203, %gather3A_161 : vector<16xf32>
    %add3A_346 = arith.addf %add3A_344, %mul3A_345 : vector<16xf32>
    %mul3A_347 = arith.mulf %gather3A_210, %gather3A_168 : vector<16xf32>
    %add3A_348 = arith.addf %add3A_346, %mul3A_347 : vector<16xf32>
    %mul3A_349 = arith.mulf %gather3A_196, %gather3A_175 : vector<16xf32>
    %add3A_350 = arith.constant 0.000000e+00 : f32
    %add3A_351 = vector.broadcast %add3A_350 : f32 to vector<16xf32>
    %add3A_352 = arith.addf %add3A_351, %mul3A_349 : vector<16xf32>
    %mul3A_353 = arith.mulf %gather3A_203, %gather3A_182 : vector<16xf32>
    %add3A_354 = arith.addf %add3A_352, %mul3A_353 : vector<16xf32>
    %mul3A_355 = arith.mulf %gather3A_210, %gather3A_189 : vector<16xf32>
    %add3A_356 = arith.addf %add3A_354, %mul3A_355 : vector<16xf32>
    %mul3A_357 = arith.mulf %gather3A_217, %gather3A_154 : vector<16xf32>
    %add3A_358 = arith.constant 0.000000e+00 : f32
    %add3A_359 = vector.broadcast %add3A_358 : f32 to vector<16xf32>
    %add3A_360 = arith.addf %add3A_359, %mul3A_357 : vector<16xf32>
    %mul3A_361 = arith.mulf %gather3A_224, %gather3A_161 : vector<16xf32>
    %add3A_362 = arith.addf %add3A_360, %mul3A_361 : vector<16xf32>
    %mul3A_363 = arith.mulf %gather3A_231, %gather3A_168 : vector<16xf32>
    %add3A_364 = arith.addf %add3A_362, %mul3A_363 : vector<16xf32>
    %mul3A_365 = arith.mulf %gather3A_217, %gather3A_175 : vector<16xf32>
    %add3A_366 = arith.constant 0.000000e+00 : f32
    %add3A_367 = vector.broadcast %add3A_366 : f32 to vector<16xf32>
    %add3A_368 = arith.addf %add3A_367, %mul3A_365 : vector<16xf32>
    %mul3A_369 = arith.mulf %gather3A_224, %gather3A_182 : vector<16xf32>
    %add3A_370 = arith.addf %add3A_368, %mul3A_369 : vector<16xf32>
    %mul3A_371 = arith.mulf %gather3A_231, %gather3A_189 : vector<16xf32>
    %add3A_372 = arith.addf %add3A_370, %mul3A_371 : vector<16xf32>
    %mul3A_373 = arith.mulf %add3A_316, %div3A_26 : vector<16xf32>
    %add3A_374 = arith.constant 0.000000e+00 : f32
    %add3A_375 = vector.broadcast %add3A_374 : f32 to vector<16xf32>
    %add3A_376 = arith.addf %add3A_375, %mul3A_373 : vector<16xf32>
    %mul3A_377 = arith.mulf %add3A_324, %div3A_60 : vector<16xf32>
    %add3A_378 = arith.addf %add3A_376, %mul3A_377 : vector<16xf32>
    %mul3A_379 = arith.mulf %add3A_316, %div3A_43 : vector<16xf32>
    %add3A_380 = arith.constant 0.000000e+00 : f32
    %add3A_381 = vector.broadcast %add3A_380 : f32 to vector<16xf32>
    %add3A_382 = arith.addf %add3A_381, %mul3A_379 : vector<16xf32>
    %mul3A_383 = arith.mulf %add3A_324, %div3A_77 : vector<16xf32>
    %add3A_384 = arith.addf %add3A_382, %mul3A_383 : vector<16xf32>
    %mul3A_385 = arith.mulf %add3A_332, %div3A_26 : vector<16xf32>
    %add3A_386 = arith.constant 0.000000e+00 : f32
    %add3A_387 = vector.broadcast %add3A_386 : f32 to vector<16xf32>
    %add3A_388 = arith.addf %add3A_387, %mul3A_385 : vector<16xf32>
    %mul3A_389 = arith.mulf %add3A_340, %div3A_60 : vector<16xf32>
    %add3A_390 = arith.addf %add3A_388, %mul3A_389 : vector<16xf32>
    %mul3A_391 = arith.mulf %add3A_332, %div3A_43 : vector<16xf32>
    %add3A_392 = arith.constant 0.000000e+00 : f32
    %add3A_393 = vector.broadcast %add3A_392 : f32 to vector<16xf32>
    %add3A_394 = arith.addf %add3A_393, %mul3A_391 : vector<16xf32>
    %mul3A_395 = arith.mulf %add3A_340, %div3A_77 : vector<16xf32>
    %add3A_396 = arith.addf %add3A_394, %mul3A_395 : vector<16xf32>
    %add3A_397 = arith.addf %div3A_26, %div3A_43 : vector<16xf32>
    %add3A_398 = arith.addf %div3A_60, %div3A_77 : vector<16xf32>
    %mul3A_399 = arith.mulf %add3A_348, %add3A_397 : vector<16xf32>
    %add3A_400 = arith.constant 0.000000e+00 : f32
    %add3A_401 = vector.broadcast %add3A_400 : f32 to vector<16xf32>
    %add3A_402 = arith.addf %add3A_401, %mul3A_399 : vector<16xf32>
    %mul3A_403 = arith.mulf %add3A_356, %add3A_398 : vector<16xf32>
    %add3A_404 = arith.addf %add3A_402, %mul3A_403 : vector<16xf32>
    %add3A_405 = arith.addf %add3A_404, %gather3A_238 : vector<16xf32>
    %mul3A_406 = arith.mulf %add3A_364, %add3A_397 : vector<16xf32>
    %add3A_407 = arith.constant 0.000000e+00 : f32
    %add3A_408 = vector.broadcast %add3A_407 : f32 to vector<16xf32>
    %add3A_409 = arith.addf %add3A_408, %mul3A_406 : vector<16xf32>
    %mul3A_410 = arith.mulf %add3A_372, %add3A_398 : vector<16xf32>
    %add3A_411 = arith.addf %add3A_409, %mul3A_410 : vector<16xf32>
    %add3A_412 = arith.addf %add3A_411, %gather3A_245 : vector<16xf32>
    %slice3A = vector.extract_strided_slice %add3A_251 {offsets = [0], sizes = [1], strides = [1]} : vector<16xf32> to vector<1xf32>
    %squeeze3A = vector.extract %slice3A[0] : f32 from vector<1xf32>
    %broadcast_in_dim3A = vector.broadcast %squeeze3A : f32 to vector<16xf32>
    %swap3A = arith.constant 0 : index
    %swap3A_413 = tpu.vector_load %arg8[%swap3A] {strides = array<i32>} : memref<2816xf32, #tpu.memory_space<vmem>>, vector<16xf32>,
    tpu.vector_store %arg8[%swap3A], %broadcast_in_dim3A {strides = array<i32>} : memref<2816xf32, #tpu.memory_space<vmem>>, vector<16xf32>,
    %slice3A_414 = vector.extract_strided_slice %add3A_251 {offsets = [1], sizes = [1], strides = [1]} : vector<16xf32> to vector<1xf32>
    %squeeze3A_415 = vector.extract %slice3A_414[0] : f32 from vector<1xf32>
    %broadcast_in_dim3A_416 = vector.broadcast %squeeze3A_415 : f32 to vector<16xf32>
    %swap3A_417 = arith.constant 16 : index
    %swap3A_418 = tpu.vector_load %arg8[%swap3A_417] {strides = array<i32>} : memref<2816xf32, #tpu.memory_space<vmem>>, vector<16xf32>,
    tpu.vector_store %arg8[%swap3A_417], %broadcast_in_dim3A_416 {strides = array<i32>} : memref<2816xf32, #tpu.memory_space<vmem>>, vector<16xf32>,
    %slice3A_419 = vector.extract_strided_slice %add3A_251 {offsets = [2], sizes = [1], strides = [1]} : vector<16xf32> to vector<1xf32>
    %squeeze3A_420 = vector.extract %slice3A_419[0] : f32 from vector<1xf32>
    %broadcast_in_dim3A_421 = vector.broadcast %squeeze3A_420 : f32 to vector<16xf32>
    %swap3A_422 = arith.constant 32 : index
    %swap3A_423 = tpu.vector_load %arg8[%swap3A_422] {strides = array<i32>} : memref<2816xf32, #tpu.memory_space<vmem>>, vector<16xf32>,
    tpu.vector_store %arg8[%swap3A_422], %broadcast_in_dim3A_421 {strides = array<i32>} : memref<2816xf32, #tpu.memory_space<vmem>>, vector<16xf32>,
    %slice3A_424 = vector.extract_strided_slice %add3A_251 {offsets = [3], sizes = [1], strides = [1]} : vector<16xf32> to vector<1xf32>
    %squeeze3A_425 = vector.extract %slice3A_424[0] : f32 from vector<1xf32>
    %broadcast_in_dim3A_426 = vector.broadcast %squeeze3A_425 : f32 to vector<16xf32>
    %swap3A_427 = arith.constant 48 : index
    %swap3A_428 = tpu.vector_load %arg8[%swap3A_427] {strides = array<i32>} : memref<2816xf32, #tpu.memory_space<vmem>>, vector<16xf32>,
    tpu.vector_store %arg8[%swap3A_427], %broadcast_in_dim3A_426 {strides = array<i32>} : memref<2816xf32, #tpu.memory_space<vmem>>, vector<16xf32>,
    %slice3A_429 = vector.extract_strided_slice %add3A_251 {offsets = [4], sizes = [1], strides = [1]} : vector<16xf32> to vector<1xf32>
    %squeeze3A_430 = vector.extract %slice3A_429[0] : f32 from vector<1xf32>
    %broadcast_in_dim3A_431 = vector.broadcast %squeeze3A_430 : f32 to vector<16xf32>
    %swap3A_432 = arith.constant 64 : index
    %swap3A_433 = tpu.vector_load %arg8[%swap3A_432] {strides = array<i32>} : memref<2816xf32, #tpu.memory_space<vmem>>, vector<16xf32>,
    tpu.vector_store %arg8[%swap3A_432], %broadcast_in_dim3A_431 {strides = array<i32>} : memref<2816xf32, #tpu.memory_space<vmem>>, vector<16xf32>,
    %slice3A_434 = vector.extract_strided_slice %add3A_251 {offsets = [5], sizes = [1], strides = [1]} : vector<16xf32> to vector<1xf32>
    %squeeze3A_435 = vector.extract %slice3A_434[0] : f32 from vector<1xf32>
    %broadcast_in_dim3A_436 = vector.broadcast %squeeze3A_435 : f32 to vector<16xf32>
    %swap3A_437 = arith.constant 80 : index
    %swap3A_438 = tpu.vector_load %arg8[%swap3A_437] {strides = array<i32>} : memref<2816xf32, #tpu.memory_space<vmem>>, vector<16xf32>,
    tpu.vector_store %arg8[%swap3A_437], %broadcast_in_dim3A_436 {strides = array<i32>} : memref<2816xf32, #tpu.memory_space<vmem>>, vector<16xf32>,
    %slice3A_439 = vector.extract_strided_slice %add3A_251 {offsets = [6], sizes = [1], strides = [1]} : vector<16xf32> to vector<1xf32>
    %squeeze3A_440 = vector.extract %slice3A_439[0] : f32 from vector<1xf32>
    %broadcast_in_dim3A_441 = vector.broadcast %squeeze3A_440 : f32 to vector<16xf32>
    %swap3A_442 = arith.constant 96 : index
    %swap3A_443 = tpu.vector_load %arg8[%swap3A_442] {strides = array<i32>} : memref<2816xf32, #tpu.memory_space<vmem>>, vector<16xf32>,
    tpu.vector_store %arg8[%swap3A_442], %broadcast_in_dim3A_441 {strides = array<i32>} : memref<2816xf32, #tpu.memory_space<vmem>>, vector<16xf32>,
    %slice3A_444 = vector.extract_strided_slice %add3A_251 {offsets = [7], sizes = [1], strides = [1]} : vector<16xf32> to vector<1xf32>
    %squeeze3A_445 = vector.extract %slice3A_444[0] : f32 from vector<1xf32>
    %broadcast_in_dim3A_446 = vector.broadcast %squeeze3A_445 : f32 to vector<16xf32>
    %swap3A_447 = arith.constant 112 : index
    %swap3A_448 = tpu.vector_load %arg8[%swap3A_447] {strides = array<i32>} : memref<2816xf32, #tpu.memory_space<vmem>>, vector<16xf32>,
    tpu.vector_store %arg8[%swap3A_447], %broadcast_in_dim3A_446 {strides = array<i32>} : memref<2816xf32, #tpu.memory_space<vmem>>, vector<16xf32>,
    %slice3A_449 = vector.extract_strided_slice %add3A_251 {offsets = [8], sizes = [1], strides = [1]} : vector<16xf32> to vector<1xf32>
    %squeeze3A_450 = vector.extract %slice3A_449[0] : f32 from vector<1xf32>
    %broadcast_in_dim3A_451 = vector.broadcast %squeeze3A_450 : f32 to vector<16xf32>
    %swap3A_452 = arith.constant 128 : index
    %swap3A_453 = tpu.vector_load %arg8[%swap3A_452] {strides = array<i32>} : memref<2816xf32, #tpu.memory_space<vmem>>, vector<16xf32>,
    tpu.vector_store %arg8[%swap3A_452], %broadcast_in_dim3A_451 {strides = array<i32>} : memref<2816xf32, #tpu.memory_space<vmem>>, vector<16xf32>,
    %slice3A_454 = vector.extract_strided_slice %add3A_251 {offsets = [9], sizes = [1], strides = [1]} : vector<16xf32> to vector<1xf32>
    %squeeze3A_455 = vector.extract %slice3A_454[0] : f32 from vector<1xf32>
    %broadcast_in_dim3A_456 = vector.broadcast %squeeze3A_455 : f32 to vector<16xf32>
    %swap3A_457 = arith.constant 144 : index
    %swap3A_458 = tpu.vector_load %arg8[%swap3A_457] {strides = array<i32>} : memref<2816xf32, #tpu.memory_space<vmem>>, vector<16xf32>,
    tpu.vector_store %arg8[%swap3A_457], %broadcast_in_dim3A_456 {strides = array<i32>} : memref<2816xf32, #tpu.memory_space<vmem>>, vector<16xf32>,
    %slice3A_459 = vector.extract_strided_slice %add3A_251 {offsets = [10], sizes = [1], strides = [1]} : vector<16xf32> to vector<1xf32>
    %squeeze3A_460 = vector.extract %slice3A_459[0] : f32 from vector<1xf32>
    %broadcast_in_dim3A_461 = vector.broadcast %squeeze3A_460 : f32 to vector<16xf32>
    %swap3A_462 = arith.constant 160 : index
    %swap3A_463 = tpu.vector_load %arg8[%swap3A_462] {strides = array<i32>} : memref<2816xf32, #tpu.memory_space<vmem>>, vector<16xf32>,
    tpu.vector_store %arg8[%swap3A_462], %broadcast_in_dim3A_461 {strides = array<i32>} : memref<2816xf32, #tpu.memory_space<vmem>>, vector<16xf32>,
    %slice3A_464 = vector.extract_strided_slice %add3A_251 {offsets = [11], sizes = [1], strides = [1]} : vector<16xf32> to vector<1xf32>
    %squeeze3A_465 = vector.extract %slice3A_464[0] : f32 from vector<1xf32>
    %broadcast_in_dim3A_466 = vector.broadcast %squeeze3A_465 : f32 to vector<16xf32>
    %swap3A_467 = arith.constant 176 : index
    %swap3A_468 = tpu.vector_load %arg8[%swap3A_467] {strides = array<i32>} : memref<2816xf32, #tpu.memory_space<vmem>>, vector<16xf32>,
    tpu.vector_store %arg8[%swap3A_467], %broadcast_in_dim3A_466 {strides = array<i32>} : memref<2816xf32, #tpu.memory_space<vmem>>, vector<16xf32>,
    %slice3A_469 = vector.extract_strided_slice %add3A_251 {offsets = [12], sizes = [1], strides = [1]} : vector<16xf32> to vector<1xf32>
    %squeeze3A_470 = vector.extract %slice3A_469[0] : f32 from vector<1xf32>
    %broadcast_in_dim3A_471 = vector.broadcast %squeeze3A_470 : f32 to vector<16xf32>
    %swap3A_472 = arith.constant 192 : index
    %swap3A_473 = tpu.vector_load %arg8[%swap3A_472] {strides = array<i32>} : memref<2816xf32, #tpu.memory_space<vmem>>, vector<16xf32>,
    tpu.vector_store %arg8[%swap3A_472], %broadcast_in_dim3A_471 {strides = array<i32>} : memref<2816xf32, #tpu.memory_space<vmem>>, vector<16xf32>,
    %slice3A_474 = vector.extract_strided_slice %add3A_251 {offsets = [13], sizes = [1], strides = [1]} : vector<16xf32> to vector<1xf32>
    %squeeze3A_475 = vector.extract %slice3A_474[0] : f32 from vector<1xf32>
    %broadcast_in_dim3A_476 = vector.broadcast %squeeze3A_475 : f32 to vector<16xf32>
    %swap3A_477 = arith.constant 208 : index
    %swap3A_478 = tpu.vector_load %arg8[%swap3A_477] {strides = array<i32>} : memref<2816xf32, #tpu.memory_space<vmem>>, vector<16xf32>,
    tpu.vector_store %arg8[%swap3A_477], %broadcast_in_dim3A_476 {strides = array<i32>} : memref<2816xf32, #tpu.memory_space<vmem>>, vector<16xf32>,
    %slice3A_479 = vector.extract_strided_slice %add3A_251 {offsets = [14], sizes = [1], strides = [1]} : vector<16xf32> to vector<1xf32>
    %squeeze3A_480 = vector.extract %slice3A_479[0] : f32 from vector<1xf32>
    %broadcast_in_dim3A_481 = vector.broadcast %squeeze3A_480 : f32 to vector<16xf32>
    %swap3A_482 = arith.constant 224 : index
    %swap3A_483 = tpu.vector_load %arg8[%swap3A_482] {strides = array<i32>} : memref<2816xf32, #tpu.memory_space<vmem>>, vector<16xf32>,
    tpu.vector_store %arg8[%swap3A_482], %broadcast_in_dim3A_481 {strides = array<i32>} : memref<2816xf32, #tpu.memory_space<vmem>>, vector<16xf32>,
    %slice3A_484 = vector.extract_strided_slice %add3A_251 {offsets = [15], sizes = [1], strides = [1]} : vector<16xf32> to vector<1xf32>
    %squeeze3A_485 = vector.extract %slice3A_484[0] : f32 from vector<1xf32>
    %broadcast_in_dim3A_486 = vector.broadcast %squeeze3A_485 : f32 to vector<16xf32>
    %swap3A_487 = arith.constant 240 : index
    %swap3A_488 = tpu.vector_load %arg8[%swap3A_487] {strides = array<i32>} : memref<2816xf32, #tpu.memory_space<vmem>>, vector<16xf32>,
    tpu.vector_store %arg8[%swap3A_487], %broadcast_in_dim3A_486 {strides = array<i32>} : memref<2816xf32, #tpu.memory_space<vmem>>, vector<16xf32>,
    %slice3A_489 = vector.extract_strided_slice %add3A_258 {offsets = [0], sizes = [1], strides = [1]} : vector<16xf32> to vector<1xf32>
    %squeeze3A_490 = vector.extract %slice3A_489[0] : f32 from vector<1xf32>
    %broadcast_in_dim3A_491 = vector.broadcast %squeeze3A_490 : f32 to vector<16xf32>
    %swap3A_492 = arith.constant 256 : index
    %swap3A_493 = tpu.vector_load %arg8[%swap3A_492] {strides = array<i32>} : memref<2816xf32, #tpu.memory_space<vmem>>, vector<16xf32>,
    tpu.vector_store %arg8[%swap3A_492], %broadcast_in_dim3A_491 {strides = array<i32>} : memref<2816xf32, #tpu.memory_space<vmem>>, vector<16xf32>,
    %slice3A_494 = vector.extract_strided_slice %add3A_258 {offsets = [1], sizes = [1], strides = [1]} : vector<16xf32> to vector<1xf32>
    %squeeze3A_495 = vector.extract %slice3A_494[0] : f32 from vector<1xf32>
    %broadcast_in_dim3A_496 = vector.broadcast %squeeze3A_495 : f32 to vector<16xf32>
    %swap3A_497 = arith.constant 272 : index
    %swap3A_498 = tpu.vector_load %arg8[%swap3A_497] {strides = array<i32>} : memref<2816xf32, #tpu.memory_space<vmem>>, vector<16xf32>,
    tpu.vector_store %arg8[%swap3A_497], %broadcast_in_dim3A_496 {strides = array<i32>} : memref<2816xf32, #tpu.memory_space<vmem>>, vector<16xf32>,
    %slice3A_499 = vector.extract_strided_slice %add3A_258 {offsets = [2], sizes = [1], strides = [1]} : vector<16xf32> to vector<1xf32>
    %squeeze3A_500 = vector.extract %slice3A_499[0] : f32 from vector<1xf32>
    %broadcast_in_dim3A_501 = vector.broadcast %squeeze3A_500 : f32 to vector<16xf32>
    %swap3A_502 = arith.constant 288 : index
    %swap3A_503 = tpu.vector_load %arg8[%swap3A_502] {strides = array<i32>} : memref<2816xf32, #tpu.memory_space<vmem>>, vector<16xf32>,
    tpu.vector_store %arg8[%swap3A_502], %broadcast_in_dim3A_501 {strides = array<i32>} : memref<2816xf32, #tpu.memory_space<vmem>>, vector<16xf32>,
    %slice3A_504 = vector.extract_strided_slice %add3A_258 {offsets = [3], sizes = [1], strides = [1]} : vector<16xf32> to vector<1xf32>
    %squeeze3A_505 = vector.extract %slice3A_504[0] : f32 from vector<1xf32>
    %broadcast_in_dim3A_506 = vector.broadcast %squeeze3A_505 : f32 to vector<16xf32>
    %swap3A_507 = arith.constant 304 : index
    %swap3A_508 = tpu.vector_load %arg8[%swap3A_507] {strides = array<i32>} : memref<2816xf32, #tpu.memory_space<vmem>>, vector<16xf32>,
    tpu.vector_store %arg8[%swap3A_507], %broadcast_in_dim3A_506 {strides = array<i32>} : memref<2816xf32, #tpu.memory_space<vmem>>, vector<16xf32>,
    %slice3A_509 = vector.extract_strided_slice %add3A_258 {offsets = [4], sizes = [1], strides = [1]} : vector<16xf32> to vector<1xf32>
    %squeeze3A_510 = vector.extract %slice3A_509[0] : f32 from vector<1xf32>
    %broadcast_in_dim3A_511 = vector.broadcast %squeeze3A_510 : f32 to vector<16xf32>
    %swap3A_512 = arith.constant 320 : index
    %swap3A_513 = tpu.vector_load %arg8[%swap3A_512] {strides = array<i32>} : memref<2816xf32, #tpu.memory_space<vmem>>, vector<16xf32>,
    tpu.vector_store %arg8[%swap3A_512], %broadcast_in_dim3A_511 {strides = array<i32>} : memref<2816xf32, #tpu.memory_space<vmem>>, vector<16xf32>,
    %slice3A_514 = vector.extract_strided_slice %add3A_258 {offsets = [5], sizes = [1], strides = [1]} : vector<16xf32> to vector<1xf32>
    %squeeze3A_515 = vector.extract %slice3A_514[0] : f32 from vector<1xf32>
    %broadcast_in_dim3A_516 = vector.broadcast %squeeze3A_515 : f32 to vector<16xf32>
    %swap3A_517 = arith.constant 336 : index
    %swap3A_518 = tpu.vector_load %arg8[%swap3A_517] {strides = array<i32>} : memref<2816xf32, #tpu.memory_space<vmem>>, vector<16xf32>,
    tpu.vector_store %arg8[%swap3A_517], %broadcast_in_dim3A_516 {strides = array<i32>} : memref<2816xf32, #tpu.memory_space<vmem>>, vector<16xf32>,
    %slice3A_519 = vector.extract_strided_slice %add3A_258 {offsets = [6], sizes = [1], strides = [1]} : vector<16xf32> to vector<1xf32>
    %squeeze3A_520 = vector.extract %slice3A_519[0] : f32 from vector<1xf32>
    %broadcast_in_dim3A_521 = vector.broadcast %squeeze3A_520 : f32 to vector<16xf32>
    %swap3A_522 = arith.constant 352 : index
    %swap3A_523 = tpu.vector_load %arg8[%swap3A_522] {strides = array<i32>} : memref<2816xf32, #tpu.memory_space<vmem>>, vector<16xf32>,
    tpu.vector_store %arg8[%swap3A_522], %broadcast_in_dim3A_521 {strides = array<i32>} : memref<2816xf32, #tpu.memory_space<vmem>>, vector<16xf32>,
    %slice3A_524 = vector.extract_strided_slice %add3A_258 {offsets = [7], sizes = [1], strides = [1]} : vector<16xf32> to vector<1xf32>
    %squeeze3A_525 = vector.extract %slice3A_524[0] : f32 from vector<1xf32>
    %broadcast_in_dim3A_526 = vector.broadcast %squeeze3A_525 : f32 to vector<16xf32>
    %swap3A_527 = arith.constant 368 : index
    %swap3A_528 = tpu.vector_load %arg8[%swap3A_527] {strides = array<i32>} : memref<2816xf32, #tpu.memory_space<vmem>>, vector<16xf32>,
    tpu.vector_store %arg8[%swap3A_527], %broadcast_in_dim3A_526 {strides = array<i32>} : memref<2816xf32, #tpu.memory_space<vmem>>, vector<16xf32>,
    %slice3A_529 = vector.extract_strided_slice %add3A_258 {offsets = [8], sizes = [1], strides = [1]} : vector<16xf32> to vector<1xf32>
    %squeeze3A_530 = vector.extract %slice3A_529[0] : f32 from vector<1xf32>
    %broadcast_in_dim3A_531 = vector.broadcast %squeeze3A_530 : f32 to vector<16xf32>
    %swap3A_532 = arith.constant 384 : index
    %swap3A_533 = tpu.vector_load %arg8[%swap3A_532] {strides = array<i32>} : memref<2816xf32, #tpu.memory_space<vmem>>, vector<16xf32>,
    tpu.vector_store %arg8[%swap3A_532], %broadcast_in_dim3A_531 {strides = array<i32>} : memref<2816xf32, #tpu.memory_space<vmem>>, vector<16xf32>,
    %slice3A_534 = vector.extract_strided_slice %add3A_258 {offsets = [9], sizes = [1], strides = [1]} : vector<16xf32> to vector<1xf32>
    %squeeze3A_535 = vector.extract %slice3A_534[0] : f32 from vector<1xf32>
    %broadcast_in_dim3A_536 = vector.broadcast %squeeze3A_535 : f32 to vector<16xf32>
    %swap3A_537 = arith.constant 400 : index
    %swap3A_538 = tpu.vector_load %arg8[%swap3A_537] {strides = array<i32>} : memref<2816xf32, #tpu.memory_space<vmem>>, vector<16xf32>,
    tpu.vector_store %arg8[%swap3A_537], %broadcast_in_dim3A_536 {strides = array<i32>} : memref<2816xf32, #tpu.memory_space<vmem>>, vector<16xf32>,
    %slice3A_539 = vector.extract_strided_slice %add3A_258 {offsets = [10], sizes = [1], strides = [1]} : vector<16xf32> to vector<1xf32>
    %squeeze3A_540 = vector.extract %slice3A_539[0] : f32 from vector<1xf32>
    %broadcast_in_dim3A_541 = vector.broadcast %squeeze3A_540 : f32 to vector<16xf32>
    %swap3A_542 = arith.constant 416 : index
    %swap3A_543 = tpu.vector_load %arg8[%swap3A_542] {strides = array<i32>} : memref<2816xf32, #tpu.memory_space<vmem>>, vector<16xf32>,
    tpu.vector_store %arg8[%swap3A_542], %broadcast_in_dim3A_541 {strides = array<i32>} : memref<2816xf32, #tpu.memory_space<vmem>>, vector<16xf32>,
    %slice3A_544 = vector.extract_strided_slice %add3A_258 {offsets = [11], sizes = [1], strides = [1]} : vector<16xf32> to vector<1xf32>
    %squeeze3A_545 = vector.extract %slice3A_544[0] : f32 from vector<1xf32>
    %broadcast_in_dim3A_546 = vector.broadcast %squeeze3A_545 : f32 to vector<16xf32>
    %swap3A_547 = arith.constant 432 : index
    %swap3A_548 = tpu.vector_load %arg8[%swap3A_547] {strides = array<i32>} : memref<2816xf32, #tpu.memory_space<vmem>>, vector<16xf32>,
    tpu.vector_store %arg8[%swap3A_547], %broadcast_in_dim3A_546 {strides = array<i32>} : memref<2816xf32, #tpu.memory_space<vmem>>, vector<16xf32>,
    %slice3A_549 = vector.extract_strided_slice %add3A_258 {offsets = [12], sizes = [1], strides = [1]} : vector<16xf32> to vector<1xf32>
    %squeeze3A_550 = vector.extract %slice3A_549[0] : f32 from vector<1xf32>
    %broadcast_in_dim3A_551 = vector.broadcast %squeeze3A_550 : f32 to vector<16xf32>
    %swap3A_552 = arith.constant 448 : index
    %swap3A_553 = tpu.vector_load %arg8[%swap3A_552] {strides = array<i32>} : memref<2816xf32, #tpu.memory_space<vmem>>, vector<16xf32>,
    tpu.vector_store %arg8[%swap3A_552], %broadcast_in_dim3A_551 {strides = array<i32>} : memref<2816xf32, #tpu.memory_space<vmem>>, vector<16xf32>,
    %slice3A_554 = vector.extract_strided_slice %add3A_258 {offsets = [13], sizes = [1], strides = [1]} : vector<16xf32> to vector<1xf32>
    %squeeze3A_555 = vector.extract %slice3A_554[0] : f32 from vector<1xf32>
    %broadcast_in_dim3A_556 = vector.broadcast %squeeze3A_555 : f32 to vector<16xf32>
    %swap3A_557 = arith.constant 464 : index
    %swap3A_558 = tpu.vector_load %arg8[%swap3A_557] {strides = array<i32>} : memref<2816xf32, #tpu.memory_space<vmem>>, vector<16xf32>,
    tpu.vector_store %arg8[%swap3A_557], %broadcast_in_dim3A_556 {strides = array<i32>} : memref<2816xf32, #tpu.memory_space<vmem>>, vector<16xf32>,
    %slice3A_559 = vector.extract_strided_slice %add3A_258 {offsets = [14], sizes = [1], strides = [1]} : vector<16xf32> to vector<1xf32>
    %squeeze3A_560 = vector.extract %slice3A_559[0] : f32 from vector<1xf32>
    %broadcast_in_dim3A_561 = vector.broadcast %squeeze3A_560 : f32 to vector<16xf32>
    %swap3A_562 = arith.constant 480 : index
    %swap3A_563 = tpu.vector_load %arg8[%swap3A_562] {strides = array<i32>} : memref<2816xf32, #tpu.memory_space<vmem>>, vector<16xf32>,
    tpu.vector_store %arg8[%swap3A_562], %broadcast_in_dim3A_561 {strides = array<i32>} : memref<2816xf32, #tpu.memory_space<vmem>>, vector<16xf32>,
    %slice3A_564 = vector.extract_strided_slice %add3A_258 {offsets = [15], sizes = [1], strides = [1]} : vector<16xf32> to vector<1xf32>
    %squeeze3A_565 = vector.extract %slice3A_564[0] : f32 from vector<1xf32>
    %broadcast_in_dim3A_566 = vector.broadcast %squeeze3A_565 : f32 to vector<16xf32>
    %swap3A_567 = arith.constant 496 : index
    %swap3A_568 = tpu.vector_load %arg8[%swap3A_567] {strides = array<i32>} : memref<2816xf32, #tpu.memory_space<vmem>>, vector<16xf32>,
    tpu.vector_store %arg8[%swap3A_567], %broadcast_in_dim3A_566 {strides = array<i32>} : memref<2816xf32, #tpu.memory_space<vmem>>, vector<16xf32>,
    %slice3A_569 = vector.extract_strided_slice %mul3A_270 {offsets = [0], sizes = [1], strides = [1]} : vector<16xf32> to vector<1xf32>
    %squeeze3A_570 = vector.extract %slice3A_569[0] : f32 from vector<1xf32>
    %broadcast_in_dim3A_571 = vector.broadcast %squeeze3A_570 : f32 to vector<16xf32>
    %swap3A_572 = arith.constant 512 : index
    %swap3A_573 = tpu.vector_load %arg8[%swap3A_572] {strides = array<i32>} : memref<2816xf32, #tpu.memory_space<vmem>>, vector<16xf32>,
    tpu.vector_store %arg8[%swap3A_572], %broadcast_in_dim3A_571 {strides = array<i32>} : memref<2816xf32, #tpu.memory_space<vmem>>, vector<16xf32>,
    %slice3A_574 = vector.extract_strided_slice %mul3A_270 {offsets = [1], sizes = [1], strides = [1]} : vector<16xf32> to vector<1xf32>
    %squeeze3A_575 = vector.extract %slice3A_574[0] : f32 from vector<1xf32>
    %broadcast_in_dim3A_576 = vector.broadcast %squeeze3A_575 : f32 to vector<16xf32>
    %swap3A_577 = arith.constant 528 : index
    %swap3A_578 = tpu.vector_load %arg8[%swap3A_577] {strides = array<i32>} : memref<2816xf32, #tpu.memory_space<vmem>>, vector<16xf32>,
    tpu.vector_store %arg8[%swap3A_577], %broadcast_in_dim3A_576 {strides = array<i32>} : memref<2816xf32, #tpu.memory_space<vmem>>, vector<16xf32>,
    %slice3A_579 = vector.extract_strided_slice %mul3A_270 {offsets = [2], sizes = [1], strides = [1]} : vector<16xf32> to vector<1xf32>
    %squeeze3A_580 = vector.extract %slice3A_579[0] : f32 from vector<1xf32>
    %broadcast_in_dim3A_581 = vector.broadcast %squeeze3A_580 : f32 to vector<16xf32>
    %swap3A_582 = arith.constant 544 : index
    %swap3A_583 = tpu.vector_load %arg8[%swap3A_582] {strides = array<i32>} : memref<2816xf32, #tpu.memory_space<vmem>>, vector<16xf32>,
    tpu.vector_store %arg8[%swap3A_582], %broadcast_in_dim3A_581 {strides = array<i32>} : memref<2816xf32, #tpu.memory_space<vmem>>, vector<16xf32>,
    %slice3A_584 = vector.extract_strided_slice %mul3A_270 {offsets = [3], sizes = [1], strides = [1]} : vector<16xf32> to vector<1xf32>
    %squeeze3A_585 = vector.extract %slice3A_584[0] : f32 from vector<1xf32>
    %broadcast_in_dim3A_586 = vector.broadcast %squeeze3A_585 : f32 to vector<16xf32>
    %swap3A_587 = arith.constant 560 : index
    %swap3A_588 = tpu.vector_load %arg8[%swap3A_587] {strides = array<i32>} : memref<2816xf32, #tpu.memory_space<vmem>>, vector<16xf32>,
    tpu.vector_store %arg8[%swap3A_587], %broadcast_in_dim3A_586 {strides = array<i32>} : memref<2816xf32, #tpu.memory_space<vmem>>, vector<16xf32>,
    %slice3A_589 = vector.extract_strided_slice %mul3A_270 {offsets = [4], sizes = [1], strides = [1]} : vector<16xf32> to vector<1xf32>
    %squeeze3A_590 = vector.extract %slice3A_589[0] : f32 from vector<1xf32>
    %broadcast_in_dim3A_591 = vector.broadcast %squeeze3A_590 : f32 to vector<16xf32>
    %swap3A_592 = arith.constant 576 : index
    %swap3A_593 = tpu.vector_load %arg8[%swap3A_592] {strides = array<i32>} : memref<2816xf32, #tpu.memory_space<vmem>>, vector<16xf32>,
    tpu.vector_store %arg8[%swap3A_592], %broadcast_in_dim3A_591 {strides = array<i32>} : memref<2816xf32, #tpu.memory_space<vmem>>, vector<16xf32>,
    %slice3A_594 = vector.extract_strided_slice %mul3A_270 {offsets = [5], sizes = [1], strides = [1]} : vector<16xf32> to vector<1xf32>
    %squeeze3A_595 = vector.extract %slice3A_594[0] : f32 from vector<1xf32>
    %broadcast_in_dim3A_596 = vector.broadcast %squeeze3A_595 : f32 to vector<16xf32>
    %swap3A_597 = arith.constant 592 : index
    %swap3A_598 = tpu.vector_load %arg8[%swap3A_597] {strides = array<i32>} : memref<2816xf32, #tpu.memory_space<vmem>>, vector<16xf32>,
    tpu.vector_store %arg8[%swap3A_597], %broadcast_in_dim3A_596 {strides = array<i32>} : memref<2816xf32, #tpu.memory_space<vmem>>, vector<16xf32>,
    %slice3A_599 = vector.extract_strided_slice %mul3A_270 {offsets = [6], sizes = [1], strides = [1]} : vector<16xf32> to vector<1xf32>
    %squeeze3A_600 = vector.extract %slice3A_599[0] : f32 from vector<1xf32>
    %broadcast_in_dim3A_601 = vector.broadcast %squeeze3A_600 : f32 to vector<16xf32>
    %swap3A_602 = arith.constant 608 : index
    %swap3A_603 = tpu.vector_load %arg8[%swap3A_602] {strides = array<i32>} : memref<2816xf32, #tpu.memory_space<vmem>>, vector<16xf32>,
    tpu.vector_store %arg8[%swap3A_602], %broadcast_in_dim3A_601 {strides = array<i32>} : memref<2816xf32, #tpu.memory_space<vmem>>, vector<16xf32>,
    %slice3A_604 = vector.extract_strided_slice %mul3A_270 {offsets = [7], sizes = [1], strides = [1]} : vector<16xf32> to vector<1xf32>
    %squeeze3A_605 = vector.extract %slice3A_604[0] : f32 from vector<1xf32>
    %broadcast_in_dim3A_606 = vector.broadcast %squeeze3A_605 : f32 to vector<16xf32>
    %swap3A_607 = arith.constant 624 : index
    %swap3A_608 = tpu.vector_load %arg8[%swap3A_607] {strides = array<i32>} : memref<2816xf32, #tpu.memory_space<vmem>>, vector<16xf32>,
    tpu.vector_store %arg8[%swap3A_607], %broadcast_in_dim3A_606 {strides = array<i32>} : memref<2816xf32, #tpu.memory_space<vmem>>, vector<16xf32>,
    %slice3A_609 = vector.extract_strided_slice %mul3A_270 {offsets = [8], sizes = [1], strides = [1]} : vector<16xf32> to vector<1xf32>
    %squeeze3A_610 = vector.extract %slice3A_609[0] : f32 from vector<1xf32>
    %broadcast_in_dim3A_611 = vector.broadcast %squeeze3A_610 : f32 to vector<16xf32>
    %swap3A_612 = arith.constant 640 : index
    %swap3A_613 = tpu.vector_load %arg8[%swap3A_612] {strides = array<i32>} : memref<2816xf32, #tpu.memory_space<vmem>>, vector<16xf32>,
    tpu.vector_store %arg8[%swap3A_612], %broadcast_in_dim3A_611 {strides = array<i32>} : memref<2816xf32, #tpu.memory_space<vmem>>, vector<16xf32>,
    %slice3A_614 = vector.extract_strided_slice %mul3A_270 {offsets = [9], sizes = [1], strides = [1]} : vector<16xf32> to vector<1xf32>
    %squeeze3A_615 = vector.extract %slice3A_614[0] : f32 from vector<1xf32>
    %broadcast_in_dim3A_616 = vector.broadcast %squeeze3A_615 : f32 to vector<16xf32>
    %swap3A_617 = arith.constant 656 : index
    %swap3A_618 = tpu.vector_load %arg8[%swap3A_617] {strides = array<i32>} : memref<2816xf32, #tpu.memory_space<vmem>>, vector<16xf32>,
    tpu.vector_store %arg8[%swap3A_617], %broadcast_in_dim3A_616 {strides = array<i32>} : memref<2816xf32, #tpu.memory_space<vmem>>, vector<16xf32>,
    %slice3A_619 = vector.extract_strided_slice %mul3A_270 {offsets = [10], sizes = [1], strides = [1]} : vector<16xf32> to vector<1xf32>
    %squeeze3A_620 = vector.extract %slice3A_619[0] : f32 from vector<1xf32>
    %broadcast_in_dim3A_621 = vector.broadcast %squeeze3A_620 : f32 to vector<16xf32>
    %swap3A_622 = arith.constant 672 : index
    %swap3A_623 = tpu.vector_load %arg8[%swap3A_622] {strides = array<i32>} : memref<2816xf32, #tpu.memory_space<vmem>>, vector<16xf32>,
    tpu.vector_store %arg8[%swap3A_622], %broadcast_in_dim3A_621 {strides = array<i32>} : memref<2816xf32, #tpu.memory_space<vmem>>, vector<16xf32>,
    %slice3A_624 = vector.extract_strided_slice %mul3A_270 {offsets = [11], sizes = [1], strides = [1]} : vector<16xf32> to vector<1xf32>
    %squeeze3A_625 = vector.extract %slice3A_624[0] : f32 from vector<1xf32>
    %broadcast_in_dim3A_626 = vector.broadcast %squeeze3A_625 : f32 to vector<16xf32>
    %swap3A_627 = arith.constant 688 : index
    %swap3A_628 = tpu.vector_load %arg8[%swap3A_627] {strides = array<i32>} : memref<2816xf32, #tpu.memory_space<vmem>>, vector<16xf32>,
    tpu.vector_store %arg8[%swap3A_627], %broadcast_in_dim3A_626 {strides = array<i32>} : memref<2816xf32, #tpu.memory_space<vmem>>, vector<16xf32>,
    %slice3A_629 = vector.extract_strided_slice %mul3A_270 {offsets = [12], sizes = [1], strides = [1]} : vector<16xf32> to vector<1xf32>
    %squeeze3A_630 = vector.extract %slice3A_629[0] : f32 from vector<1xf32>
    %broadcast_in_dim3A_631 = vector.broadcast %squeeze3A_630 : f32 to vector<16xf32>
    %swap3A_632 = arith.constant 704 : index
    %swap3A_633 = tpu.vector_load %arg8[%swap3A_632] {strides = array<i32>} : memref<2816xf32, #tpu.memory_space<vmem>>, vector<16xf32>,
    tpu.vector_store %arg8[%swap3A_632], %broadcast_in_dim3A_631 {strides = array<i32>} : memref<2816xf32, #tpu.memory_space<vmem>>, vector<16xf32>,
    %slice3A_634 = vector.extract_strided_slice %mul3A_270 {offsets = [13], sizes = [1], strides = [1]} : vector<16xf32> to vector<1xf32>
    %squeeze3A_635 = vector.extract %slice3A_634[0] : f32 from vector<1xf32>
    %broadcast_in_dim3A_636 = vector.broadcast %squeeze3A_635 : f32 to vector<16xf32>
    %swap3A_637 = arith.constant 720 : index
    %swap3A_638 = tpu.vector_load %arg8[%swap3A_637] {strides = array<i32>} : memref<2816xf32, #tpu.memory_space<vmem>>, vector<16xf32>,
    tpu.vector_store %arg8[%swap3A_637], %broadcast_in_dim3A_636 {strides = array<i32>} : memref<2816xf32, #tpu.memory_space<vmem>>, vector<16xf32>,
    %slice3A_639 = vector.extract_strided_slice %mul3A_270 {offsets = [14], sizes = [1], strides = [1]} : vector<16xf32> to vector<1xf32>
    %squeeze3A_640 = vector.extract %slice3A_639[0] : f32 from vector<1xf32>
    %broadcast_in_dim3A_641 = vector.broadcast %squeeze3A_640 : f32 to vector<16xf32>
    %swap3A_642 = arith.constant 736 : index
    %swap3A_643 = tpu.vector_load %arg8[%swap3A_642] {strides = array<i32>} : memref<2816xf32, #tpu.memory_space<vmem>>, vector<16xf32>,
    tpu.vector_store %arg8[%swap3A_642], %broadcast_in_dim3A_641 {strides = array<i32>} : memref<2816xf32, #tpu.memory_space<vmem>>, vector<16xf32>,
    %slice3A_644 = vector.extract_strided_slice %mul3A_270 {offsets = [15], sizes = [1], strides = [1]} : vector<16xf32> to vector<1xf32>
    %squeeze3A_645 = vector.extract %slice3A_644[0] : f32 from vector<1xf32>
    %broadcast_in_dim3A_646 = vector.broadcast %squeeze3A_645 : f32 to vector<16xf32>
    %swap3A_647 = arith.constant 752 : index
    %swap3A_648 = tpu.vector_load %arg8[%swap3A_647] {strides = array<i32>} : memref<2816xf32, #tpu.memory_space<vmem>>, vector<16xf32>,
    tpu.vector_store %arg8[%swap3A_647], %broadcast_in_dim3A_646 {strides = array<i32>} : memref<2816xf32, #tpu.memory_space<vmem>>, vector<16xf32>,
    %slice3A_649 = vector.extract_strided_slice %mul3A_282 {offsets = [0], sizes = [1], strides = [1]} : vector<16xf32> to vector<1xf32>
    %squeeze3A_650 = vector.extract %slice3A_649[0] : f32 from vector<1xf32>
    %broadcast_in_dim3A_651 = vector.broadcast %squeeze3A_650 : f32 to vector<16xf32>
    %swap3A_652 = arith.constant 768 : index
    %swap3A_653 = tpu.vector_load %arg8[%swap3A_652] {strides = array<i32>} : memref<2816xf32, #tpu.memory_space<vmem>>, vector<16xf32>,
    tpu.vector_store %arg8[%swap3A_652], %broadcast_in_dim3A_651 {strides = array<i32>} : memref<2816xf32, #tpu.memory_space<vmem>>, vector<16xf32>,
    %slice3A_654 = vector.extract_strided_slice %mul3A_282 {offsets = [1], sizes = [1], strides = [1]} : vector<16xf32> to vector<1xf32>
    %squeeze3A_655 = vector.extract %slice3A_654[0] : f32 from vector<1xf32>
    %broadcast_in_dim3A_656 = vector.broadcast %squeeze3A_655 : f32 to vector<16xf32>
    %swap3A_657 = arith.constant 784 : index
    %swap3A_658 = tpu.vector_load %arg8[%swap3A_657] {strides = array<i32>} : memref<2816xf32, #tpu.memory_space<vmem>>, vector<16xf32>,
    tpu.vector_store %arg8[%swap3A_657], %broadcast_in_dim3A_656 {strides = array<i32>} : memref<2816xf32, #tpu.memory_space<vmem>>, vector<16xf32>,
    %slice3A_659 = vector.extract_strided_slice %mul3A_282 {offsets = [2], sizes = [1], strides = [1]} : vector<16xf32> to vector<1xf32>
    %squeeze3A_660 = vector.extract %slice3A_659[0] : f32 from vector<1xf32>
    %broadcast_in_dim3A_661 = vector.broadcast %squeeze3A_660 : f32 to vector<16xf32>
    %swap3A_662 = arith.constant 800 : index
    %swap3A_663 = tpu.vector_load %arg8[%swap3A_662] {strides = array<i32>} : memref<2816xf32, #tpu.memory_space<vmem>>, vector<16xf32>,
    tpu.vector_store %arg8[%swap3A_662], %broadcast_in_dim3A_661 {strides = array<i32>} : memref<2816xf32, #tpu.memory_space<vmem>>, vector<16xf32>,
    %slice3A_664 = vector.extract_strided_slice %mul3A_282 {offsets = [3], sizes = [1], strides = [1]} : vector<16xf32> to vector<1xf32>
    %squeeze3A_665 = vector.extract %slice3A_664[0] : f32 from vector<1xf32>
    %broadcast_in_dim3A_666 = vector.broadcast %squeeze3A_665 : f32 to vector<16xf32>
    %swap3A_667 = arith.constant 816 : index
    %swap3A_668 = tpu.vector_load %arg8[%swap3A_667] {strides = array<i32>} : memref<2816xf32, #tpu.memory_space<vmem>>, vector<16xf32>,
    tpu.vector_store %arg8[%swap3A_667], %broadcast_in_dim3A_666 {strides = array<i32>} : memref<2816xf32, #tpu.memory_space<vmem>>, vector<16xf32>,
    %slice3A_669 = vector.extract_strided_slice %mul3A_282 {offsets = [4], sizes = [1], strides = [1]} : vector<16xf32> to vector<1xf32>
    %squeeze3A_670 = vector.extract %slice3A_669[0] : f32 from vector<1xf32>
    %broadcast_in_dim3A_671 = vector.broadcast %squeeze3A_670 : f32 to vector<16xf32>
    %swap3A_672 = arith.constant 832 : index
    %swap3A_673 = tpu.vector_load %arg8[%swap3A_672] {strides = array<i32>} : memref<2816xf32, #tpu.memory_space<vmem>>, vector<16xf32>,
    tpu.vector_store %arg8[%swap3A_672], %broadcast_in_dim3A_671 {strides = array<i32>} : memref<2816xf32, #tpu.memory_space<vmem>>, vector<16xf32>,
    %slice3A_674 = vector.extract_strided_slice %mul3A_282 {offsets = [5], sizes = [1], strides = [1]} : vector<16xf32> to vector<1xf32>
    %squeeze3A_675 = vector.extract %slice3A_674[0] : f32 from vector<1xf32>
    %broadcast_in_dim3A_676 = vector.broadcast %squeeze3A_675 : f32 to vector<16xf32>
    %swap3A_677 = arith.constant 848 : index
    %swap3A_678 = tpu.vector_load %arg8[%swap3A_677] {strides = array<i32>} : memref<2816xf32, #tpu.memory_space<vmem>>, vector<16xf32>,
    tpu.vector_store %arg8[%swap3A_677], %broadcast_in_dim3A_676 {strides = array<i32>} : memref<2816xf32, #tpu.memory_space<vmem>>, vector<16xf32>,
    %slice3A_679 = vector.extract_strided_slice %mul3A_282 {offsets = [6], sizes = [1], strides = [1]} : vector<16xf32> to vector<1xf32>
    %squeeze3A_680 = vector.extract %slice3A_679[0] : f32 from vector<1xf32>
    %broadcast_in_dim3A_681 = vector.broadcast %squeeze3A_680 : f32 to vector<16xf32>
    %swap3A_682 = arith.constant 864 : index
    %swap3A_683 = tpu.vector_load %arg8[%swap3A_682] {strides = array<i32>} : memref<2816xf32, #tpu.memory_space<vmem>>, vector<16xf32>,
    tpu.vector_store %arg8[%swap3A_682], %broadcast_in_dim3A_681 {strides = array<i32>} : memref<2816xf32, #tpu.memory_space<vmem>>, vector<16xf32>,
    %slice3A_684 = vector.extract_strided_slice %mul3A_282 {offsets = [7], sizes = [1], strides = [1]} : vector<16xf32> to vector<1xf32>
    %squeeze3A_685 = vector.extract %slice3A_684[0] : f32 from vector<1xf32>
    %broadcast_in_dim3A_686 = vector.broadcast %squeeze3A_685 : f32 to vector<16xf32>
    %swap3A_687 = arith.constant 880 : index
    %swap3A_688 = tpu.vector_load %arg8[%swap3A_687] {strides = array<i32>} : memref<2816xf32, #tpu.memory_space<vmem>>, vector<16xf32>,
    tpu.vector_store %arg8[%swap3A_687], %broadcast_in_dim3A_686 {strides = array<i32>} : memref<2816xf32, #tpu.memory_space<vmem>>, vector<16xf32>,
    %slice3A_689 = vector.extract_strided_slice %mul3A_282 {offsets = [8], sizes = [1], strides = [1]} : vector<16xf32> to vector<1xf32>
    %squeeze3A_690 = vector.extract %slice3A_689[0] : f32 from vector<1xf32>
    %broadcast_in_dim3A_691 = vector.broadcast %squeeze3A_690 : f32 to vector<16xf32>
    %swap3A_692 = arith.constant 896 : index
    %swap3A_693 = tpu.vector_load %arg8[%swap3A_692] {strides = array<i32>} : memref<2816xf32, #tpu.memory_space<vmem>>, vector<16xf32>,
    tpu.vector_store %arg8[%swap3A_692], %broadcast_in_dim3A_691 {strides = array<i32>} : memref<2816xf32, #tpu.memory_space<vmem>>, vector<16xf32>,
    %slice3A_694 = vector.extract_strided_slice %mul3A_282 {offsets = [9], sizes = [1], strides = [1]} : vector<16xf32> to vector<1xf32>
    %squeeze3A_695 = vector.extract %slice3A_694[0] : f32 from vector<1xf32>
    %broadcast_in_dim3A_696 = vector.broadcast %squeeze3A_695 : f32 to vector<16xf32>
    %swap3A_697 = arith.constant 912 : index
    %swap3A_698 = tpu.vector_load %arg8[%swap3A_697] {strides = array<i32>} : memref<2816xf32, #tpu.memory_space<vmem>>, vector<16xf32>,
    tpu.vector_store %arg8[%swap3A_697], %broadcast_in_dim3A_696 {strides = array<i32>} : memref<2816xf32, #tpu.memory_space<vmem>>, vector<16xf32>,
    %slice3A_699 = vector.extract_strided_slice %mul3A_282 {offsets = [10], sizes = [1], strides = [1]} : vector<16xf32> to vector<1xf32>
    %squeeze3A_700 = vector.extract %slice3A_699[0] : f32 from vector<1xf32>
    %broadcast_in_dim3A_701 = vector.broadcast %squeeze3A_700 : f32 to vector<16xf32>
    %swap3A_702 = arith.constant 928 : index
    %swap3A_703 = tpu.vector_load %arg8[%swap3A_702] {strides = array<i32>} : memref<2816xf32, #tpu.memory_space<vmem>>, vector<16xf32>,
    tpu.vector_store %arg8[%swap3A_702], %broadcast_in_dim3A_701 {strides = array<i32>} : memref<2816xf32, #tpu.memory_space<vmem>>, vector<16xf32>,
    %slice3A_704 = vector.extract_strided_slice %mul3A_282 {offsets = [11], sizes = [1], strides = [1]} : vector<16xf32> to vector<1xf32>
    %squeeze3A_705 = vector.extract %slice3A_704[0] : f32 from vector<1xf32>
    %broadcast_in_dim3A_706 = vector.broadcast %squeeze3A_705 : f32 to vector<16xf32>
    %swap3A_707 = arith.constant 944 : index
    %swap3A_708 = tpu.vector_load %arg8[%swap3A_707] {strides = array<i32>} : memref<2816xf32, #tpu.memory_space<vmem>>, vector<16xf32>,
    tpu.vector_store %arg8[%swap3A_707], %broadcast_in_dim3A_706 {strides = array<i32>} : memref<2816xf32, #tpu.memory_space<vmem>>, vector<16xf32>,
    %slice3A_709 = vector.extract_strided_slice %mul3A_282 {offsets = [12], sizes = [1], strides = [1]} : vector<16xf32> to vector<1xf32>
    %squeeze3A_710 = vector.extract %slice3A_709[0] : f32 from vector<1xf32>
    %broadcast_in_dim3A_711 = vector.broadcast %squeeze3A_710 : f32 to vector<16xf32>
    %swap3A_712 = arith.constant 960 : index
    %swap3A_713 = tpu.vector_load %arg8[%swap3A_712] {strides = array<i32>} : memref<2816xf32, #tpu.memory_space<vmem>>, vector<16xf32>,
    tpu.vector_store %arg8[%swap3A_712], %broadcast_in_dim3A_711 {strides = array<i32>} : memref<2816xf32, #tpu.memory_space<vmem>>, vector<16xf32>,
    %slice3A_714 = vector.extract_strided_slice %mul3A_282 {offsets = [13], sizes = [1], strides = [1]} : vector<16xf32> to vector<1xf32>
    %squeeze3A_715 = vector.extract %slice3A_714[0] : f32 from vector<1xf32>
    %broadcast_in_dim3A_716 = vector.broadcast %squeeze3A_715 : f32 to vector<16xf32>
    %swap3A_717 = arith.constant 976 : index
    %swap3A_718 = tpu.vector_load %arg8[%swap3A_717] {strides = array<i32>} : memref<2816xf32, #tpu.memory_space<vmem>>, vector<16xf32>,
    tpu.vector_store %arg8[%swap3A_717], %broadcast_in_dim3A_716 {strides = array<i32>} : memref<2816xf32, #tpu.memory_space<vmem>>, vector<16xf32>,
    %slice3A_719 = vector.extract_strided_slice %mul3A_282 {offsets = [14], sizes = [1], strides = [1]} : vector<16xf32> to vector<1xf32>
    %squeeze3A_720 = vector.extract %slice3A_719[0] : f32 from vector<1xf32>
    %broadcast_in_dim3A_721 = vector.broadcast %squeeze3A_720 : f32 to vector<16xf32>
    %swap3A_722 = arith.constant 992 : index
    %swap3A_723 = tpu.vector_load %arg8[%swap3A_722] {strides = array<i32>} : memref<2816xf32, #tpu.memory_space<vmem>>, vector<16xf32>,
    tpu.vector_store %arg8[%swap3A_722], %broadcast_in_dim3A_721 {strides = array<i32>} : memref<2816xf32, #tpu.memory_space<vmem>>, vector<16xf32>,
    %slice3A_724 = vector.extract_strided_slice %mul3A_282 {offsets = [15], sizes = [1], strides = [1]} : vector<16xf32> to vector<1xf32>
    %squeeze3A_725 = vector.extract %slice3A_724[0] : f32 from vector<1xf32>
    %broadcast_in_dim3A_726 = vector.broadcast %squeeze3A_725 : f32 to vector<16xf32>
    %swap3A_727 = arith.constant 1008 : index
    %swap3A_728 = tpu.vector_load %arg8[%swap3A_727] {strides = array<i32>} : memref<2816xf32, #tpu.memory_space<vmem>>, vector<16xf32>,
    tpu.vector_store %arg8[%swap3A_727], %broadcast_in_dim3A_726 {strides = array<i32>} : memref<2816xf32, #tpu.memory_space<vmem>>, vector<16xf32>,
    %slice3A_729 = vector.extract_strided_slice %add3A_308 {offsets = [0], sizes = [1], strides = [1]} : vector<16xf32> to vector<1xf32>
    %squeeze3A_730 = vector.extract %slice3A_729[0] : f32 from vector<1xf32>
    %broadcast_in_dim3A_731 = vector.broadcast %squeeze3A_730 : f32 to vector<16xf32>
    %swap3A_732 = arith.constant 1024 : index
    %swap3A_733 = tpu.vector_load %arg8[%swap3A_732] {strides = array<i32>} : memref<2816xf32, #tpu.memory_space<vmem>>, vector<16xf32>,
    tpu.vector_store %arg8[%swap3A_732], %broadcast_in_dim3A_731 {strides = array<i32>} : memref<2816xf32, #tpu.memory_space<vmem>>, vector<16xf32>,
    %slice3A_734 = vector.extract_strided_slice %add3A_308 {offsets = [1], sizes = [1], strides = [1]} : vector<16xf32> to vector<1xf32>
    %squeeze3A_735 = vector.extract %slice3A_734[0] : f32 from vector<1xf32>
    %broadcast_in_dim3A_736 = vector.broadcast %squeeze3A_735 : f32 to vector<16xf32>
    %swap3A_737 = arith.constant 1040 : index
    %swap3A_738 = tpu.vector_load %arg8[%swap3A_737] {strides = array<i32>} : memref<2816xf32, #tpu.memory_space<vmem>>, vector<16xf32>,
    tpu.vector_store %arg8[%swap3A_737], %broadcast_in_dim3A_736 {strides = array<i32>} : memref<2816xf32, #tpu.memory_space<vmem>>, vector<16xf32>,
    %slice3A_739 = vector.extract_strided_slice %add3A_308 {offsets = [2], sizes = [1], strides = [1]} : vector<16xf32> to vector<1xf32>
    %squeeze3A_740 = vector.extract %slice3A_739[0] : f32 from vector<1xf32>
    %broadcast_in_dim3A_741 = vector.broadcast %squeeze3A_740 : f32 to vector<16xf32>
    %swap3A_742 = arith.constant 1056 : index
    %swap3A_743 = tpu.vector_load %arg8[%swap3A_742] {strides = array<i32>} : memref<2816xf32, #tpu.memory_space<vmem>>, vector<16xf32>,
    tpu.vector_store %arg8[%swap3A_742], %broadcast_in_dim3A_741 {strides = array<i32>} : memref<2816xf32, #tpu.memory_space<vmem>>, vector<16xf32>,
    %slice3A_744 = vector.extract_strided_slice %add3A_308 {offsets = [3], sizes = [1], strides = [1]} : vector<16xf32> to vector<1xf32>
    %squeeze3A_745 = vector.extract %slice3A_744[0] : f32 from vector<1xf32>
    %broadcast_in_dim3A_746 = vector.broadcast %squeeze3A_745 : f32 to vector<16xf32>
    %swap3A_747 = arith.constant 1072 : index
    %swap3A_748 = tpu.vector_load %arg8[%swap3A_747] {strides = array<i32>} : memref<2816xf32, #tpu.memory_space<vmem>>, vector<16xf32>,
    tpu.vector_store %arg8[%swap3A_747], %broadcast_in_dim3A_746 {strides = array<i32>} : memref<2816xf32, #tpu.memory_space<vmem>>, vector<16xf32>,
    %slice3A_749 = vector.extract_strided_slice %add3A_308 {offsets = [4], sizes = [1], strides = [1]} : vector<16xf32> to vector<1xf32>
    %squeeze3A_750 = vector.extract %slice3A_749[0] : f32 from vector<1xf32>
    %broadcast_in_dim3A_751 = vector.broadcast %squeeze3A_750 : f32 to vector<16xf32>
    %swap3A_752 = arith.constant 1088 : index
    %swap3A_753 = tpu.vector_load %arg8[%swap3A_752] {strides = array<i32>} : memref<2816xf32, #tpu.memory_space<vmem>>, vector<16xf32>,
    tpu.vector_store %arg8[%swap3A_752], %broadcast_in_dim3A_751 {strides = array<i32>} : memref<2816xf32, #tpu.memory_space<vmem>>, vector<16xf32>,
    %slice3A_754 = vector.extract_strided_slice %add3A_308 {offsets = [5], sizes = [1], strides = [1]} : vector<16xf32> to vector<1xf32>
    %squeeze3A_755 = vector.extract %slice3A_754[0] : f32 from vector<1xf32>
    %broadcast_in_dim3A_756 = vector.broadcast %squeeze3A_755 : f32 to vector<16xf32>
    %swap3A_757 = arith.constant 1104 : index
    %swap3A_758 = tpu.vector_load %arg8[%swap3A_757] {strides = array<i32>} : memref<2816xf32, #tpu.memory_space<vmem>>, vector<16xf32>,
    tpu.vector_store %arg8[%swap3A_757], %broadcast_in_dim3A_756 {strides = array<i32>} : memref<2816xf32, #tpu.memory_space<vmem>>, vector<16xf32>,
    %slice3A_759 = vector.extract_strided_slice %add3A_308 {offsets = [6], sizes = [1], strides = [1]} : vector<16xf32> to vector<1xf32>
    %squeeze3A_760 = vector.extract %slice3A_759[0] : f32 from vector<1xf32>
    %broadcast_in_dim3A_761 = vector.broadcast %squeeze3A_760 : f32 to vector<16xf32>
    %swap3A_762 = arith.constant 1120 : index
    %swap3A_763 = tpu.vector_load %arg8[%swap3A_762] {strides = array<i32>} : memref<2816xf32, #tpu.memory_space<vmem>>, vector<16xf32>,
    tpu.vector_store %arg8[%swap3A_762], %broadcast_in_dim3A_761 {strides = array<i32>} : memref<2816xf32, #tpu.memory_space<vmem>>, vector<16xf32>,
    %slice3A_764 = vector.extract_strided_slice %add3A_308 {offsets = [7], sizes = [1], strides = [1]} : vector<16xf32> to vector<1xf32>
    %squeeze3A_765 = vector.extract %slice3A_764[0] : f32 from vector<1xf32>
    %broadcast_in_dim3A_766 = vector.broadcast %squeeze3A_765 : f32 to vector<16xf32>
    %swap3A_767 = arith.constant 1136 : index
    %swap3A_768 = tpu.vector_load %arg8[%swap3A_767] {strides = array<i32>} : memref<2816xf32, #tpu.memory_space<vmem>>, vector<16xf32>,
    tpu.vector_store %arg8[%swap3A_767], %broadcast_in_dim3A_766 {strides = array<i32>} : memref<2816xf32, #tpu.memory_space<vmem>>, vector<16xf32>,
    %slice3A_769 = vector.extract_strided_slice %add3A_308 {offsets = [8], sizes = [1], strides = [1]} : vector<16xf32> to vector<1xf32>
    %squeeze3A_770 = vector.extract %slice3A_769[0] : f32 from vector<1xf32>
    %broadcast_in_dim3A_771 = vector.broadcast %squeeze3A_770 : f32 to vector<16xf32>
    %swap3A_772 = arith.constant 1152 : index
    %swap3A_773 = tpu.vector_load %arg8[%swap3A_772] {strides = array<i32>} : memref<2816xf32, #tpu.memory_space<vmem>>, vector<16xf32>,
    tpu.vector_store %arg8[%swap3A_772], %broadcast_in_dim3A_771 {strides = array<i32>} : memref<2816xf32, #tpu.memory_space<vmem>>, vector<16xf32>,
    %slice3A_774 = vector.extract_strided_slice %add3A_308 {offsets = [9], sizes = [1], strides = [1]} : vector<16xf32> to vector<1xf32>
    %squeeze3A_775 = vector.extract %slice3A_774[0] : f32 from vector<1xf32>
    %broadcast_in_dim3A_776 = vector.broadcast %squeeze3A_775 : f32 to vector<16xf32>
    %swap3A_777 = arith.constant 1168 : index
    %swap3A_778 = tpu.vector_load %arg8[%swap3A_777] {strides = array<i32>} : memref<2816xf32, #tpu.memory_space<vmem>>, vector<16xf32>,
    tpu.vector_store %arg8[%swap3A_777], %broadcast_in_dim3A_776 {strides = array<i32>} : memref<2816xf32, #tpu.memory_space<vmem>>, vector<16xf32>,
    %slice3A_779 = vector.extract_strided_slice %add3A_308 {offsets = [10], sizes = [1], strides = [1]} : vector<16xf32> to vector<1xf32>
    %squeeze3A_780 = vector.extract %slice3A_779[0] : f32 from vector<1xf32>
    %broadcast_in_dim3A_781 = vector.broadcast %squeeze3A_780 : f32 to vector<16xf32>
    %swap3A_782 = arith.constant 1184 : index
    %swap3A_783 = tpu.vector_load %arg8[%swap3A_782] {strides = array<i32>} : memref<2816xf32, #tpu.memory_space<vmem>>, vector<16xf32>,
    tpu.vector_store %arg8[%swap3A_782], %broadcast_in_dim3A_781 {strides = array<i32>} : memref<2816xf32, #tpu.memory_space<vmem>>, vector<16xf32>,
    %slice3A_784 = vector.extract_strided_slice %add3A_308 {offsets = [11], sizes = [1], strides = [1]} : vector<16xf32> to vector<1xf32>
    %squeeze3A_785 = vector.extract %slice3A_784[0] : f32 from vector<1xf32>
    %broadcast_in_dim3A_786 = vector.broadcast %squeeze3A_785 : f32 to vector<16xf32>
    %swap3A_787 = arith.constant 1200 : index
    %swap3A_788 = tpu.vector_load %arg8[%swap3A_787] {strides = array<i32>} : memref<2816xf32, #tpu.memory_space<vmem>>, vector<16xf32>,
    tpu.vector_store %arg8[%swap3A_787], %broadcast_in_dim3A_786 {strides = array<i32>} : memref<2816xf32, #tpu.memory_space<vmem>>, vector<16xf32>,
    %slice3A_789 = vector.extract_strided_slice %add3A_308 {offsets = [12], sizes = [1], strides = [1]} : vector<16xf32> to vector<1xf32>
    %squeeze3A_790 = vector.extract %slice3A_789[0] : f32 from vector<1xf32>
    %broadcast_in_dim3A_791 = vector.broadcast %squeeze3A_790 : f32 to vector<16xf32>
    %swap3A_792 = arith.constant 1216 : index
    %swap3A_793 = tpu.vector_load %arg8[%swap3A_792] {strides = array<i32>} : memref<2816xf32, #tpu.memory_space<vmem>>, vector<16xf32>,
    tpu.vector_store %arg8[%swap3A_792], %broadcast_in_dim3A_791 {strides = array<i32>} : memref<2816xf32, #tpu.memory_space<vmem>>, vector<16xf32>,
    %slice3A_794 = vector.extract_strided_slice %add3A_308 {offsets = [13], sizes = [1], strides = [1]} : vector<16xf32> to vector<1xf32>
    %squeeze3A_795 = vector.extract %slice3A_794[0] : f32 from vector<1xf32>
    %broadcast_in_dim3A_796 = vector.broadcast %squeeze3A_795 : f32 to vector<16xf32>
    %swap3A_797 = arith.constant 1232 : index
    %swap3A_798 = tpu.vector_load %arg8[%swap3A_797] {strides = array<i32>} : memref<2816xf32, #tpu.memory_space<vmem>>, vector<16xf32>,
    tpu.vector_store %arg8[%swap3A_797], %broadcast_in_dim3A_796 {strides = array<i32>} : memref<2816xf32, #tpu.memory_space<vmem>>, vector<16xf32>,
    %slice3A_799 = vector.extract_strided_slice %add3A_308 {offsets = [14], sizes = [1], strides = [1]} : vector<16xf32> to vector<1xf32>
    %squeeze3A_800 = vector.extract %slice3A_799[0] : f32 from vector<1xf32>
    %broadcast_in_dim3A_801 = vector.broadcast %squeeze3A_800 : f32 to vector<16xf32>
    %swap3A_802 = arith.constant 1248 : index
    %swap3A_803 = tpu.vector_load %arg8[%swap3A_802] {strides = array<i32>} : memref<2816xf32, #tpu.memory_space<vmem>>, vector<16xf32>,
    tpu.vector_store %arg8[%swap3A_802], %broadcast_in_dim3A_801 {strides = array<i32>} : memref<2816xf32, #tpu.memory_space<vmem>>, vector<16xf32>,
    %slice3A_804 = vector.extract_strided_slice %add3A_308 {offsets = [15], sizes = [1], strides = [1]} : vector<16xf32> to vector<1xf32>
    %squeeze3A_805 = vector.extract %slice3A_804[0] : f32 from vector<1xf32>
    %broadcast_in_dim3A_806 = vector.broadcast %squeeze3A_805 : f32 to vector<16xf32>
    %swap3A_807 = arith.constant 1264 : index
    %swap3A_808 = tpu.vector_load %arg8[%swap3A_807] {strides = array<i32>} : memref<2816xf32, #tpu.memory_space<vmem>>, vector<16xf32>,
    tpu.vector_store %arg8[%swap3A_807], %broadcast_in_dim3A_806 {strides = array<i32>} : memref<2816xf32, #tpu.memory_space<vmem>>, vector<16xf32>,
    %slice3A_809 = vector.extract_strided_slice %add3A_378 {offsets = [0], sizes = [1], strides = [1]} : vector<16xf32> to vector<1xf32>
    %squeeze3A_810 = vector.extract %slice3A_809[0] : f32 from vector<1xf32>
    %broadcast_in_dim3A_811 = vector.broadcast %squeeze3A_810 : f32 to vector<16xf32>
    %swap3A_812 = arith.constant 1280 : index
    %swap3A_813 = tpu.vector_load %arg8[%swap3A_812] {strides = array<i32>} : memref<2816xf32, #tpu.memory_space<vmem>>, vector<16xf32>,
    tpu.vector_store %arg8[%swap3A_812], %broadcast_in_dim3A_811 {strides = array<i32>} : memref<2816xf32, #tpu.memory_space<vmem>>, vector<16xf32>,
    %slice3A_814 = vector.extract_strided_slice %add3A_378 {offsets = [1], sizes = [1], strides = [1]} : vector<16xf32> to vector<1xf32>
    %squeeze3A_815 = vector.extract %slice3A_814[0] : f32 from vector<1xf32>
    %broadcast_in_dim3A_816 = vector.broadcast %squeeze3A_815 : f32 to vector<16xf32>
    %swap3A_817 = arith.constant 1296 : index
    %swap3A_818 = tpu.vector_load %arg8[%swap3A_817] {strides = array<i32>} : memref<2816xf32, #tpu.memory_space<vmem>>, vector<16xf32>,
    tpu.vector_store %arg8[%swap3A_817], %broadcast_in_dim3A_816 {strides = array<i32>} : memref<2816xf32, #tpu.memory_space<vmem>>, vector<16xf32>,
    %slice3A_819 = vector.extract_strided_slice %add3A_378 {offsets = [2], sizes = [1], strides = [1]} : vector<16xf32> to vector<1xf32>
    %squeeze3A_820 = vector.extract %slice3A_819[0] : f32 from vector<1xf32>
    %broadcast_in_dim3A_821 = vector.broadcast %squeeze3A_820 : f32 to vector<16xf32>
    %swap3A_822 = arith.constant 1312 : index
    %swap3A_823 = tpu.vector_load %arg8[%swap3A_822] {strides = array<i32>} : memref<2816xf32, #tpu.memory_space<vmem>>, vector<16xf32>,
    tpu.vector_store %arg8[%swap3A_822], %broadcast_in_dim3A_821 {strides = array<i32>} : memref<2816xf32, #tpu.memory_space<vmem>>, vector<16xf32>,
    %slice3A_824 = vector.extract_strided_slice %add3A_378 {offsets = [3], sizes = [1], strides = [1]} : vector<16xf32> to vector<1xf32>
    %squeeze3A_825 = vector.extract %slice3A_824[0] : f32 from vector<1xf32>
    %broadcast_in_dim3A_826 = vector.broadcast %squeeze3A_825 : f32 to vector<16xf32>
    %swap3A_827 = arith.constant 1328 : index
    %swap3A_828 = tpu.vector_load %arg8[%swap3A_827] {strides = array<i32>} : memref<2816xf32, #tpu.memory_space<vmem>>, vector<16xf32>,
    tpu.vector_store %arg8[%swap3A_827], %broadcast_in_dim3A_826 {strides = array<i32>} : memref<2816xf32, #tpu.memory_space<vmem>>, vector<16xf32>,
    %slice3A_829 = vector.extract_strided_slice %add3A_378 {offsets = [4], sizes = [1], strides = [1]} : vector<16xf32> to vector<1xf32>
    %squeeze3A_830 = vector.extract %slice3A_829[0] : f32 from vector<1xf32>
    %broadcast_in_dim3A_831 = vector.broadcast %squeeze3A_830 : f32 to vector<16xf32>
    %swap3A_832 = arith.constant 1344 : index
    %swap3A_833 = tpu.vector_load %arg8[%swap3A_832] {strides = array<i32>} : memref<2816xf32, #tpu.memory_space<vmem>>, vector<16xf32>,
    tpu.vector_store %arg8[%swap3A_832], %broadcast_in_dim3A_831 {strides = array<i32>} : memref<2816xf32, #tpu.memory_space<vmem>>, vector<16xf32>,
    %slice3A_834 = vector.extract_strided_slice %add3A_378 {offsets = [5], sizes = [1], strides = [1]} : vector<16xf32> to vector<1xf32>
    %squeeze3A_835 = vector.extract %slice3A_834[0] : f32 from vector<1xf32>
    %broadcast_in_dim3A_836 = vector.broadcast %squeeze3A_835 : f32 to vector<16xf32>
    %swap3A_837 = arith.constant 1360 : index
    %swap3A_838 = tpu.vector_load %arg8[%swap3A_837] {strides = array<i32>} : memref<2816xf32, #tpu.memory_space<vmem>>, vector<16xf32>,
    tpu.vector_store %arg8[%swap3A_837], %broadcast_in_dim3A_836 {strides = array<i32>} : memref<2816xf32, #tpu.memory_space<vmem>>, vector<16xf32>,
    %slice3A_839 = vector.extract_strided_slice %add3A_378 {offsets = [6], sizes = [1], strides = [1]} : vector<16xf32> to vector<1xf32>
    %squeeze3A_840 = vector.extract %slice3A_839[0] : f32 from vector<1xf32>
    %broadcast_in_dim3A_841 = vector.broadcast %squeeze3A_840 : f32 to vector<16xf32>
    %swap3A_842 = arith.constant 1376 : index
    %swap3A_843 = tpu.vector_load %arg8[%swap3A_842] {strides = array<i32>} : memref<2816xf32, #tpu.memory_space<vmem>>, vector<16xf32>,
    tpu.vector_store %arg8[%swap3A_842], %broadcast_in_dim3A_841 {strides = array<i32>} : memref<2816xf32, #tpu.memory_space<vmem>>, vector<16xf32>,
    %slice3A_844 = vector.extract_strided_slice %add3A_378 {offsets = [7], sizes = [1], strides = [1]} : vector<16xf32> to vector<1xf32>
    %squeeze3A_845 = vector.extract %slice3A_844[0] : f32 from vector<1xf32>
    %broadcast_in_dim3A_846 = vector.broadcast %squeeze3A_845 : f32 to vector<16xf32>
    %swap3A_847 = arith.constant 1392 : index
    %swap3A_848 = tpu.vector_load %arg8[%swap3A_847] {strides = array<i32>} : memref<2816xf32, #tpu.memory_space<vmem>>, vector<16xf32>,
    tpu.vector_store %arg8[%swap3A_847], %broadcast_in_dim3A_846 {strides = array<i32>} : memref<2816xf32, #tpu.memory_space<vmem>>, vector<16xf32>,
    %slice3A_849 = vector.extract_strided_slice %add3A_378 {offsets = [8], sizes = [1], strides = [1]} : vector<16xf32> to vector<1xf32>
    %squeeze3A_850 = vector.extract %slice3A_849[0] : f32 from vector<1xf32>
    %broadcast_in_dim3A_851 = vector.broadcast %squeeze3A_850 : f32 to vector<16xf32>
    %swap3A_852 = arith.constant 1408 : index
    %swap3A_853 = tpu.vector_load %arg8[%swap3A_852] {strides = array<i32>} : memref<2816xf32, #tpu.memory_space<vmem>>, vector<16xf32>,
    tpu.vector_store %arg8[%swap3A_852], %broadcast_in_dim3A_851 {strides = array<i32>} : memref<2816xf32, #tpu.memory_space<vmem>>, vector<16xf32>,
    %slice3A_854 = vector.extract_strided_slice %add3A_378 {offsets = [9], sizes = [1], strides = [1]} : vector<16xf32> to vector<1xf32>
    %squeeze3A_855 = vector.extract %slice3A_854[0] : f32 from vector<1xf32>
    %broadcast_in_dim3A_856 = vector.broadcast %squeeze3A_855 : f32 to vector<16xf32>
    %swap3A_857 = arith.constant 1424 : index
    %swap3A_858 = tpu.vector_load %arg8[%swap3A_857] {strides = array<i32>} : memref<2816xf32, #tpu.memory_space<vmem>>, vector<16xf32>,
    tpu.vector_store %arg8[%swap3A_857], %broadcast_in_dim3A_856 {strides = array<i32>} : memref<2816xf32, #tpu.memory_space<vmem>>, vector<16xf32>,
    %slice3A_859 = vector.extract_strided_slice %add3A_378 {offsets = [10], sizes = [1], strides = [1]} : vector<16xf32> to vector<1xf32>
    %squeeze3A_860 = vector.extract %slice3A_859[0] : f32 from vector<1xf32>
    %broadcast_in_dim3A_861 = vector.broadcast %squeeze3A_860 : f32 to vector<16xf32>
    %swap3A_862 = arith.constant 1440 : index
    %swap3A_863 = tpu.vector_load %arg8[%swap3A_862] {strides = array<i32>} : memref<2816xf32, #tpu.memory_space<vmem>>, vector<16xf32>,
    tpu.vector_store %arg8[%swap3A_862], %broadcast_in_dim3A_861 {strides = array<i32>} : memref<2816xf32, #tpu.memory_space<vmem>>, vector<16xf32>,
    %slice3A_864 = vector.extract_strided_slice %add3A_378 {offsets = [11], sizes = [1], strides = [1]} : vector<16xf32> to vector<1xf32>
    %squeeze3A_865 = vector.extract %slice3A_864[0] : f32 from vector<1xf32>
    %broadcast_in_dim3A_866 = vector.broadcast %squeeze3A_865 : f32 to vector<16xf32>
    %swap3A_867 = arith.constant 1456 : index
    %swap3A_868 = tpu.vector_load %arg8[%swap3A_867] {strides = array<i32>} : memref<2816xf32, #tpu.memory_space<vmem>>, vector<16xf32>,
    tpu.vector_store %arg8[%swap3A_867], %broadcast_in_dim3A_866 {strides = array<i32>} : memref<2816xf32, #tpu.memory_space<vmem>>, vector<16xf32>,
    %slice3A_869 = vector.extract_strided_slice %add3A_378 {offsets = [12], sizes = [1], strides = [1]} : vector<16xf32> to vector<1xf32>
    %squeeze3A_870 = vector.extract %slice3A_869[0] : f32 from vector<1xf32>
    %broadcast_in_dim3A_871 = vector.broadcast %squeeze3A_870 : f32 to vector<16xf32>
    %swap3A_872 = arith.constant 1472 : index
    %swap3A_873 = tpu.vector_load %arg8[%swap3A_872] {strides = array<i32>} : memref<2816xf32, #tpu.memory_space<vmem>>, vector<16xf32>,
    tpu.vector_store %arg8[%swap3A_872], %broadcast_in_dim3A_871 {strides = array<i32>} : memref<2816xf32, #tpu.memory_space<vmem>>, vector<16xf32>,
    %slice3A_874 = vector.extract_strided_slice %add3A_378 {offsets = [13], sizes = [1], strides = [1]} : vector<16xf32> to vector<1xf32>
    %squeeze3A_875 = vector.extract %slice3A_874[0] : f32 from vector<1xf32>
    %broadcast_in_dim3A_876 = vector.broadcast %squeeze3A_875 : f32 to vector<16xf32>
    %swap3A_877 = arith.constant 1488 : index
    %swap3A_878 = tpu.vector_load %arg8[%swap3A_877] {strides = array<i32>} : memref<2816xf32, #tpu.memory_space<vmem>>, vector<16xf32>,
    tpu.vector_store %arg8[%swap3A_877], %broadcast_in_dim3A_876 {strides = array<i32>} : memref<2816xf32, #tpu.memory_space<vmem>>, vector<16xf32>,
    %slice3A_879 = vector.extract_strided_slice %add3A_378 {offsets = [14], sizes = [1], strides = [1]} : vector<16xf32> to vector<1xf32>
    %squeeze3A_880 = vector.extract %slice3A_879[0] : f32 from vector<1xf32>
    %broadcast_in_dim3A_881 = vector.broadcast %squeeze3A_880 : f32 to vector<16xf32>
    %swap3A_882 = arith.constant 1504 : index
    %swap3A_883 = tpu.vector_load %arg8[%swap3A_882] {strides = array<i32>} : memref<2816xf32, #tpu.memory_space<vmem>>, vector<16xf32>,
    tpu.vector_store %arg8[%swap3A_882], %broadcast_in_dim3A_881 {strides = array<i32>} : memref<2816xf32, #tpu.memory_space<vmem>>, vector<16xf32>,
    %slice3A_884 = vector.extract_strided_slice %add3A_378 {offsets = [15], sizes = [1], strides = [1]} : vector<16xf32> to vector<1xf32>
    %squeeze3A_885 = vector.extract %slice3A_884[0] : f32 from vector<1xf32>
    %broadcast_in_dim3A_886 = vector.broadcast %squeeze3A_885 : f32 to vector<16xf32>
    %swap3A_887 = arith.constant 1520 : index
    %swap3A_888 = tpu.vector_load %arg8[%swap3A_887] {strides = array<i32>} : memref<2816xf32, #tpu.memory_space<vmem>>, vector<16xf32>,
    tpu.vector_store %arg8[%swap3A_887], %broadcast_in_dim3A_886 {strides = array<i32>} : memref<2816xf32, #tpu.memory_space<vmem>>, vector<16xf32>,
    %slice3A_889 = vector.extract_strided_slice %add3A_384 {offsets = [0], sizes = [1], strides = [1]} : vector<16xf32> to vector<1xf32>
    %squeeze3A_890 = vector.extract %slice3A_889[0] : f32 from vector<1xf32>
    %broadcast_in_dim3A_891 = vector.broadcast %squeeze3A_890 : f32 to vector<16xf32>
    %swap3A_892 = arith.constant 1536 : index
    %swap3A_893 = tpu.vector_load %arg8[%swap3A_892] {strides = array<i32>} : memref<2816xf32, #tpu.memory_space<vmem>>, vector<16xf32>,
    tpu.vector_store %arg8[%swap3A_892], %broadcast_in_dim3A_891 {strides = array<i32>} : memref<2816xf32, #tpu.memory_space<vmem>>, vector<16xf32>,
    %slice3A_894 = vector.extract_strided_slice %add3A_384 {offsets = [1], sizes = [1], strides = [1]} : vector<16xf32> to vector<1xf32>
    %squeeze3A_895 = vector.extract %slice3A_894[0] : f32 from vector<1xf32>
    %broadcast_in_dim3A_896 = vector.broadcast %squeeze3A_895 : f32 to vector<16xf32>
    %swap3A_897 = arith.constant 1552 : index
    %swap3A_898 = tpu.vector_load %arg8[%swap3A_897] {strides = array<i32>} : memref<2816xf32, #tpu.memory_space<vmem>>, vector<16xf32>,
    tpu.vector_store %arg8[%swap3A_897], %broadcast_in_dim3A_896 {strides = array<i32>} : memref<2816xf32, #tpu.memory_space<vmem>>, vector<16xf32>,
    %slice3A_899 = vector.extract_strided_slice %add3A_384 {offsets = [2], sizes = [1], strides = [1]} : vector<16xf32> to vector<1xf32>
    %squeeze3A_900 = vector.extract %slice3A_899[0] : f32 from vector<1xf32>
    %broadcast_in_dim3A_901 = vector.broadcast %squeeze3A_900 : f32 to vector<16xf32>
    %swap3A_902 = arith.constant 1568 : index
    %swap3A_903 = tpu.vector_load %arg8[%swap3A_902] {strides = array<i32>} : memref<2816xf32, #tpu.memory_space<vmem>>, vector<16xf32>,
    tpu.vector_store %arg8[%swap3A_902], %broadcast_in_dim3A_901 {strides = array<i32>} : memref<2816xf32, #tpu.memory_space<vmem>>, vector<16xf32>,
    %slice3A_904 = vector.extract_strided_slice %add3A_384 {offsets = [3], sizes = [1], strides = [1]} : vector<16xf32> to vector<1xf32>
    %squeeze3A_905 = vector.extract %slice3A_904[0] : f32 from vector<1xf32>
    %broadcast_in_dim3A_906 = vector.broadcast %squeeze3A_905 : f32 to vector<16xf32>
    %swap3A_907 = arith.constant 1584 : index
    %swap3A_908 = tpu.vector_load %arg8[%swap3A_907] {strides = array<i32>} : memref<2816xf32, #tpu.memory_space<vmem>>, vector<16xf32>,
    tpu.vector_store %arg8[%swap3A_907], %broadcast_in_dim3A_906 {strides = array<i32>} : memref<2816xf32, #tpu.memory_space<vmem>>, vector<16xf32>,
    %slice3A_909 = vector.extract_strided_slice %add3A_384 {offsets = [4], sizes = [1], strides = [1]} : vector<16xf32> to vector<1xf32>
    %squeeze3A_910 = vector.extract %slice3A_909[0] : f32 from vector<1xf32>
    %broadcast_in_dim3A_911 = vector.broadcast %squeeze3A_910 : f32 to vector<16xf32>
    %swap3A_912 = arith.constant 1600 : index
    %swap3A_913 = tpu.vector_load %arg8[%swap3A_912] {strides = array<i32>} : memref<2816xf32, #tpu.memory_space<vmem>>, vector<16xf32>,
    tpu.vector_store %arg8[%swap3A_912], %broadcast_in_dim3A_911 {strides = array<i32>} : memref<2816xf32, #tpu.memory_space<vmem>>, vector<16xf32>,
    %slice3A_914 = vector.extract_strided_slice %add3A_384 {offsets = [5], sizes = [1], strides = [1]} : vector<16xf32> to vector<1xf32>
    %squeeze3A_915 = vector.extract %slice3A_914[0] : f32 from vector<1xf32>
    %broadcast_in_dim3A_916 = vector.broadcast %squeeze3A_915 : f32 to vector<16xf32>
    %swap3A_917 = arith.constant 1616 : index
    %swap3A_918 = tpu.vector_load %arg8[%swap3A_917] {strides = array<i32>} : memref<2816xf32, #tpu.memory_space<vmem>>, vector<16xf32>,
    tpu.vector_store %arg8[%swap3A_917], %broadcast_in_dim3A_916 {strides = array<i32>} : memref<2816xf32, #tpu.memory_space<vmem>>, vector<16xf32>,
    %slice3A_919 = vector.extract_strided_slice %add3A_384 {offsets = [6], sizes = [1], strides = [1]} : vector<16xf32> to vector<1xf32>
    %squeeze3A_920 = vector.extract %slice3A_919[0] : f32 from vector<1xf32>
    %broadcast_in_dim3A_921 = vector.broadcast %squeeze3A_920 : f32 to vector<16xf32>
    %swap3A_922 = arith.constant 1632 : index
    %swap3A_923 = tpu.vector_load %arg8[%swap3A_922] {strides = array<i32>} : memref<2816xf32, #tpu.memory_space<vmem>>, vector<16xf32>,
    tpu.vector_store %arg8[%swap3A_922], %broadcast_in_dim3A_921 {strides = array<i32>} : memref<2816xf32, #tpu.memory_space<vmem>>, vector<16xf32>,
    %slice3A_924 = vector.extract_strided_slice %add3A_384 {offsets = [7], sizes = [1], strides = [1]} : vector<16xf32> to vector<1xf32>
    %squeeze3A_925 = vector.extract %slice3A_924[0] : f32 from vector<1xf32>
    %broadcast_in_dim3A_926 = vector.broadcast %squeeze3A_925 : f32 to vector<16xf32>
    %swap3A_927 = arith.constant 1648 : index
    %swap3A_928 = tpu.vector_load %arg8[%swap3A_927] {strides = array<i32>} : memref<2816xf32, #tpu.memory_space<vmem>>, vector<16xf32>,
    tpu.vector_store %arg8[%swap3A_927], %broadcast_in_dim3A_926 {strides = array<i32>} : memref<2816xf32, #tpu.memory_space<vmem>>, vector<16xf32>,
    %slice3A_929 = vector.extract_strided_slice %add3A_384 {offsets = [8], sizes = [1], strides = [1]} : vector<16xf32> to vector<1xf32>
    %squeeze3A_930 = vector.extract %slice3A_929[0] : f32 from vector<1xf32>
    %broadcast_in_dim3A_931 = vector.broadcast %squeeze3A_930 : f32 to vector<16xf32>
    %swap3A_932 = arith.constant 1664 : index
    %swap3A_933 = tpu.vector_load %arg8[%swap3A_932] {strides = array<i32>} : memref<2816xf32, #tpu.memory_space<vmem>>, vector<16xf32>,
    tpu.vector_store %arg8[%swap3A_932], %broadcast_in_dim3A_931 {strides = array<i32>} : memref<2816xf32, #tpu.memory_space<vmem>>, vector<16xf32>,
    %slice3A_934 = vector.extract_strided_slice %add3A_384 {offsets = [9], sizes = [1], strides = [1]} : vector<16xf32> to vector<1xf32>
    %squeeze3A_935 = vector.extract %slice3A_934[0] : f32 from vector<1xf32>
    %broadcast_in_dim3A_936 = vector.broadcast %squeeze3A_935 : f32 to vector<16xf32>
    %swap3A_937 = arith.constant 1680 : index
    %swap3A_938 = tpu.vector_load %arg8[%swap3A_937] {strides = array<i32>} : memref<2816xf32, #tpu.memory_space<vmem>>, vector<16xf32>,
    tpu.vector_store %arg8[%swap3A_937], %broadcast_in_dim3A_936 {strides = array<i32>} : memref<2816xf32, #tpu.memory_space<vmem>>, vector<16xf32>,
    %slice3A_939 = vector.extract_strided_slice %add3A_384 {offsets = [10], sizes = [1], strides = [1]} : vector<16xf32> to vector<1xf32>
    %squeeze3A_940 = vector.extract %slice3A_939[0] : f32 from vector<1xf32>
    %broadcast_in_dim3A_941 = vector.broadcast %squeeze3A_940 : f32 to vector<16xf32>
    %swap3A_942 = arith.constant 1696 : index
    %swap3A_943 = tpu.vector_load %arg8[%swap3A_942] {strides = array<i32>} : memref<2816xf32, #tpu.memory_space<vmem>>, vector<16xf32>,
    tpu.vector_store %arg8[%swap3A_942], %broadcast_in_dim3A_941 {strides = array<i32>} : memref<2816xf32, #tpu.memory_space<vmem>>, vector<16xf32>,
    %slice3A_944 = vector.extract_strided_slice %add3A_384 {offsets = [11], sizes = [1], strides = [1]} : vector<16xf32> to vector<1xf32>
    %squeeze3A_945 = vector.extract %slice3A_944[0] : f32 from vector<1xf32>
    %broadcast_in_dim3A_946 = vector.broadcast %squeeze3A_945 : f32 to vector<16xf32>
    %swap3A_947 = arith.constant 1712 : index
    %swap3A_948 = tpu.vector_load %arg8[%swap3A_947] {strides = array<i32>} : memref<2816xf32, #tpu.memory_space<vmem>>, vector<16xf32>,
    tpu.vector_store %arg8[%swap3A_947], %broadcast_in_dim3A_946 {strides = array<i32>} : memref<2816xf32, #tpu.memory_space<vmem>>, vector<16xf32>,
    %slice3A_949 = vector.extract_strided_slice %add3A_384 {offsets = [12], sizes = [1], strides = [1]} : vector<16xf32> to vector<1xf32>
    %squeeze3A_950 = vector.extract %slice3A_949[0] : f32 from vector<1xf32>
    %broadcast_in_dim3A_951 = vector.broadcast %squeeze3A_950 : f32 to vector<16xf32>
    %swap3A_952 = arith.constant 1728 : index
    %swap3A_953 = tpu.vector_load %arg8[%swap3A_952] {strides = array<i32>} : memref<2816xf32, #tpu.memory_space<vmem>>, vector<16xf32>,
    tpu.vector_store %arg8[%swap3A_952], %broadcast_in_dim3A_951 {strides = array<i32>} : memref<2816xf32, #tpu.memory_space<vmem>>, vector<16xf32>,
    %slice3A_954 = vector.extract_strided_slice %add3A_384 {offsets = [13], sizes = [1], strides = [1]} : vector<16xf32> to vector<1xf32>
    %squeeze3A_955 = vector.extract %slice3A_954[0] : f32 from vector<1xf32>
    %broadcast_in_dim3A_956 = vector.broadcast %squeeze3A_955 : f32 to vector<16xf32>
    %swap3A_957 = arith.constant 1744 : index
    %swap3A_958 = tpu.vector_load %arg8[%swap3A_957] {strides = array<i32>} : memref<2816xf32, #tpu.memory_space<vmem>>, vector<16xf32>,
    tpu.vector_store %arg8[%swap3A_957], %broadcast_in_dim3A_956 {strides = array<i32>} : memref<2816xf32, #tpu.memory_space<vmem>>, vector<16xf32>,
    %slice3A_959 = vector.extract_strided_slice %add3A_384 {offsets = [14], sizes = [1], strides = [1]} : vector<16xf32> to vector<1xf32>
    %squeeze3A_960 = vector.extract %slice3A_959[0] : f32 from vector<1xf32>
    %broadcast_in_dim3A_961 = vector.broadcast %squeeze3A_960 : f32 to vector<16xf32>
    %swap3A_962 = arith.constant 1760 : index
    %swap3A_963 = tpu.vector_load %arg8[%swap3A_962] {strides = array<i32>} : memref<2816xf32, #tpu.memory_space<vmem>>, vector<16xf32>,
    tpu.vector_store %arg8[%swap3A_962], %broadcast_in_dim3A_961 {strides = array<i32>} : memref<2816xf32, #tpu.memory_space<vmem>>, vector<16xf32>,
    %slice3A_964 = vector.extract_strided_slice %add3A_384 {offsets = [15], sizes = [1], strides = [1]} : vector<16xf32> to vector<1xf32>
    %squeeze3A_965 = vector.extract %slice3A_964[0] : f32 from vector<1xf32>
    %broadcast_in_dim3A_966 = vector.broadcast %squeeze3A_965 : f32 to vector<16xf32>
    %swap3A_967 = arith.constant 1776 : index
    %swap3A_968 = tpu.vector_load %arg8[%swap3A_967] {strides = array<i32>} : memref<2816xf32, #tpu.memory_space<vmem>>, vector<16xf32>,
    tpu.vector_store %arg8[%swap3A_967], %broadcast_in_dim3A_966 {strides = array<i32>} : memref<2816xf32, #tpu.memory_space<vmem>>, vector<16xf32>,
    %slice3A_969 = vector.extract_strided_slice %add3A_390 {offsets = [0], sizes = [1], strides = [1]} : vector<16xf32> to vector<1xf32>
    %squeeze3A_970 = vector.extract %slice3A_969[0] : f32 from vector<1xf32>
    %broadcast_in_dim3A_971 = vector.broadcast %squeeze3A_970 : f32 to vector<16xf32>
    %swap3A_972 = arith.constant 1792 : index
    %swap3A_973 = tpu.vector_load %arg8[%swap3A_972] {strides = array<i32>} : memref<2816xf32, #tpu.memory_space<vmem>>, vector<16xf32>,
    tpu.vector_store %arg8[%swap3A_972], %broadcast_in_dim3A_971 {strides = array<i32>} : memref<2816xf32, #tpu.memory_space<vmem>>, vector<16xf32>,
    %slice3A_974 = vector.extract_strided_slice %add3A_390 {offsets = [1], sizes = [1], strides = [1]} : vector<16xf32> to vector<1xf32>
    %squeeze3A_975 = vector.extract %slice3A_974[0] : f32 from vector<1xf32>
    %broadcast_in_dim3A_976 = vector.broadcast %squeeze3A_975 : f32 to vector<16xf32>
    %swap3A_977 = arith.constant 1808 : index
    %swap3A_978 = tpu.vector_load %arg8[%swap3A_977] {strides = array<i32>} : memref<2816xf32, #tpu.memory_space<vmem>>, vector<16xf32>,
    tpu.vector_store %arg8[%swap3A_977], %broadcast_in_dim3A_976 {strides = array<i32>} : memref<2816xf32, #tpu.memory_space<vmem>>, vector<16xf32>,
    %slice3A_979 = vector.extract_strided_slice %add3A_390 {offsets = [2], sizes = [1], strides = [1]} : vector<16xf32> to vector<1xf32>
    %squeeze3A_980 = vector.extract %slice3A_979[0] : f32 from vector<1xf32>
    %broadcast_in_dim3A_981 = vector.broadcast %squeeze3A_980 : f32 to vector<16xf32>
    %swap3A_982 = arith.constant 1824 : index
    %swap3A_983 = tpu.vector_load %arg8[%swap3A_982] {strides = array<i32>} : memref<2816xf32, #tpu.memory_space<vmem>>, vector<16xf32>,
    tpu.vector_store %arg8[%swap3A_982], %broadcast_in_dim3A_981 {strides = array<i32>} : memref<2816xf32, #tpu.memory_space<vmem>>, vector<16xf32>,
    %slice3A_984 = vector.extract_strided_slice %add3A_390 {offsets = [3], sizes = [1], strides = [1]} : vector<16xf32> to vector<1xf32>
    %squeeze3A_985 = vector.extract %slice3A_984[0] : f32 from vector<1xf32>
    %broadcast_in_dim3A_986 = vector.broadcast %squeeze3A_985 : f32 to vector<16xf32>
    %swap3A_987 = arith.constant 1840 : index
    %swap3A_988 = tpu.vector_load %arg8[%swap3A_987] {strides = array<i32>} : memref<2816xf32, #tpu.memory_space<vmem>>, vector<16xf32>,
    tpu.vector_store %arg8[%swap3A_987], %broadcast_in_dim3A_986 {strides = array<i32>} : memref<2816xf32, #tpu.memory_space<vmem>>, vector<16xf32>,
    %slice3A_989 = vector.extract_strided_slice %add3A_390 {offsets = [4], sizes = [1], strides = [1]} : vector<16xf32> to vector<1xf32>
    %squeeze3A_990 = vector.extract %slice3A_989[0] : f32 from vector<1xf32>
    %broadcast_in_dim3A_991 = vector.broadcast %squeeze3A_990 : f32 to vector<16xf32>
    %swap3A_992 = arith.constant 1856 : index
    %swap3A_993 = tpu.vector_load %arg8[%swap3A_992] {strides = array<i32>} : memref<2816xf32, #tpu.memory_space<vmem>>, vector<16xf32>,
    tpu.vector_store %arg8[%swap3A_992], %broadcast_in_dim3A_991 {strides = array<i32>} : memref<2816xf32, #tpu.memory_space<vmem>>, vector<16xf32>,
    %slice3A_994 = vector.extract_strided_slice %add3A_390 {offsets = [5], sizes = [1], strides = [1]} : vector<16xf32> to vector<1xf32>
    %squeeze3A_995 = vector.extract %slice3A_994[0] : f32 from vector<1xf32>
    %broadcast_in_dim3A_996 = vector.broadcast %squeeze3A_995 : f32 to vector<16xf32>
    %swap3A_997 = arith.constant 1872 : index
    %swap3A_998 = tpu.vector_load %arg8[%swap3A_997] {strides = array<i32>} : memref<2816xf32, #tpu.memory_space<vmem>>, vector<16xf32>,
    tpu.vector_store %arg8[%swap3A_997], %broadcast_in_dim3A_996 {strides = array<i32>} : memref<2816xf32, #tpu.memory_space<vmem>>, vector<16xf32>,
    %slice3A_999 = vector.extract_strided_slice %add3A_390 {offsets = [6], sizes = [1], strides = [1]} : vector<16xf32> to vector<1xf32>
    %squeeze3A_1000 = vector.extract %slice3A_999[0] : f32 from vector<1xf32>
    %broadcast_in_dim3A_1001 = vector.broadcast %squeeze3A_1000 : f32 to vector<16xf32>
    %swap3A_1002 = arith.constant 1888 : index
    %swap3A_1003 = tpu.vector_load %arg8[%swap3A_1002] {strides = array<i32>} : memref<2816xf32, #tpu.memory_space<vmem>>, vector<16xf32>,
    tpu.vector_store %arg8[%swap3A_1002], %broadcast_in_dim3A_1001 {strides = array<i32>} : memref<2816xf32, #tpu.memory_space<vmem>>, vector<16xf32>,
    %slice3A_1004 = vector.extract_strided_slice %add3A_390 {offsets = [7], sizes = [1], strides = [1]} : vector<16xf32> to vector<1xf32>
    %squeeze3A_1005 = vector.extract %slice3A_1004[0] : f32 from vector<1xf32>
    %broadcast_in_dim3A_1006 = vector.broadcast %squeeze3A_1005 : f32 to vector<16xf32>
    %swap3A_1007 = arith.constant 1904 : index
    %swap3A_1008 = tpu.vector_load %arg8[%swap3A_1007] {strides = array<i32>} : memref<2816xf32, #tpu.memory_space<vmem>>, vector<16xf32>,
    tpu.vector_store %arg8[%swap3A_1007], %broadcast_in_dim3A_1006 {strides = array<i32>} : memref<2816xf32, #tpu.memory_space<vmem>>, vector<16xf32>,
    %slice3A_1009 = vector.extract_strided_slice %add3A_390 {offsets = [8], sizes = [1], strides = [1]} : vector<16xf32> to vector<1xf32>
    %squeeze3A_1010 = vector.extract %slice3A_1009[0] : f32 from vector<1xf32>
    %broadcast_in_dim3A_1011 = vector.broadcast %squeeze3A_1010 : f32 to vector<16xf32>
    %swap3A_1012 = arith.constant 1920 : index
    %swap3A_1013 = tpu.vector_load %arg8[%swap3A_1012] {strides = array<i32>} : memref<2816xf32, #tpu.memory_space<vmem>>, vector<16xf32>,
    tpu.vector_store %arg8[%swap3A_1012], %broadcast_in_dim3A_1011 {strides = array<i32>} : memref<2816xf32, #tpu.memory_space<vmem>>, vector<16xf32>,
    %slice3A_1014 = vector.extract_strided_slice %add3A_390 {offsets = [9], sizes = [1], strides = [1]} : vector<16xf32> to vector<1xf32>
    %squeeze3A_1015 = vector.extract %slice3A_1014[0] : f32 from vector<1xf32>
    %broadcast_in_dim3A_1016 = vector.broadcast %squeeze3A_1015 : f32 to vector<16xf32>
    %swap3A_1017 = arith.constant 1936 : index
    %swap3A_1018 = tpu.vector_load %arg8[%swap3A_1017] {strides = array<i32>} : memref<2816xf32, #tpu.memory_space<vmem>>, vector<16xf32>,
    tpu.vector_store %arg8[%swap3A_1017], %broadcast_in_dim3A_1016 {strides = array<i32>} : memref<2816xf32, #tpu.memory_space<vmem>>, vector<16xf32>,
    %slice3A_1019 = vector.extract_strided_slice %add3A_390 {offsets = [10], sizes = [1], strides = [1]} : vector<16xf32> to vector<1xf32>
    %squeeze3A_1020 = vector.extract %slice3A_1019[0] : f32 from vector<1xf32>
    %broadcast_in_dim3A_1021 = vector.broadcast %squeeze3A_1020 : f32 to vector<16xf32>
    %swap3A_1022 = arith.constant 1952 : index
    %swap3A_1023 = tpu.vector_load %arg8[%swap3A_1022] {strides = array<i32>} : memref<2816xf32, #tpu.memory_space<vmem>>, vector<16xf32>,
    tpu.vector_store %arg8[%swap3A_1022], %broadcast_in_dim3A_1021 {strides = array<i32>} : memref<2816xf32, #tpu.memory_space<vmem>>, vector<16xf32>,
    %slice3A_1024 = vector.extract_strided_slice %add3A_390 {offsets = [11], sizes = [1], strides = [1]} : vector<16xf32> to vector<1xf32>
    %squeeze3A_1025 = vector.extract %slice3A_1024[0] : f32 from vector<1xf32>
    %broadcast_in_dim3A_1026 = vector.broadcast %squeeze3A_1025 : f32 to vector<16xf32>
    %swap3A_1027 = arith.constant 1968 : index
    %swap3A_1028 = tpu.vector_load %arg8[%swap3A_1027] {strides = array<i32>} : memref<2816xf32, #tpu.memory_space<vmem>>, vector<16xf32>,
    tpu.vector_store %arg8[%swap3A_1027], %broadcast_in_dim3A_1026 {strides = array<i32>} : memref<2816xf32, #tpu.memory_space<vmem>>, vector<16xf32>,
    %slice3A_1029 = vector.extract_strided_slice %add3A_390 {offsets = [12], sizes = [1], strides = [1]} : vector<16xf32> to vector<1xf32>
    %squeeze3A_1030 = vector.extract %slice3A_1029[0] : f32 from vector<1xf32>
    %broadcast_in_dim3A_1031 = vector.broadcast %squeeze3A_1030 : f32 to vector<16xf32>
    %swap3A_1032 = arith.constant 1984 : index
    %swap3A_1033 = tpu.vector_load %arg8[%swap3A_1032] {strides = array<i32>} : memref<2816xf32, #tpu.memory_space<vmem>>, vector<16xf32>,
    tpu.vector_store %arg8[%swap3A_1032], %broadcast_in_dim3A_1031 {strides = array<i32>} : memref<2816xf32, #tpu.memory_space<vmem>>, vector<16xf32>,
    %slice3A_1034 = vector.extract_strided_slice %add3A_390 {offsets = [13], sizes = [1], strides = [1]} : vector<16xf32> to vector<1xf32>
    %squeeze3A_1035 = vector.extract %slice3A_1034[0] : f32 from vector<1xf32>
    %broadcast_in_dim3A_1036 = vector.broadcast %squeeze3A_1035 : f32 to vector<16xf32>
    %swap3A_1037 = arith.constant 2000 : index
    %swap3A_1038 = tpu.vector_load %arg8[%swap3A_1037] {strides = array<i32>} : memref<2816xf32, #tpu.memory_space<vmem>>, vector<16xf32>,
    tpu.vector_store %arg8[%swap3A_1037], %broadcast_in_dim3A_1036 {strides = array<i32>} : memref<2816xf32, #tpu.memory_space<vmem>>, vector<16xf32>,
    %slice3A_1039 = vector.extract_strided_slice %add3A_390 {offsets = [14], sizes = [1], strides = [1]} : vector<16xf32> to vector<1xf32>
    %squeeze3A_1040 = vector.extract %slice3A_1039[0] : f32 from vector<1xf32>
    %broadcast_in_dim3A_1041 = vector.broadcast %squeeze3A_1040 : f32 to vector<16xf32>
    %swap3A_1042 = arith.constant 2016 : index
    %swap3A_1043 = tpu.vector_load %arg8[%swap3A_1042] {strides = array<i32>} : memref<2816xf32, #tpu.memory_space<vmem>>, vector<16xf32>,
    tpu.vector_store %arg8[%swap3A_1042], %broadcast_in_dim3A_1041 {strides = array<i32>} : memref<2816xf32, #tpu.memory_space<vmem>>, vector<16xf32>,
    %slice3A_1044 = vector.extract_strided_slice %add3A_390 {offsets = [15], sizes = [1], strides = [1]} : vector<16xf32> to vector<1xf32>
    %squeeze3A_1045 = vector.extract %slice3A_1044[0] : f32 from vector<1xf32>
    %broadcast_in_dim3A_1046 = vector.broadcast %squeeze3A_1045 : f32 to vector<16xf32>
    %swap3A_1047 = arith.constant 2032 : index
    %swap3A_1048 = tpu.vector_load %arg8[%swap3A_1047] {strides = array<i32>} : memref<2816xf32, #tpu.memory_space<vmem>>, vector<16xf32>,
    tpu.vector_store %arg8[%swap3A_1047], %broadcast_in_dim3A_1046 {strides = array<i32>} : memref<2816xf32, #tpu.memory_space<vmem>>, vector<16xf32>,
    %slice3A_1049 = vector.extract_strided_slice %add3A_396 {offsets = [0], sizes = [1], strides = [1]} : vector<16xf32> to vector<1xf32>
    %squeeze3A_1050 = vector.extract %slice3A_1049[0] : f32 from vector<1xf32>
    %broadcast_in_dim3A_1051 = vector.broadcast %squeeze3A_1050 : f32 to vector<16xf32>
    %swap3A_1052 = arith.constant 2048 : index
    %swap3A_1053 = tpu.vector_load %arg8[%swap3A_1052] {strides = array<i32>} : memref<2816xf32, #tpu.memory_space<vmem>>, vector<16xf32>,
    tpu.vector_store %arg8[%swap3A_1052], %broadcast_in_dim3A_1051 {strides = array<i32>} : memref<2816xf32, #tpu.memory_space<vmem>>, vector<16xf32>,
    %slice3A_1054 = vector.extract_strided_slice %add3A_396 {offsets = [1], sizes = [1], strides = [1]} : vector<16xf32> to vector<1xf32>
    %squeeze3A_1055 = vector.extract %slice3A_1054[0] : f32 from vector<1xf32>
    %broadcast_in_dim3A_1056 = vector.broadcast %squeeze3A_1055 : f32 to vector<16xf32>
    %swap3A_1057 = arith.constant 2064 : index
    %swap3A_1058 = tpu.vector_load %arg8[%swap3A_1057] {strides = array<i32>} : memref<2816xf32, #tpu.memory_space<vmem>>, vector<16xf32>,
    tpu.vector_store %arg8[%swap3A_1057], %broadcast_in_dim3A_1056 {strides = array<i32>} : memref<2816xf32, #tpu.memory_space<vmem>>, vector<16xf32>,
    %slice3A_1059 = vector.extract_strided_slice %add3A_396 {offsets = [2], sizes = [1], strides = [1]} : vector<16xf32> to vector<1xf32>
    %squeeze3A_1060 = vector.extract %slice3A_1059[0] : f32 from vector<1xf32>
    %broadcast_in_dim3A_1061 = vector.broadcast %squeeze3A_1060 : f32 to vector<16xf32>
    %swap3A_1062 = arith.constant 2080 : index
    %swap3A_1063 = tpu.vector_load %arg8[%swap3A_1062] {strides = array<i32>} : memref<2816xf32, #tpu.memory_space<vmem>>, vector<16xf32>,
    tpu.vector_store %arg8[%swap3A_1062], %broadcast_in_dim3A_1061 {strides = array<i32>} : memref<2816xf32, #tpu.memory_space<vmem>>, vector<16xf32>,
    %slice3A_1064 = vector.extract_strided_slice %add3A_396 {offsets = [3], sizes = [1], strides = [1]} : vector<16xf32> to vector<1xf32>
    %squeeze3A_1065 = vector.extract %slice3A_1064[0] : f32 from vector<1xf32>
    %broadcast_in_dim3A_1066 = vector.broadcast %squeeze3A_1065 : f32 to vector<16xf32>
    %swap3A_1067 = arith.constant 2096 : index
    %swap3A_1068 = tpu.vector_load %arg8[%swap3A_1067] {strides = array<i32>} : memref<2816xf32, #tpu.memory_space<vmem>>, vector<16xf32>,
    tpu.vector_store %arg8[%swap3A_1067], %broadcast_in_dim3A_1066 {strides = array<i32>} : memref<2816xf32, #tpu.memory_space<vmem>>, vector<16xf32>,
    %slice3A_1069 = vector.extract_strided_slice %add3A_396 {offsets = [4], sizes = [1], strides = [1]} : vector<16xf32> to vector<1xf32>
    %squeeze3A_1070 = vector.extract %slice3A_1069[0] : f32 from vector<1xf32>
    %broadcast_in_dim3A_1071 = vector.broadcast %squeeze3A_1070 : f32 to vector<16xf32>
    %swap3A_1072 = arith.constant 2112 : index
    %swap3A_1073 = tpu.vector_load %arg8[%swap3A_1072] {strides = array<i32>} : memref<2816xf32, #tpu.memory_space<vmem>>, vector<16xf32>,
    tpu.vector_store %arg8[%swap3A_1072], %broadcast_in_dim3A_1071 {strides = array<i32>} : memref<2816xf32, #tpu.memory_space<vmem>>, vector<16xf32>,
    %slice3A_1074 = vector.extract_strided_slice %add3A_396 {offsets = [5], sizes = [1], strides = [1]} : vector<16xf32> to vector<1xf32>
    %squeeze3A_1075 = vector.extract %slice3A_1074[0] : f32 from vector<1xf32>
    %broadcast_in_dim3A_1076 = vector.broadcast %squeeze3A_1075 : f32 to vector<16xf32>
    %swap3A_1077 = arith.constant 2128 : index
    %swap3A_1078 = tpu.vector_load %arg8[%swap3A_1077] {strides = array<i32>} : memref<2816xf32, #tpu.memory_space<vmem>>, vector<16xf32>,
    tpu.vector_store %arg8[%swap3A_1077], %broadcast_in_dim3A_1076 {strides = array<i32>} : memref<2816xf32, #tpu.memory_space<vmem>>, vector<16xf32>,
    %slice3A_1079 = vector.extract_strided_slice %add3A_396 {offsets = [6], sizes = [1], strides = [1]} : vector<16xf32> to vector<1xf32>
    %squeeze3A_1080 = vector.extract %slice3A_1079[0] : f32 from vector<1xf32>
    %broadcast_in_dim3A_1081 = vector.broadcast %squeeze3A_1080 : f32 to vector<16xf32>
    %swap3A_1082 = arith.constant 2144 : index
    %swap3A_1083 = tpu.vector_load %arg8[%swap3A_1082] {strides = array<i32>} : memref<2816xf32, #tpu.memory_space<vmem>>, vector<16xf32>,
    tpu.vector_store %arg8[%swap3A_1082], %broadcast_in_dim3A_1081 {strides = array<i32>} : memref<2816xf32, #tpu.memory_space<vmem>>, vector<16xf32>,
    %slice3A_1084 = vector.extract_strided_slice %add3A_396 {offsets = [7], sizes = [1], strides = [1]} : vector<16xf32> to vector<1xf32>
    %squeeze3A_1085 = vector.extract %slice3A_1084[0] : f32 from vector<1xf32>
    %broadcast_in_dim3A_1086 = vector.broadcast %squeeze3A_1085 : f32 to vector<16xf32>
    %swap3A_1087 = arith.constant 2160 : index
    %swap3A_1088 = tpu.vector_load %arg8[%swap3A_1087] {strides = array<i32>} : memref<2816xf32, #tpu.memory_space<vmem>>, vector<16xf32>,
    tpu.vector_store %arg8[%swap3A_1087], %broadcast_in_dim3A_1086 {strides = array<i32>} : memref<2816xf32, #tpu.memory_space<vmem>>, vector<16xf32>,
    %slice3A_1089 = vector.extract_strided_slice %add3A_396 {offsets = [8], sizes = [1], strides = [1]} : vector<16xf32> to vector<1xf32>
    %squeeze3A_1090 = vector.extract %slice3A_1089[0] : f32 from vector<1xf32>
    %broadcast_in_dim3A_1091 = vector.broadcast %squeeze3A_1090 : f32 to vector<16xf32>
    %swap3A_1092 = arith.constant 2176 : index
    %swap3A_1093 = tpu.vector_load %arg8[%swap3A_1092] {strides = array<i32>} : memref<2816xf32, #tpu.memory_space<vmem>>, vector<16xf32>,
    tpu.vector_store %arg8[%swap3A_1092], %broadcast_in_dim3A_1091 {strides = array<i32>} : memref<2816xf32, #tpu.memory_space<vmem>>, vector<16xf32>,
    %slice3A_1094 = vector.extract_strided_slice %add3A_396 {offsets = [9], sizes = [1], strides = [1]} : vector<16xf32> to vector<1xf32>
    %squeeze3A_1095 = vector.extract %slice3A_1094[0] : f32 from vector<1xf32>
    %broadcast_in_dim3A_1096 = vector.broadcast %squeeze3A_1095 : f32 to vector<16xf32>
    %swap3A_1097 = arith.constant 2192 : index
    %swap3A_1098 = tpu.vector_load %arg8[%swap3A_1097] {strides = array<i32>} : memref<2816xf32, #tpu.memory_space<vmem>>, vector<16xf32>,
    tpu.vector_store %arg8[%swap3A_1097], %broadcast_in_dim3A_1096 {strides = array<i32>} : memref<2816xf32, #tpu.memory_space<vmem>>, vector<16xf32>,
    %slice3A_1099 = vector.extract_strided_slice %add3A_396 {offsets = [10], sizes = [1], strides = [1]} : vector<16xf32> to vector<1xf32>
    %squeeze3A_1100 = vector.extract %slice3A_1099[0] : f32 from vector<1xf32>
    %broadcast_in_dim3A_1101 = vector.broadcast %squeeze3A_1100 : f32 to vector<16xf32>
    %swap3A_1102 = arith.constant 2208 : index
    %swap3A_1103 = tpu.vector_load %arg8[%swap3A_1102] {strides = array<i32>} : memref<2816xf32, #tpu.memory_space<vmem>>, vector<16xf32>,
    tpu.vector_store %arg8[%swap3A_1102], %broadcast_in_dim3A_1101 {strides = array<i32>} : memref<2816xf32, #tpu.memory_space<vmem>>, vector<16xf32>,
    %slice3A_1104 = vector.extract_strided_slice %add3A_396 {offsets = [11], sizes = [1], strides = [1]} : vector<16xf32> to vector<1xf32>
    %squeeze3A_1105 = vector.extract %slice3A_1104[0] : f32 from vector<1xf32>
    %broadcast_in_dim3A_1106 = vector.broadcast %squeeze3A_1105 : f32 to vector<16xf32>
    %swap3A_1107 = arith.constant 2224 : index
    %swap3A_1108 = tpu.vector_load %arg8[%swap3A_1107] {strides = array<i32>} : memref<2816xf32, #tpu.memory_space<vmem>>, vector<16xf32>,
    tpu.vector_store %arg8[%swap3A_1107], %broadcast_in_dim3A_1106 {strides = array<i32>} : memref<2816xf32, #tpu.memory_space<vmem>>, vector<16xf32>,
    %slice3A_1109 = vector.extract_strided_slice %add3A_396 {offsets = [12], sizes = [1], strides = [1]} : vector<16xf32> to vector<1xf32>
    %squeeze3A_1110 = vector.extract %slice3A_1109[0] : f32 from vector<1xf32>
    %broadcast_in_dim3A_1111 = vector.broadcast %squeeze3A_1110 : f32 to vector<16xf32>
    %swap3A_1112 = arith.constant 2240 : index
    %swap3A_1113 = tpu.vector_load %arg8[%swap3A_1112] {strides = array<i32>} : memref<2816xf32, #tpu.memory_space<vmem>>, vector<16xf32>,
    tpu.vector_store %arg8[%swap3A_1112], %broadcast_in_dim3A_1111 {strides = array<i32>} : memref<2816xf32, #tpu.memory_space<vmem>>, vector<16xf32>,
    %slice3A_1114 = vector.extract_strided_slice %add3A_396 {offsets = [13], sizes = [1], strides = [1]} : vector<16xf32> to vector<1xf32>
    %squeeze3A_1115 = vector.extract %slice3A_1114[0] : f32 from vector<1xf32>
    %broadcast_in_dim3A_1116 = vector.broadcast %squeeze3A_1115 : f32 to vector<16xf32>
    %swap3A_1117 = arith.constant 2256 : index
    %swap3A_1118 = tpu.vector_load %arg8[%swap3A_1117] {strides = array<i32>} : memref<2816xf32, #tpu.memory_space<vmem>>, vector<16xf32>,
    tpu.vector_store %arg8[%swap3A_1117], %broadcast_in_dim3A_1116 {strides = array<i32>} : memref<2816xf32, #tpu.memory_space<vmem>>, vector<16xf32>,
    %slice3A_1119 = vector.extract_strided_slice %add3A_396 {offsets = [14], sizes = [1], strides = [1]} : vector<16xf32> to vector<1xf32>
    %squeeze3A_1120 = vector.extract %slice3A_1119[0] : f32 from vector<1xf32>
    %broadcast_in_dim3A_1121 = vector.broadcast %squeeze3A_1120 : f32 to vector<16xf32>
    %swap3A_1122 = arith.constant 2272 : index
    %swap3A_1123 = tpu.vector_load %arg8[%swap3A_1122] {strides = array<i32>} : memref<2816xf32, #tpu.memory_space<vmem>>, vector<16xf32>,
    tpu.vector_store %arg8[%swap3A_1122], %broadcast_in_dim3A_1121 {strides = array<i32>} : memref<2816xf32, #tpu.memory_space<vmem>>, vector<16xf32>,
    %slice3A_1124 = vector.extract_strided_slice %add3A_396 {offsets = [15], sizes = [1], strides = [1]} : vector<16xf32> to vector<1xf32>
    %squeeze3A_1125 = vector.extract %slice3A_1124[0] : f32 from vector<1xf32>
    %broadcast_in_dim3A_1126 = vector.broadcast %squeeze3A_1125 : f32 to vector<16xf32>
    %swap3A_1127 = arith.constant 2288 : index
    %swap3A_1128 = tpu.vector_load %arg8[%swap3A_1127] {strides = array<i32>} : memref<2816xf32, #tpu.memory_space<vmem>>, vector<16xf32>,
    tpu.vector_store %arg8[%swap3A_1127], %broadcast_in_dim3A_1126 {strides = array<i32>} : memref<2816xf32, #tpu.memory_space<vmem>>, vector<16xf32>,
    %slice3A_1129 = vector.extract_strided_slice %add3A_405 {offsets = [0], sizes = [1], strides = [1]} : vector<16xf32> to vector<1xf32>
    %squeeze3A_1130 = vector.extract %slice3A_1129[0] : f32 from vector<1xf32>
    %broadcast_in_dim3A_1131 = vector.broadcast %squeeze3A_1130 : f32 to vector<16xf32>
    %swap3A_1132 = arith.constant 2304 : index
    %swap3A_1133 = tpu.vector_load %arg8[%swap3A_1132] {strides = array<i32>} : memref<2816xf32, #tpu.memory_space<vmem>>, vector<16xf32>,
    tpu.vector_store %arg8[%swap3A_1132], %broadcast_in_dim3A_1131 {strides = array<i32>} : memref<2816xf32, #tpu.memory_space<vmem>>, vector<16xf32>,
    %slice3A_1134 = vector.extract_strided_slice %add3A_405 {offsets = [1], sizes = [1], strides = [1]} : vector<16xf32> to vector<1xf32>
    %squeeze3A_1135 = vector.extract %slice3A_1134[0] : f32 from vector<1xf32>
    %broadcast_in_dim3A_1136 = vector.broadcast %squeeze3A_1135 : f32 to vector<16xf32>
    %swap3A_1137 = arith.constant 2320 : index
    %swap3A_1138 = tpu.vector_load %arg8[%swap3A_1137] {strides = array<i32>} : memref<2816xf32, #tpu.memory_space<vmem>>, vector<16xf32>,
    tpu.vector_store %arg8[%swap3A_1137], %broadcast_in_dim3A_1136 {strides = array<i32>} : memref<2816xf32, #tpu.memory_space<vmem>>, vector<16xf32>,
    %slice3A_1139 = vector.extract_strided_slice %add3A_405 {offsets = [2], sizes = [1], strides = [1]} : vector<16xf32> to vector<1xf32>
    %squeeze3A_1140 = vector.extract %slice3A_1139[0] : f32 from vector<1xf32>
    %broadcast_in_dim3A_1141 = vector.broadcast %squeeze3A_1140 : f32 to vector<16xf32>
    %swap3A_1142 = arith.constant 2336 : index
    %swap3A_1143 = tpu.vector_load %arg8[%swap3A_1142] {strides = array<i32>} : memref<2816xf32, #tpu.memory_space<vmem>>, vector<16xf32>,
    tpu.vector_store %arg8[%swap3A_1142], %broadcast_in_dim3A_1141 {strides = array<i32>} : memref<2816xf32, #tpu.memory_space<vmem>>, vector<16xf32>,
    %slice3A_1144 = vector.extract_strided_slice %add3A_405 {offsets = [3], sizes = [1], strides = [1]} : vector<16xf32> to vector<1xf32>
    %squeeze3A_1145 = vector.extract %slice3A_1144[0] : f32 from vector<1xf32>
    %broadcast_in_dim3A_1146 = vector.broadcast %squeeze3A_1145 : f32 to vector<16xf32>
    %swap3A_1147 = arith.constant 2352 : index
    %swap3A_1148 = tpu.vector_load %arg8[%swap3A_1147] {strides = array<i32>} : memref<2816xf32, #tpu.memory_space<vmem>>, vector<16xf32>,
    tpu.vector_store %arg8[%swap3A_1147], %broadcast_in_dim3A_1146 {strides = array<i32>} : memref<2816xf32, #tpu.memory_space<vmem>>, vector<16xf32>,
    %slice3A_1149 = vector.extract_strided_slice %add3A_405 {offsets = [4], sizes = [1], strides = [1]} : vector<16xf32> to vector<1xf32>
    %squeeze3A_1150 = vector.extract %slice3A_1149[0] : f32 from vector<1xf32>
    %broadcast_in_dim3A_1151 = vector.broadcast %squeeze3A_1150 : f32 to vector<16xf32>
    %swap3A_1152 = arith.constant 2368 : index
    %swap3A_1153 = tpu.vector_load %arg8[%swap3A_1152] {strides = array<i32>} : memref<2816xf32, #tpu.memory_space<vmem>>, vector<16xf32>,
    tpu.vector_store %arg8[%swap3A_1152], %broadcast_in_dim3A_1151 {strides = array<i32>} : memref<2816xf32, #tpu.memory_space<vmem>>, vector<16xf32>,
    %slice3A_1154 = vector.extract_strided_slice %add3A_405 {offsets = [5], sizes = [1], strides = [1]} : vector<16xf32> to vector<1xf32>
    %squeeze3A_1155 = vector.extract %slice3A_1154[0] : f32 from vector<1xf32>
    %broadcast_in_dim3A_1156 = vector.broadcast %squeeze3A_1155 : f32 to vector<16xf32>
    %swap3A_1157 = arith.constant 2384 : index
    %swap3A_1158 = tpu.vector_load %arg8[%swap3A_1157] {strides = array<i32>} : memref<2816xf32, #tpu.memory_space<vmem>>, vector<16xf32>,
    tpu.vector_store %arg8[%swap3A_1157], %broadcast_in_dim3A_1156 {strides = array<i32>} : memref<2816xf32, #tpu.memory_space<vmem>>, vector<16xf32>,
    %slice3A_1159 = vector.extract_strided_slice %add3A_405 {offsets = [6], sizes = [1], strides = [1]} : vector<16xf32> to vector<1xf32>
    %squeeze3A_1160 = vector.extract %slice3A_1159[0] : f32 from vector<1xf32>
    %broadcast_in_dim3A_1161 = vector.broadcast %squeeze3A_1160 : f32 to vector<16xf32>
    %swap3A_1162 = arith.constant 2400 : index
    %swap3A_1163 = tpu.vector_load %arg8[%swap3A_1162] {strides = array<i32>} : memref<2816xf32, #tpu.memory_space<vmem>>, vector<16xf32>,
    tpu.vector_store %arg8[%swap3A_1162], %broadcast_in_dim3A_1161 {strides = array<i32>} : memref<2816xf32, #tpu.memory_space<vmem>>, vector<16xf32>,
    %slice3A_1164 = vector.extract_strided_slice %add3A_405 {offsets = [7], sizes = [1], strides = [1]} : vector<16xf32> to vector<1xf32>
    %squeeze3A_1165 = vector.extract %slice3A_1164[0] : f32 from vector<1xf32>
    %broadcast_in_dim3A_1166 = vector.broadcast %squeeze3A_1165 : f32 to vector<16xf32>
    %swap3A_1167 = arith.constant 2416 : index
    %swap3A_1168 = tpu.vector_load %arg8[%swap3A_1167] {strides = array<i32>} : memref<2816xf32, #tpu.memory_space<vmem>>, vector<16xf32>,
    tpu.vector_store %arg8[%swap3A_1167], %broadcast_in_dim3A_1166 {strides = array<i32>} : memref<2816xf32, #tpu.memory_space<vmem>>, vector<16xf32>,
    %slice3A_1169 = vector.extract_strided_slice %add3A_405 {offsets = [8], sizes = [1], strides = [1]} : vector<16xf32> to vector<1xf32>
    %squeeze3A_1170 = vector.extract %slice3A_1169[0] : f32 from vector<1xf32>
    %broadcast_in_dim3A_1171 = vector.broadcast %squeeze3A_1170 : f32 to vector<16xf32>
    %swap3A_1172 = arith.constant 2432 : index
    %swap3A_1173 = tpu.vector_load %arg8[%swap3A_1172] {strides = array<i32>} : memref<2816xf32, #tpu.memory_space<vmem>>, vector<16xf32>,
    tpu.vector_store %arg8[%swap3A_1172], %broadcast_in_dim3A_1171 {strides = array<i32>} : memref<2816xf32, #tpu.memory_space<vmem>>, vector<16xf32>,
    %slice3A_1174 = vector.extract_strided_slice %add3A_405 {offsets = [9], sizes = [1], strides = [1]} : vector<16xf32> to vector<1xf32>
    %squeeze3A_1175 = vector.extract %slice3A_1174[0] : f32 from vector<1xf32>
    %broadcast_in_dim3A_1176 = vector.broadcast %squeeze3A_1175 : f32 to vector<16xf32>
    %swap3A_1177 = arith.constant 2448 : index
    %swap3A_1178 = tpu.vector_load %arg8[%swap3A_1177] {strides = array<i32>} : memref<2816xf32, #tpu.memory_space<vmem>>, vector<16xf32>,
    tpu.vector_store %arg8[%swap3A_1177], %broadcast_in_dim3A_1176 {strides = array<i32>} : memref<2816xf32, #tpu.memory_space<vmem>>, vector<16xf32>,
    %slice3A_1179 = vector.extract_strided_slice %add3A_405 {offsets = [10], sizes = [1], strides = [1]} : vector<16xf32> to vector<1xf32>
    %squeeze3A_1180 = vector.extract %slice3A_1179[0] : f32 from vector<1xf32>
    %broadcast_in_dim3A_1181 = vector.broadcast %squeeze3A_1180 : f32 to vector<16xf32>
    %swap3A_1182 = arith.constant 2464 : index
    %swap3A_1183 = tpu.vector_load %arg8[%swap3A_1182] {strides = array<i32>} : memref<2816xf32, #tpu.memory_space<vmem>>, vector<16xf32>,
    tpu.vector_store %arg8[%swap3A_1182], %broadcast_in_dim3A_1181 {strides = array<i32>} : memref<2816xf32, #tpu.memory_space<vmem>>, vector<16xf32>,
    %slice3A_1184 = vector.extract_strided_slice %add3A_405 {offsets = [11], sizes = [1], strides = [1]} : vector<16xf32> to vector<1xf32>
    %squeeze3A_1185 = vector.extract %slice3A_1184[0] : f32 from vector<1xf32>
    %broadcast_in_dim3A_1186 = vector.broadcast %squeeze3A_1185 : f32 to vector<16xf32>
    %swap3A_1187 = arith.constant 2480 : index
    %swap3A_1188 = tpu.vector_load %arg8[%swap3A_1187] {strides = array<i32>} : memref<2816xf32, #tpu.memory_space<vmem>>, vector<16xf32>,
    tpu.vector_store %arg8[%swap3A_1187], %broadcast_in_dim3A_1186 {strides = array<i32>} : memref<2816xf32, #tpu.memory_space<vmem>>, vector<16xf32>,
    %slice3A_1189 = vector.extract_strided_slice %add3A_405 {offsets = [12], sizes = [1], strides = [1]} : vector<16xf32> to vector<1xf32>
    %squeeze3A_1190 = vector.extract %slice3A_1189[0] : f32 from vector<1xf32>
    %broadcast_in_dim3A_1191 = vector.broadcast %squeeze3A_1190 : f32 to vector<16xf32>
    %swap3A_1192 = arith.constant 2496 : index
    %swap3A_1193 = tpu.vector_load %arg8[%swap3A_1192] {strides = array<i32>} : memref<2816xf32, #tpu.memory_space<vmem>>, vector<16xf32>,
    tpu.vector_store %arg8[%swap3A_1192], %broadcast_in_dim3A_1191 {strides = array<i32>} : memref<2816xf32, #tpu.memory_space<vmem>>, vector<16xf32>,
    %slice3A_1194 = vector.extract_strided_slice %add3A_405 {offsets = [13], sizes = [1], strides = [1]} : vector<16xf32> to vector<1xf32>
    %squeeze3A_1195 = vector.extract %slice3A_1194[0] : f32 from vector<1xf32>
    %broadcast_in_dim3A_1196 = vector.broadcast %squeeze3A_1195 : f32 to vector<16xf32>
    %swap3A_1197 = arith.constant 2512 : index
    %swap3A_1198 = tpu.vector_load %arg8[%swap3A_1197] {strides = array<i32>} : memref<2816xf32, #tpu.memory_space<vmem>>, vector<16xf32>,
    tpu.vector_store %arg8[%swap3A_1197], %broadcast_in_dim3A_1196 {strides = array<i32>} : memref<2816xf32, #tpu.memory_space<vmem>>, vector<16xf32>,
    %slice3A_1199 = vector.extract_strided_slice %add3A_405 {offsets = [14], sizes = [1], strides = [1]} : vector<16xf32> to vector<1xf32>
    %squeeze3A_1200 = vector.extract %slice3A_1199[0] : f32 from vector<1xf32>
    %broadcast_in_dim3A_1201 = vector.broadcast %squeeze3A_1200 : f32 to vector<16xf32>
    %swap3A_1202 = arith.constant 2528 : index
    %swap3A_1203 = tpu.vector_load %arg8[%swap3A_1202] {strides = array<i32>} : memref<2816xf32, #tpu.memory_space<vmem>>, vector<16xf32>,
    tpu.vector_store %arg8[%swap3A_1202], %broadcast_in_dim3A_1201 {strides = array<i32>} : memref<2816xf32, #tpu.memory_space<vmem>>, vector<16xf32>,
    %slice3A_1204 = vector.extract_strided_slice %add3A_405 {offsets = [15], sizes = [1], strides = [1]} : vector<16xf32> to vector<1xf32>
    %squeeze3A_1205 = vector.extract %slice3A_1204[0] : f32 from vector<1xf32>
    %broadcast_in_dim3A_1206 = vector.broadcast %squeeze3A_1205 : f32 to vector<16xf32>
    %swap3A_1207 = arith.constant 2544 : index
    %swap3A_1208 = tpu.vector_load %arg8[%swap3A_1207] {strides = array<i32>} : memref<2816xf32, #tpu.memory_space<vmem>>, vector<16xf32>,
    tpu.vector_store %arg8[%swap3A_1207], %broadcast_in_dim3A_1206 {strides = array<i32>} : memref<2816xf32, #tpu.memory_space<vmem>>, vector<16xf32>,
    %slice3A_1209 = vector.extract_strided_slice %add3A_412 {offsets = [0], sizes = [1], strides = [1]} : vector<16xf32> to vector<1xf32>
    %squeeze3A_1210 = vector.extract %slice3A_1209[0] : f32 from vector<1xf32>
    %broadcast_in_dim3A_1211 = vector.broadcast %squeeze3A_1210 : f32 to vector<16xf32>
    %swap3A_1212 = arith.constant 2560 : index
    %swap3A_1213 = tpu.vector_load %arg8[%swap3A_1212] {strides = array<i32>} : memref<2816xf32, #tpu.memory_space<vmem>>, vector<16xf32>,
    tpu.vector_store %arg8[%swap3A_1212], %broadcast_in_dim3A_1211 {strides = array<i32>} : memref<2816xf32, #tpu.memory_space<vmem>>, vector<16xf32>,
    %slice3A_1214 = vector.extract_strided_slice %add3A_412 {offsets = [1], sizes = [1], strides = [1]} : vector<16xf32> to vector<1xf32>
    %squeeze3A_1215 = vector.extract %slice3A_1214[0] : f32 from vector<1xf32>
    %broadcast_in_dim3A_1216 = vector.broadcast %squeeze3A_1215 : f32 to vector<16xf32>
    %swap3A_1217 = arith.constant 2576 : index
    %swap3A_1218 = tpu.vector_load %arg8[%swap3A_1217] {strides = array<i32>} : memref<2816xf32, #tpu.memory_space<vmem>>, vector<16xf32>,
    tpu.vector_store %arg8[%swap3A_1217], %broadcast_in_dim3A_1216 {strides = array<i32>} : memref<2816xf32, #tpu.memory_space<vmem>>, vector<16xf32>,
    %slice3A_1219 = vector.extract_strided_slice %add3A_412 {offsets = [2], sizes = [1], strides = [1]} : vector<16xf32> to vector<1xf32>
    %squeeze3A_1220 = vector.extract %slice3A_1219[0] : f32 from vector<1xf32>
    %broadcast_in_dim3A_1221 = vector.broadcast %squeeze3A_1220 : f32 to vector<16xf32>
    %swap3A_1222 = arith.constant 2592 : index
    %swap3A_1223 = tpu.vector_load %arg8[%swap3A_1222] {strides = array<i32>} : memref<2816xf32, #tpu.memory_space<vmem>>, vector<16xf32>,
    tpu.vector_store %arg8[%swap3A_1222], %broadcast_in_dim3A_1221 {strides = array<i32>} : memref<2816xf32, #tpu.memory_space<vmem>>, vector<16xf32>,
    %slice3A_1224 = vector.extract_strided_slice %add3A_412 {offsets = [3], sizes = [1], strides = [1]} : vector<16xf32> to vector<1xf32>
    %squeeze3A_1225 = vector.extract %slice3A_1224[0] : f32 from vector<1xf32>
    %broadcast_in_dim3A_1226 = vector.broadcast %squeeze3A_1225 : f32 to vector<16xf32>
    %swap3A_1227 = arith.constant 2608 : index
    %swap3A_1228 = tpu.vector_load %arg8[%swap3A_1227] {strides = array<i32>} : memref<2816xf32, #tpu.memory_space<vmem>>, vector<16xf32>,
    tpu.vector_store %arg8[%swap3A_1227], %broadcast_in_dim3A_1226 {strides = array<i32>} : memref<2816xf32, #tpu.memory_space<vmem>>, vector<16xf32>,
    %slice3A_1229 = vector.extract_strided_slice %add3A_412 {offsets = [4], sizes = [1], strides = [1]} : vector<16xf32> to vector<1xf32>
    %squeeze3A_1230 = vector.extract %slice3A_1229[0] : f32 from vector<1xf32>
    %broadcast_in_dim3A_1231 = vector.broadcast %squeeze3A_1230 : f32 to vector<16xf32>
    %swap3A_1232 = arith.constant 2624 : index
    %swap3A_1233 = tpu.vector_load %arg8[%swap3A_1232] {strides = array<i32>} : memref<2816xf32, #tpu.memory_space<vmem>>, vector<16xf32>,
    tpu.vector_store %arg8[%swap3A_1232], %broadcast_in_dim3A_1231 {strides = array<i32>} : memref<2816xf32, #tpu.memory_space<vmem>>, vector<16xf32>,
    %slice3A_1234 = vector.extract_strided_slice %add3A_412 {offsets = [5], sizes = [1], strides = [1]} : vector<16xf32> to vector<1xf32>
    %squeeze3A_1235 = vector.extract %slice3A_1234[0] : f32 from vector<1xf32>
    %broadcast_in_dim3A_1236 = vector.broadcast %squeeze3A_1235 : f32 to vector<16xf32>
    %swap3A_1237 = arith.constant 2640 : index
    %swap3A_1238 = tpu.vector_load %arg8[%swap3A_1237] {strides = array<i32>} : memref<2816xf32, #tpu.memory_space<vmem>>, vector<16xf32>,
    tpu.vector_store %arg8[%swap3A_1237], %broadcast_in_dim3A_1236 {strides = array<i32>} : memref<2816xf32, #tpu.memory_space<vmem>>, vector<16xf32>,
    %slice3A_1239 = vector.extract_strided_slice %add3A_412 {offsets = [6], sizes = [1], strides = [1]} : vector<16xf32> to vector<1xf32>
    %squeeze3A_1240 = vector.extract %slice3A_1239[0] : f32 from vector<1xf32>
    %broadcast_in_dim3A_1241 = vector.broadcast %squeeze3A_1240 : f32 to vector<16xf32>
    %swap3A_1242 = arith.constant 2656 : index
    %swap3A_1243 = tpu.vector_load %arg8[%swap3A_1242] {strides = array<i32>} : memref<2816xf32, #tpu.memory_space<vmem>>, vector<16xf32>,
    tpu.vector_store %arg8[%swap3A_1242], %broadcast_in_dim3A_1241 {strides = array<i32>} : memref<2816xf32, #tpu.memory_space<vmem>>, vector<16xf32>,
    %slice3A_1244 = vector.extract_strided_slice %add3A_412 {offsets = [7], sizes = [1], strides = [1]} : vector<16xf32> to vector<1xf32>
    %squeeze3A_1245 = vector.extract %slice3A_1244[0] : f32 from vector<1xf32>
    %broadcast_in_dim3A_1246 = vector.broadcast %squeeze3A_1245 : f32 to vector<16xf32>
    %swap3A_1247 = arith.constant 2672 : index
    %swap3A_1248 = tpu.vector_load %arg8[%swap3A_1247] {strides = array<i32>} : memref<2816xf32, #tpu.memory_space<vmem>>, vector<16xf32>,
    tpu.vector_store %arg8[%swap3A_1247], %broadcast_in_dim3A_1246 {strides = array<i32>} : memref<2816xf32, #tpu.memory_space<vmem>>, vector<16xf32>,
    %slice3A_1249 = vector.extract_strided_slice %add3A_412 {offsets = [8], sizes = [1], strides = [1]} : vector<16xf32> to vector<1xf32>
    %squeeze3A_1250 = vector.extract %slice3A_1249[0] : f32 from vector<1xf32>
    %broadcast_in_dim3A_1251 = vector.broadcast %squeeze3A_1250 : f32 to vector<16xf32>
    %swap3A_1252 = arith.constant 2688 : index
    %swap3A_1253 = tpu.vector_load %arg8[%swap3A_1252] {strides = array<i32>} : memref<2816xf32, #tpu.memory_space<vmem>>, vector<16xf32>,
    tpu.vector_store %arg8[%swap3A_1252], %broadcast_in_dim3A_1251 {strides = array<i32>} : memref<2816xf32, #tpu.memory_space<vmem>>, vector<16xf32>,
    %slice3A_1254 = vector.extract_strided_slice %add3A_412 {offsets = [9], sizes = [1], strides = [1]} : vector<16xf32> to vector<1xf32>
    %squeeze3A_1255 = vector.extract %slice3A_1254[0] : f32 from vector<1xf32>
    %broadcast_in_dim3A_1256 = vector.broadcast %squeeze3A_1255 : f32 to vector<16xf32>
    %swap3A_1257 = arith.constant 2704 : index
    %swap3A_1258 = tpu.vector_load %arg8[%swap3A_1257] {strides = array<i32>} : memref<2816xf32, #tpu.memory_space<vmem>>, vector<16xf32>,
    tpu.vector_store %arg8[%swap3A_1257], %broadcast_in_dim3A_1256 {strides = array<i32>} : memref<2816xf32, #tpu.memory_space<vmem>>, vector<16xf32>,
    %slice3A_1259 = vector.extract_strided_slice %add3A_412 {offsets = [10], sizes = [1], strides = [1]} : vector<16xf32> to vector<1xf32>
    %squeeze3A_1260 = vector.extract %slice3A_1259[0] : f32 from vector<1xf32>
    %broadcast_in_dim3A_1261 = vector.broadcast %squeeze3A_1260 : f32 to vector<16xf32>
    %swap3A_1262 = arith.constant 2720 : index
    %swap3A_1263 = tpu.vector_load %arg8[%swap3A_1262] {strides = array<i32>} : memref<2816xf32, #tpu.memory_space<vmem>>, vector<16xf32>,
    tpu.vector_store %arg8[%swap3A_1262], %broadcast_in_dim3A_1261 {strides = array<i32>} : memref<2816xf32, #tpu.memory_space<vmem>>, vector<16xf32>,
    %slice3A_1264 = vector.extract_strided_slice %add3A_412 {offsets = [11], sizes = [1], strides = [1]} : vector<16xf32> to vector<1xf32>
    %squeeze3A_1265 = vector.extract %slice3A_1264[0] : f32 from vector<1xf32>
    %broadcast_in_dim3A_1266 = vector.broadcast %squeeze3A_1265 : f32 to vector<16xf32>
    %swap3A_1267 = arith.constant 2736 : index
    %swap3A_1268 = tpu.vector_load %arg8[%swap3A_1267] {strides = array<i32>} : memref<2816xf32, #tpu.memory_space<vmem>>, vector<16xf32>,
    tpu.vector_store %arg8[%swap3A_1267], %broadcast_in_dim3A_1266 {strides = array<i32>} : memref<2816xf32, #tpu.memory_space<vmem>>, vector<16xf32>,
    %slice3A_1269 = vector.extract_strided_slice %add3A_412 {offsets = [12], sizes = [1], strides = [1]} : vector<16xf32> to vector<1xf32>
    %squeeze3A_1270 = vector.extract %slice3A_1269[0] : f32 from vector<1xf32>
    %broadcast_in_dim3A_1271 = vector.broadcast %squeeze3A_1270 : f32 to vector<16xf32>
    %swap3A_1272 = arith.constant 2752 : index
    %swap3A_1273 = tpu.vector_load %arg8[%swap3A_1272] {strides = array<i32>} : memref<2816xf32, #tpu.memory_space<vmem>>, vector<16xf32>,
    tpu.vector_store %arg8[%swap3A_1272], %broadcast_in_dim3A_1271 {strides = array<i32>} : memref<2816xf32, #tpu.memory_space<vmem>>, vector<16xf32>,
    %slice3A_1274 = vector.extract_strided_slice %add3A_412 {offsets = [13], sizes = [1], strides = [1]} : vector<16xf32> to vector<1xf32>
    %squeeze3A_1275 = vector.extract %slice3A_1274[0] : f32 from vector<1xf32>
    %broadcast_in_dim3A_1276 = vector.broadcast %squeeze3A_1275 : f32 to vector<16xf32>
    %swap3A_1277 = arith.constant 2768 : index
    %swap3A_1278 = tpu.vector_load %arg8[%swap3A_1277] {strides = array<i32>} : memref<2816xf32, #tpu.memory_space<vmem>>, vector<16xf32>,
    tpu.vector_store %arg8[%swap3A_1277], %broadcast_in_dim3A_1276 {strides = array<i32>} : memref<2816xf32, #tpu.memory_space<vmem>>, vector<16xf32>,
    %slice3A_1279 = vector.extract_strided_slice %add3A_412 {offsets = [14], sizes = [1], strides = [1]} : vector<16xf32> to vector<1xf32>
    %squeeze3A_1280 = vector.extract %slice3A_1279[0] : f32 from vector<1xf32>
    %broadcast_in_dim3A_1281 = vector.broadcast %squeeze3A_1280 : f32 to vector<16xf32>
    %swap3A_1282 = arith.constant 2784 : index
    %swap3A_1283 = tpu.vector_load %arg8[%swap3A_1282] {strides = array<i32>} : memref<2816xf32, #tpu.memory_space<vmem>>, vector<16xf32>,
    tpu.vector_store %arg8[%swap3A_1282], %broadcast_in_dim3A_1281 {strides = array<i32>} : memref<2816xf32, #tpu.memory_space<vmem>>, vector<16xf32>,
    %slice3A_1284 = vector.extract_strided_slice %add3A_412 {offsets = [15], sizes = [1], strides = [1]} : vector<16xf32> to vector<1xf32>
    %squeeze3A_1285 = vector.extract %slice3A_1284[0] : f32 from vector<1xf32>
    %broadcast_in_dim3A_1286 = vector.broadcast %squeeze3A_1285 : f32 to vector<16xf32>
    %swap3A_1287 = arith.constant 2800 : index
    %swap3A_1288 = tpu.vector_load %arg8[%swap3A_1287] {strides = array<i32>} : memref<2816xf32, #tpu.memory_space<vmem>>, vector<16xf32>,
    tpu.vector_store %arg8[%swap3A_1287], %broadcast_in_dim3A_1286 {strides = array<i32>} : memref<2816xf32, #tpu.memory_space<vmem>>, vector<16xf32>,
    %scan3A = arith.constant 0 : i32
    %scan3A_1289 = arith.constant 0 : i32
    %scan3A_1290 = arith.constant 4 : i32
    %scan3A_1291 = arith.addi %scan3A_1289, %scan3A_1290 : i32
    %scan3A_1292 = arith.constant 1 : i32
    scf.for %scan3A_1305 = %scan3A_1289 to %scan3A_1291 step %scan3A_1292  : i32 {
      %dma_wait3A_1306 = arith.constant 0 : i32
      %dma_wait3A_1307 = arith.constant 0 : i32
      %dma_wait3A_1308 = tpu.memref_slice %arg5[%dma_wait3A_1306, %dma_wait3A_1307] : memref<18x256xf32, #tpu.memory_space<vmem>> -> memref<18x128xf32, #tpu.memory_space<vmem>>
      %dma_wait3A_1309 = arith.constant 0 : i32
      %dma_wait3A_1310 = arith.constant 0 : i32
      %dma_wait3A_1311 = tpu.memref_slice %arg2[%dma_wait3A_1309, %dma_wait3A_1310] : memref<18x16384xf32, #tpu.memory_space<hbm>> -> memref<18x128xf32, #tpu.memory_space<hbm>>
      %dma_wait3A_1312 = arith.constant 0 : i32
      %dma_wait3A_1313 = arith.constant 0 : i32
      %dma_wait3A_1314 = tpu.memref_slice %arg5[%dma_wait3A_1312, %dma_wait3A_1313] : memref<18x256xf32, #tpu.memory_space<vmem>> -> memref<18x128xf32, #tpu.memory_space<vmem>>
      %dma_wait3A_1315 = arith.constant 0 : i32
      %dma_wait3A_1316 = arith.constant 0 : i32
      %dma_wait3A_1317 = tpu.memref_slice %arg2[%dma_wait3A_1315, %dma_wait3A_1316] : memref<18x16384xf32, #tpu.memory_space<hbm>> -> memref<18x128xf32, #tpu.memory_space<hbm>>
      tpu.wait_dma2 semaphore(%arg9 : memref<!tpu.dma_semaphore, #tpu.memory_space<semaphore_mem>>) src(%dma_wait3A_1317 : memref<18x128xf32, #tpu.memory_space<hbm>>) dst(%dma_wait3A_1314 : memref<18x128xf32, #tpu.memory_space<vmem>>)
      %jit3A = arith.constant 2 : i32
      %eq3A = arith.constant 0 : i32
      %eq3A_1318 = arith.cmpi eq, %jit3A, %eq3A : i32
      %jit3A_1319 = arith.constant 1 : i32
      %select_n3A = arith.select %eq3A_1318, %jit3A_1319, %jit3A : i32
      %rem3A = arith.remsi %scan3A_1305, %select_n3A : i32
      %ne3A = arith.constant 0 : i32
      %ne3A_1320 = arith.cmpi ne, %rem3A, %ne3A : i32
      %lt3A = arith.constant 0 : i32
      %lt3A_1321 = arith.cmpi slt, %rem3A, %lt3A : i32
      %lt3A_1322 = arith.constant 0 : i32
      %lt3A_1323 = arith.cmpi slt, %select_n3A, %lt3A_1322 : i32
      %ne3A_1324 = arith.xori %lt3A_1321, %lt3A_1323 : i1
      %and3A = arith.andi %ne3A_1324, %ne3A_1320 : i1
      %add3A_1325 = arith.addi %rem3A, %select_n3A : i32
      %select_n3A_1326 = arith.select %and3A, %add3A_1325, %rem3A : i32
      %mul3A_1327 = arith.constant 128 : i32
      %mul3A_1328 = arith.muli %select_n3A_1326, %mul3A_1327 : i32
      %add3A_1329 = arith.constant 1 : i32
      %add3A_1330 = arith.addi %scan3A_1305, %add3A_1329 : i32
      %jit3A_1331 = arith.constant 2 : i32
      %eq3A_1332 = arith.constant 0 : i32
      %eq3A_1333 = arith.cmpi eq, %jit3A_1331, %eq3A_1332 : i32
      %jit3A_1334 = arith.constant 1 : i32
      %select_n3A_1335 = arith.select %eq3A_1333, %jit3A_1334, %jit3A_1331 : i32
      %rem3A_1336 = arith.remsi %add3A_1330, %select_n3A_1335 : i32
      %ne3A_1337 = arith.constant 0 : i32
      %ne3A_1338 = arith.cmpi ne, %rem3A_1336, %ne3A_1337 : i32
      %lt3A_1339 = arith.constant 0 : i32
      %lt3A_1340 = arith.cmpi slt, %rem3A_1336, %lt3A_1339 : i32
      %lt3A_1341 = arith.constant 0 : i32
      %lt3A_1342 = arith.cmpi slt, %select_n3A_1335, %lt3A_1341 : i32
      %ne3A_1343 = arith.xori %lt3A_1340, %lt3A_1342 : i1
      %and3A_1344 = arith.andi %ne3A_1343, %ne3A_1338 : i1
      %add3A_1345 = arith.addi %rem3A_1336, %select_n3A_1335 : i32
      %select_n3A_1346 = arith.select %and3A_1344, %add3A_1345, %rem3A_1336 : i32
      %mul3A_1347 = arith.constant 128 : i32
      %mul3A_1348 = arith.muli %select_n3A_1346, %mul3A_1347 : i32
      %lt3A_1349 = arith.constant 3 : i32
      %lt3A_1350 = arith.cmpi slt, %scan3A_1305, %lt3A_1349 : i32
      %convert_element_type3A = arith.extui %lt3A_1350 : i1 to i32
      %cond3A = arith.constant 0 : i32
      %cond3A_1351 = arith.cmpi ne, %convert_element_type3A, %cond3A : i32
      scf.if %cond3A_1351 {
        %add3A_1359 = arith.constant 1 : i32
        %add3A_1360 = arith.addi %scan3A_1305, %add3A_1359 : i32
        %mul3A_1361 = arith.constant 128 : i32
        %mul3A_1362 = arith.muli %add3A_1360, %mul3A_1361 : i32
        %add3A_1363 = arith.addi %mul3A_2, %mul3A_1362 : i32
        %dma_start3A_1364 = arith.constant 0 : i32
        %dma_start3A_1365 = tpu.memref_slice %arg5[%dma_start3A_1364, %mul3A_1348] : memref<18x256xf32, #tpu.memory_space<vmem>> -> memref<18x128xf32, #tpu.memory_space<vmem>>
        %dma_start3A_1366 = arith.constant 0 : i32
        %dma_start3A_1367 = tpu.memref_slice %arg2[%dma_start3A_1366, %add3A_1363] : memref<18x16384xf32, #tpu.memory_space<hbm>> -> memref<18x128xf32, #tpu.memory_space<hbm>>
        %dma_start3A_1368 = arith.constant 0 : i32
        %dma_start3A_1369 = tpu.memref_slice %arg5[%dma_start3A_1368, %mul3A_1348] : memref<18x256xf32, #tpu.memory_space<vmem>> -> memref<18x128xf32, #tpu.memory_space<vmem>>
        %dma_start3A_1370 = arith.constant 0 : i32
        %dma_start3A_1371 = tpu.memref_slice %arg2[%dma_start3A_1370, %add3A_1363] : memref<18x16384xf32, #tpu.memory_space<hbm>> -> memref<18x128xf32, #tpu.memory_space<hbm>>
        tpu.enqueue_dma source(%dma_start3A_1371 : memref<18x128xf32, #tpu.memory_space<hbm>>) target(%dma_start3A_1369 : memref<18x128xf32, #tpu.memory_space<vmem>>) target_semaphore(%arg9 : memref<!tpu.dma_semaphore, #tpu.memory_space<semaphore_mem>>)
      } else {
      }
      %eq3A_1352 = arith.constant 1 : i32
      %eq3A_1353 = arith.cmpi eq, %scan3A_1305, %eq3A_1352 : i32
      %convert_element_type3A_1354 = arith.extui %eq3A_1353 : i1 to i32
      %cond3A_1355 = arith.constant 0 : i32
      %cond3A_1356 = arith.cmpi ne, %convert_element_type3A_1354, %cond3A_1355 : i32
      scf.if %cond3A_1356 {
        %dma_start3A_1359 = arith.constant 0 : i32
        %dma_start3A_1360 = arith.constant 0 : i32
        %dma_start3A_1361 = tpu.memref_slice %arg7[%dma_start3A_1359, %dma_start3A_1360] : memref<9x512xf32, #tpu.memory_space<vmem>> -> memref<9x128xf32, #tpu.memory_space<vmem>>
        %dma_start3A_1362 = arith.constant 0 : i32
        %dma_start3A_1363 = tpu.memref_slice %arg4[%dma_start3A_1362, %mul3A_2] : memref<9x16384xf32, #tpu.memory_space<hbm>> -> memref<9x128xf32, #tpu.memory_space<hbm>>
        %dma_start3A_1364 = arith.constant 0 : i32
        %dma_start3A_1365 = tpu.memref_slice %arg4[%dma_start3A_1364, %mul3A_2] : memref<9x16384xf32, #tpu.memory_space<hbm>> -> memref<9x128xf32, #tpu.memory_space<hbm>>
        %dma_start3A_1366 = arith.constant 0 : i32
        %dma_start3A_1367 = arith.constant 0 : i32
        %dma_start3A_1368 = tpu.memref_slice %arg7[%dma_start3A_1366, %dma_start3A_1367] : memref<9x512xf32, #tpu.memory_space<vmem>> -> memref<9x128xf32, #tpu.memory_space<vmem>>
        tpu.enqueue_dma source(%dma_start3A_1368 : memref<9x128xf32, #tpu.memory_space<vmem>>) target(%dma_start3A_1365 : memref<9x128xf32, #tpu.memory_space<hbm>>) target_semaphore(%arg10 : memref<!tpu.dma_semaphore, #tpu.memory_space<semaphore_mem>>)
      } else {
      }
      %parallel_loop3A = arith.constant 0 : i32
      %parallel_loop3A_1357 = arith.constant 8 : i32
      %parallel_loop3A_1358 = arith.constant 1 : i32
      scf.for %parallel_loop3A_1359 = %parallel_loop3A to %parallel_loop3A_1357 step %parallel_loop3A_1358  : i32 {
        %parallel_loop3A_1360 = arith.constant 16 : i32
        %parallel_loop3A_1361 = arith.muli %parallel_loop3A_1359, %parallel_loop3A_1360 : i32
        %parallel_loop3A_1362 = arith.addi %mul3A_1328, %parallel_loop3A_1361 : i32
        %parallel_loop3A_1363 = arith.constant 0 : i32
        %parallel_loop3A_1364 = arith.index_cast %parallel_loop3A_1363 : i32 to index
        %parallel_loop3A_1365 = arith.index_cast %parallel_loop3A_1362 : i32 to index
        %parallel_loop3A_1366 = tpu.vector_load %arg5[%parallel_loop3A_1364, %parallel_loop3A_1365] {strides = array<i32>} : memref<18x256xf32, #tpu.memory_space<vmem>>, vector<16xf32>,
        %parallel_loop3A_1367 = arith.constant 1 : i32
        %parallel_loop3A_1368 = arith.index_cast %parallel_loop3A_1367 : i32 to index
        %parallel_loop3A_1369 = arith.index_cast %parallel_loop3A_1362 : i32 to index
        %parallel_loop3A_1370 = tpu.vector_load %arg5[%parallel_loop3A_1368, %parallel_loop3A_1369] {strides = array<i32>} : memref<18x256xf32, #tpu.memory_space<vmem>>, vector<16xf32>,
        %parallel_loop3A_1371 = arith.constant 2 : i32
        %parallel_loop3A_1372 = arith.index_cast %parallel_loop3A_1371 : i32 to index
        %parallel_loop3A_1373 = arith.index_cast %parallel_loop3A_1362 : i32 to index
        %parallel_loop3A_1374 = tpu.vector_load %arg5[%parallel_loop3A_1372, %parallel_loop3A_1373] {strides = array<i32>} : memref<18x256xf32, #tpu.memory_space<vmem>>, vector<16xf32>,
        %parallel_loop3A_1375 = arith.constant 3 : i32
        %parallel_loop3A_1376 = arith.index_cast %parallel_loop3A_1375 : i32 to index
        %parallel_loop3A_1377 = arith.index_cast %parallel_loop3A_1362 : i32 to index
        %parallel_loop3A_1378 = tpu.vector_load %arg5[%parallel_loop3A_1376, %parallel_loop3A_1377] {strides = array<i32>} : memref<18x256xf32, #tpu.memory_space<vmem>>, vector<16xf32>,
        %parallel_loop3A_1379 = arith.constant 4 : i32
        %parallel_loop3A_1380 = arith.index_cast %parallel_loop3A_1379 : i32 to index
        %parallel_loop3A_1381 = arith.index_cast %parallel_loop3A_1362 : i32 to index
        %parallel_loop3A_1382 = tpu.vector_load %arg5[%parallel_loop3A_1380, %parallel_loop3A_1381] {strides = array<i32>} : memref<18x256xf32, #tpu.memory_space<vmem>>, vector<16xf32>,
        %parallel_loop3A_1383 = arith.constant 5 : i32
        %parallel_loop3A_1384 = arith.index_cast %parallel_loop3A_1383 : i32 to index
        %parallel_loop3A_1385 = arith.index_cast %parallel_loop3A_1362 : i32 to index
        %parallel_loop3A_1386 = tpu.vector_load %arg5[%parallel_loop3A_1384, %parallel_loop3A_1385] {strides = array<i32>} : memref<18x256xf32, #tpu.memory_space<vmem>>, vector<16xf32>,
        %parallel_loop3A_1387 = arith.constant 6 : i32
        %parallel_loop3A_1388 = arith.index_cast %parallel_loop3A_1387 : i32 to index
        %parallel_loop3A_1389 = arith.index_cast %parallel_loop3A_1362 : i32 to index
        %parallel_loop3A_1390 = tpu.vector_load %arg5[%parallel_loop3A_1388, %parallel_loop3A_1389] {strides = array<i32>} : memref<18x256xf32, #tpu.memory_space<vmem>>, vector<16xf32>,
        %parallel_loop3A_1391 = arith.constant 7 : i32
        %parallel_loop3A_1392 = arith.index_cast %parallel_loop3A_1391 : i32 to index
        %parallel_loop3A_1393 = arith.index_cast %parallel_loop3A_1362 : i32 to index
        %parallel_loop3A_1394 = tpu.vector_load %arg5[%parallel_loop3A_1392, %parallel_loop3A_1393] {strides = array<i32>} : memref<18x256xf32, #tpu.memory_space<vmem>>, vector<16xf32>,
        %parallel_loop3A_1395 = arith.constant 8 : i32
        %parallel_loop3A_1396 = arith.index_cast %parallel_loop3A_1395 : i32 to index
        %parallel_loop3A_1397 = arith.index_cast %parallel_loop3A_1362 : i32 to index
        %parallel_loop3A_1398 = tpu.vector_load %arg5[%parallel_loop3A_1396, %parallel_loop3A_1397] {strides = array<i32>} : memref<18x256xf32, #tpu.memory_space<vmem>>, vector<16xf32>,
        %parallel_loop3A_1399 = arith.constant 9 : i32
        %parallel_loop3A_1400 = arith.index_cast %parallel_loop3A_1399 : i32 to index
        %parallel_loop3A_1401 = arith.index_cast %parallel_loop3A_1362 : i32 to index
        %parallel_loop3A_1402 = tpu.vector_load %arg5[%parallel_loop3A_1400, %parallel_loop3A_1401] {strides = array<i32>} : memref<18x256xf32, #tpu.memory_space<vmem>>, vector<16xf32>,
        %parallel_loop3A_1403 = arith.constant 10 : i32
        %parallel_loop3A_1404 = arith.index_cast %parallel_loop3A_1403 : i32 to index
        %parallel_loop3A_1405 = arith.index_cast %parallel_loop3A_1362 : i32 to index
        %parallel_loop3A_1406 = tpu.vector_load %arg5[%parallel_loop3A_1404, %parallel_loop3A_1405] {strides = array<i32>} : memref<18x256xf32, #tpu.memory_space<vmem>>, vector<16xf32>,
        %parallel_loop3A_1407 = arith.constant 11 : i32
        %parallel_loop3A_1408 = arith.index_cast %parallel_loop3A_1407 : i32 to index
        %parallel_loop3A_1409 = arith.index_cast %parallel_loop3A_1362 : i32 to index
        %parallel_loop3A_1410 = tpu.vector_load %arg5[%parallel_loop3A_1408, %parallel_loop3A_1409] {strides = array<i32>} : memref<18x256xf32, #tpu.memory_space<vmem>>, vector<16xf32>,
        %parallel_loop3A_1411 = arith.constant 12 : i32
        %parallel_loop3A_1412 = arith.index_cast %parallel_loop3A_1411 : i32 to index
        %parallel_loop3A_1413 = arith.index_cast %parallel_loop3A_1362 : i32 to index
        %parallel_loop3A_1414 = tpu.vector_load %arg5[%parallel_loop3A_1412, %parallel_loop3A_1413] {strides = array<i32>} : memref<18x256xf32, #tpu.memory_space<vmem>>, vector<16xf32>,
        %parallel_loop3A_1415 = arith.constant 13 : i32
        %parallel_loop3A_1416 = arith.index_cast %parallel_loop3A_1415 : i32 to index
        %parallel_loop3A_1417 = arith.index_cast %parallel_loop3A_1362 : i32 to index
        %parallel_loop3A_1418 = tpu.vector_load %arg5[%parallel_loop3A_1416, %parallel_loop3A_1417] {strides = array<i32>} : memref<18x256xf32, #tpu.memory_space<vmem>>, vector<16xf32>,
        %parallel_loop3A_1419 = arith.constant 14 : i32
        %parallel_loop3A_1420 = arith.index_cast %parallel_loop3A_1419 : i32 to index
        %parallel_loop3A_1421 = arith.index_cast %parallel_loop3A_1362 : i32 to index
        %parallel_loop3A_1422 = tpu.vector_load %arg5[%parallel_loop3A_1420, %parallel_loop3A_1421] {strides = array<i32>} : memref<18x256xf32, #tpu.memory_space<vmem>>, vector<16xf32>,
        %parallel_loop3A_1423 = arith.constant 15 : i32
        %parallel_loop3A_1424 = arith.index_cast %parallel_loop3A_1423 : i32 to index
        %parallel_loop3A_1425 = arith.index_cast %parallel_loop3A_1362 : i32 to index
        %parallel_loop3A_1426 = tpu.vector_load %arg5[%parallel_loop3A_1424, %parallel_loop3A_1425] {strides = array<i32>} : memref<18x256xf32, #tpu.memory_space<vmem>>, vector<16xf32>,
        %parallel_loop3A_1427 = arith.constant 16 : i32
        %parallel_loop3A_1428 = arith.index_cast %parallel_loop3A_1427 : i32 to index
        %parallel_loop3A_1429 = arith.index_cast %parallel_loop3A_1362 : i32 to index
        %parallel_loop3A_1430 = tpu.vector_load %arg5[%parallel_loop3A_1428, %parallel_loop3A_1429] {strides = array<i32>} : memref<18x256xf32, #tpu.memory_space<vmem>>, vector<16xf32>,
        %parallel_loop3A_1431 = arith.constant 17 : i32
        %parallel_loop3A_1432 = arith.index_cast %parallel_loop3A_1431 : i32 to index
        %parallel_loop3A_1433 = arith.index_cast %parallel_loop3A_1362 : i32 to index
        %parallel_loop3A_1434 = tpu.vector_load %arg5[%parallel_loop3A_1432, %parallel_loop3A_1433] {strides = array<i32>} : memref<18x256xf32, #tpu.memory_space<vmem>>, vector<16xf32>,
        %parallel_loop3A_1435 = arith.constant 0.000000e+00 : f32
        %parallel_loop3A_1436 = vector.broadcast %parallel_loop3A_1435 : f32 to vector<16xf32>
        %parallel_loop3A_1437 = arith.constant 0.000000e+00 : f32
        %parallel_loop3A_1438 = vector.broadcast %parallel_loop3A_1437 : f32 to vector<16xf32>
        %parallel_loop3A_1439 = arith.constant 0.000000e+00 : f32
        %parallel_loop3A_1440 = vector.broadcast %parallel_loop3A_1439 : f32 to vector<16xf32>
        %parallel_loop3A_1441 = arith.constant 0.000000e+00 : f32
        %parallel_loop3A_1442 = vector.broadcast %parallel_loop3A_1441 : f32 to vector<16xf32>
        %parallel_loop3A_1443 = arith.constant 0.000000e+00 : f32
        %parallel_loop3A_1444 = vector.broadcast %parallel_loop3A_1443 : f32 to vector<16xf32>
        %parallel_loop3A_1445 = arith.constant 0.000000e+00 : f32
        %parallel_loop3A_1446 = vector.broadcast %parallel_loop3A_1445 : f32 to vector<16xf32>
        %parallel_loop3A_1447 = arith.constant 0.000000e+00 : f32
        %parallel_loop3A_1448 = vector.broadcast %parallel_loop3A_1447 : f32 to vector<16xf32>
        %parallel_loop3A_1449 = arith.constant 0.000000e+00 : f32
        %parallel_loop3A_1450 = vector.broadcast %parallel_loop3A_1449 : f32 to vector<16xf32>
        %parallel_loop3A_1451 = arith.constant 0.000000e+00 : f32
        %parallel_loop3A_1452 = vector.broadcast %parallel_loop3A_1451 : f32 to vector<16xf32>
        %parallel_loop3A_1453 = arith.constant 0 : i32
        %parallel_loop3A_1454 = arith.constant 16 : i32
        %parallel_loop3A_1455 = arith.addi %parallel_loop3A_1453, %parallel_loop3A_1454 : i32
        %parallel_loop3A_1456 = arith.constant 1 : i32
        %parallel_loop3A_1457:9 = scf.for %scan3A_1500 = %parallel_loop3A_1453 to %parallel_loop3A_1455 step %parallel_loop3A_1456 iter_args(%scan3A_1501 = %parallel_loop3A_1436, %scan3A_1502 = %parallel_loop3A_1438, %scan3A_1503 = %parallel_loop3A_1440, %scan3A_1504 = %parallel_loop3A_1442, %scan3A_1505 = %parallel_loop3A_1444, %scan3A_1506 = %parallel_loop3A_1446, %scan3A_1507 = %parallel_loop3A_1448, %scan3A_1508 = %parallel_loop3A_1450, %scan3A_1509 = %parallel_loop3A_1452) -> (vector<16xf32>, vector<16xf32>, vector<16xf32>, vector<16xf32>, vector<16xf32>, vector<16xf32>, vector<16xf32>, vector<16xf32>, vector<16xf32>)  : i32 {
          %parallel_loop3A_1510 = arith.constant 0 : i32
          %parallel_loop3A_1511 = arith.addi %parallel_loop3A_1510, %scan3A_1500 : i32
          %parallel_loop3A_1512 = arith.constant 16 : i32
          %parallel_loop3A_1513 = arith.muli %parallel_loop3A_1511, %parallel_loop3A_1512 : i32
          %parallel_loop3A_1514 = arith.index_cast %parallel_loop3A_1513 : i32 to index
          %parallel_loop3A_1515 = tpu.vector_load %arg8[%parallel_loop3A_1514] {strides = array<i32>} : memref<2816xf32, #tpu.memory_space<vmem>>, vector<16xf32>,
          %parallel_loop3A_1516 = arith.constant 16 : i32
          %parallel_loop3A_1517 = arith.addi %parallel_loop3A_1516, %scan3A_1500 : i32
          %parallel_loop3A_1518 = arith.constant 16 : i32
          %parallel_loop3A_1519 = arith.muli %parallel_loop3A_1517, %parallel_loop3A_1518 : i32
          %parallel_loop3A_1520 = arith.index_cast %parallel_loop3A_1519 : i32 to index
          %parallel_loop3A_1521 = tpu.vector_load %arg8[%parallel_loop3A_1520] {strides = array<i32>} : memref<2816xf32, #tpu.memory_space<vmem>>, vector<16xf32>,
          %parallel_loop3A_1522 = arith.constant 32 : i32
          %parallel_loop3A_1523 = arith.addi %parallel_loop3A_1522, %scan3A_1500 : i32
          %parallel_loop3A_1524 = arith.constant 16 : i32
          %parallel_loop3A_1525 = arith.muli %parallel_loop3A_1523, %parallel_loop3A_1524 : i32
          %parallel_loop3A_1526 = arith.index_cast %parallel_loop3A_1525 : i32 to index
          %parallel_loop3A_1527 = tpu.vector_load %arg8[%parallel_loop3A_1526] {strides = array<i32>} : memref<2816xf32, #tpu.memory_space<vmem>>, vector<16xf32>,
          %parallel_loop3A_1528 = arith.constant 48 : i32
          %parallel_loop3A_1529 = arith.addi %parallel_loop3A_1528, %scan3A_1500 : i32
          %parallel_loop3A_1530 = arith.constant 16 : i32
          %parallel_loop3A_1531 = arith.muli %parallel_loop3A_1529, %parallel_loop3A_1530 : i32
          %parallel_loop3A_1532 = arith.index_cast %parallel_loop3A_1531 : i32 to index
          %parallel_loop3A_1533 = tpu.vector_load %arg8[%parallel_loop3A_1532] {strides = array<i32>} : memref<2816xf32, #tpu.memory_space<vmem>>, vector<16xf32>,
          %parallel_loop3A_1534 = arith.constant 64 : i32
          %parallel_loop3A_1535 = arith.addi %parallel_loop3A_1534, %scan3A_1500 : i32
          %parallel_loop3A_1536 = arith.constant 16 : i32
          %parallel_loop3A_1537 = arith.muli %parallel_loop3A_1535, %parallel_loop3A_1536 : i32
          %parallel_loop3A_1538 = arith.index_cast %parallel_loop3A_1537 : i32 to index
          %parallel_loop3A_1539 = tpu.vector_load %arg8[%parallel_loop3A_1538] {strides = array<i32>} : memref<2816xf32, #tpu.memory_space<vmem>>, vector<16xf32>,
          %parallel_loop3A_1540 = arith.constant 80 : i32
          %parallel_loop3A_1541 = arith.addi %parallel_loop3A_1540, %scan3A_1500 : i32
          %parallel_loop3A_1542 = arith.constant 16 : i32
          %parallel_loop3A_1543 = arith.muli %parallel_loop3A_1541, %parallel_loop3A_1542 : i32
          %parallel_loop3A_1544 = arith.index_cast %parallel_loop3A_1543 : i32 to index
          %parallel_loop3A_1545 = tpu.vector_load %arg8[%parallel_loop3A_1544] {strides = array<i32>} : memref<2816xf32, #tpu.memory_space<vmem>>, vector<16xf32>,
          %parallel_loop3A_1546 = arith.constant 96 : i32
          %parallel_loop3A_1547 = arith.addi %parallel_loop3A_1546, %scan3A_1500 : i32
          %parallel_loop3A_1548 = arith.constant 16 : i32
          %parallel_loop3A_1549 = arith.muli %parallel_loop3A_1547, %parallel_loop3A_1548 : i32
          %parallel_loop3A_1550 = arith.index_cast %parallel_loop3A_1549 : i32 to index
          %parallel_loop3A_1551 = tpu.vector_load %arg8[%parallel_loop3A_1550] {strides = array<i32>} : memref<2816xf32, #tpu.memory_space<vmem>>, vector<16xf32>,
          %parallel_loop3A_1552 = arith.constant 112 : i32
          %parallel_loop3A_1553 = arith.addi %parallel_loop3A_1552, %scan3A_1500 : i32
          %parallel_loop3A_1554 = arith.constant 16 : i32
          %parallel_loop3A_1555 = arith.muli %parallel_loop3A_1553, %parallel_loop3A_1554 : i32
          %parallel_loop3A_1556 = arith.index_cast %parallel_loop3A_1555 : i32 to index
          %parallel_loop3A_1557 = tpu.vector_load %arg8[%parallel_loop3A_1556] {strides = array<i32>} : memref<2816xf32, #tpu.memory_space<vmem>>, vector<16xf32>,
          %parallel_loop3A_1558 = arith.constant 128 : i32
          %parallel_loop3A_1559 = arith.addi %parallel_loop3A_1558, %scan3A_1500 : i32
          %parallel_loop3A_1560 = arith.constant 16 : i32
          %parallel_loop3A_1561 = arith.muli %parallel_loop3A_1559, %parallel_loop3A_1560 : i32
          %parallel_loop3A_1562 = arith.index_cast %parallel_loop3A_1561 : i32 to index
          %parallel_loop3A_1563 = tpu.vector_load %arg8[%parallel_loop3A_1562] {strides = array<i32>} : memref<2816xf32, #tpu.memory_space<vmem>>, vector<16xf32>,
          %parallel_loop3A_1564 = arith.constant 144 : i32
          %parallel_loop3A_1565 = arith.addi %parallel_loop3A_1564, %scan3A_1500 : i32
          %parallel_loop3A_1566 = arith.constant 16 : i32
          %parallel_loop3A_1567 = arith.muli %parallel_loop3A_1565, %parallel_loop3A_1566 : i32
          %parallel_loop3A_1568 = arith.index_cast %parallel_loop3A_1567 : i32 to index
          %parallel_loop3A_1569 = tpu.vector_load %arg8[%parallel_loop3A_1568] {strides = array<i32>} : memref<2816xf32, #tpu.memory_space<vmem>>, vector<16xf32>,
          %parallel_loop3A_1570 = arith.constant 160 : i32
          %parallel_loop3A_1571 = arith.addi %parallel_loop3A_1570, %scan3A_1500 : i32
          %parallel_loop3A_1572 = arith.constant 16 : i32
          %parallel_loop3A_1573 = arith.muli %parallel_loop3A_1571, %parallel_loop3A_1572 : i32
          %parallel_loop3A_1574 = arith.index_cast %parallel_loop3A_1573 : i32 to index
          %parallel_loop3A_1575 = tpu.vector_load %arg8[%parallel_loop3A_1574] {strides = array<i32>} : memref<2816xf32, #tpu.memory_space<vmem>>, vector<16xf32>,
          %parallel_loop3A_1576 = arith.mulf %parallel_loop3A_1515, %parallel_loop3A_1366 : vector<16xf32>
          %parallel_loop3A_1577 = arith.addf %parallel_loop3A_1576, %parallel_loop3A_1527 : vector<16xf32>
          %parallel_loop3A_1578 = arith.mulf %parallel_loop3A_1366, %parallel_loop3A_1577 : vector<16xf32>
          %parallel_loop3A_1579 = arith.mulf %parallel_loop3A_1521, %parallel_loop3A_1370 : vector<16xf32>
          %parallel_loop3A_1580 = arith.addf %parallel_loop3A_1579, %parallel_loop3A_1533 : vector<16xf32>
          %parallel_loop3A_1581 = arith.mulf %parallel_loop3A_1370, %parallel_loop3A_1580 : vector<16xf32>
          %parallel_loop3A_1582 = arith.addf %parallel_loop3A_1578, %parallel_loop3A_1581 : vector<16xf32>
          %parallel_loop3A_1583 = arith.addf %parallel_loop3A_1582, %parallel_loop3A_1539 : vector<16xf32>
          %parallel_loop3A_1584 = arith.mulf %parallel_loop3A_1515, %parallel_loop3A_1374 : vector<16xf32>
          %parallel_loop3A_1585 = arith.addf %parallel_loop3A_1584, %parallel_loop3A_1527 : vector<16xf32>
          %parallel_loop3A_1586 = arith.mulf %parallel_loop3A_1374, %parallel_loop3A_1585 : vector<16xf32>
          %parallel_loop3A_1587 = arith.mulf %parallel_loop3A_1521, %parallel_loop3A_1378 : vector<16xf32>
          %parallel_loop3A_1588 = arith.addf %parallel_loop3A_1587, %parallel_loop3A_1533 : vector<16xf32>
          %parallel_loop3A_1589 = arith.mulf %parallel_loop3A_1378, %parallel_loop3A_1588 : vector<16xf32>
          %parallel_loop3A_1590 = arith.addf %parallel_loop3A_1586, %parallel_loop3A_1589 : vector<16xf32>
          %parallel_loop3A_1591 = arith.addf %parallel_loop3A_1590, %parallel_loop3A_1539 : vector<16xf32>
          %parallel_loop3A_1592 = arith.cmpf olt, %parallel_loop3A_1591, %parallel_loop3A_1583 : vector<16xf32>
          %parallel_loop3A_1593 = arith.select %parallel_loop3A_1592, %parallel_loop3A_1591, %parallel_loop3A_1583 : vector<16xi1>, vector<16xf32>
          %parallel_loop3A_1594 = arith.select %parallel_loop3A_1592, %parallel_loop3A_1374, %parallel_loop3A_1366 : vector<16xi1>, vector<16xf32>
          %parallel_loop3A_1595 = arith.select %parallel_loop3A_1592, %parallel_loop3A_1378, %parallel_loop3A_1370 : vector<16xi1>, vector<16xf32>
          %parallel_loop3A_1596 = arith.mulf %parallel_loop3A_1515, %parallel_loop3A_1382 : vector<16xf32>
          %parallel_loop3A_1597 = arith.addf %parallel_loop3A_1596, %parallel_loop3A_1527 : vector<16xf32>
          %parallel_loop3A_1598 = arith.mulf %parallel_loop3A_1382, %parallel_loop3A_1597 : vector<16xf32>
          %parallel_loop3A_1599 = arith.mulf %parallel_loop3A_1521, %parallel_loop3A_1386 : vector<16xf32>
          %parallel_loop3A_1600 = arith.addf %parallel_loop3A_1599, %parallel_loop3A_1533 : vector<16xf32>
          %parallel_loop3A_1601 = arith.mulf %parallel_loop3A_1386, %parallel_loop3A_1600 : vector<16xf32>
          %parallel_loop3A_1602 = arith.addf %parallel_loop3A_1598, %parallel_loop3A_1601 : vector<16xf32>
          %parallel_loop3A_1603 = arith.addf %parallel_loop3A_1602, %parallel_loop3A_1539 : vector<16xf32>
          %parallel_loop3A_1604 = arith.cmpf olt, %parallel_loop3A_1603, %parallel_loop3A_1593 : vector<16xf32>
          %parallel_loop3A_1605 = arith.select %parallel_loop3A_1604, %parallel_loop3A_1603, %parallel_loop3A_1593 : vector<16xi1>, vector<16xf32>
          %parallel_loop3A_1606 = arith.select %parallel_loop3A_1604, %parallel_loop3A_1382, %parallel_loop3A_1594 : vector<16xi1>, vector<16xf32>
          %parallel_loop3A_1607 = arith.select %parallel_loop3A_1604, %parallel_loop3A_1386, %parallel_loop3A_1595 : vector<16xi1>, vector<16xf32>
          %parallel_loop3A_1608 = arith.mulf %parallel_loop3A_1515, %parallel_loop3A_1390 : vector<16xf32>
          %parallel_loop3A_1609 = arith.addf %parallel_loop3A_1608, %parallel_loop3A_1527 : vector<16xf32>
          %parallel_loop3A_1610 = arith.mulf %parallel_loop3A_1390, %parallel_loop3A_1609 : vector<16xf32>
          %parallel_loop3A_1611 = arith.mulf %parallel_loop3A_1521, %parallel_loop3A_1394 : vector<16xf32>
          %parallel_loop3A_1612 = arith.addf %parallel_loop3A_1611, %parallel_loop3A_1533 : vector<16xf32>
          %parallel_loop3A_1613 = arith.mulf %parallel_loop3A_1394, %parallel_loop3A_1612 : vector<16xf32>
          %parallel_loop3A_1614 = arith.addf %parallel_loop3A_1610, %parallel_loop3A_1613 : vector<16xf32>
          %parallel_loop3A_1615 = arith.addf %parallel_loop3A_1614, %parallel_loop3A_1539 : vector<16xf32>
          %parallel_loop3A_1616 = arith.cmpf olt, %parallel_loop3A_1615, %parallel_loop3A_1605 : vector<16xf32>
          %parallel_loop3A_1617 = arith.select %parallel_loop3A_1616, %parallel_loop3A_1615, %parallel_loop3A_1605 : vector<16xi1>, vector<16xf32>
          %parallel_loop3A_1618 = arith.select %parallel_loop3A_1616, %parallel_loop3A_1390, %parallel_loop3A_1606 : vector<16xi1>, vector<16xf32>
          %parallel_loop3A_1619 = arith.select %parallel_loop3A_1616, %parallel_loop3A_1394, %parallel_loop3A_1607 : vector<16xi1>, vector<16xf32>
          %parallel_loop3A_1620 = arith.mulf %parallel_loop3A_1515, %parallel_loop3A_1398 : vector<16xf32>
          %parallel_loop3A_1621 = arith.addf %parallel_loop3A_1620, %parallel_loop3A_1527 : vector<16xf32>
          %parallel_loop3A_1622 = arith.mulf %parallel_loop3A_1398, %parallel_loop3A_1621 : vector<16xf32>
          %parallel_loop3A_1623 = arith.mulf %parallel_loop3A_1521, %parallel_loop3A_1402 : vector<16xf32>
          %parallel_loop3A_1624 = arith.addf %parallel_loop3A_1623, %parallel_loop3A_1533 : vector<16xf32>
          %parallel_loop3A_1625 = arith.mulf %parallel_loop3A_1402, %parallel_loop3A_1624 : vector<16xf32>
          %parallel_loop3A_1626 = arith.addf %parallel_loop3A_1622, %parallel_loop3A_1625 : vector<16xf32>
          %parallel_loop3A_1627 = arith.addf %parallel_loop3A_1626, %parallel_loop3A_1539 : vector<16xf32>
          %parallel_loop3A_1628 = arith.cmpf olt, %parallel_loop3A_1627, %parallel_loop3A_1617 : vector<16xf32>
          %parallel_loop3A_1629 = arith.select %parallel_loop3A_1628, %parallel_loop3A_1627, %parallel_loop3A_1617 : vector<16xi1>, vector<16xf32>
          %parallel_loop3A_1630 = arith.select %parallel_loop3A_1628, %parallel_loop3A_1398, %parallel_loop3A_1618 : vector<16xi1>, vector<16xf32>
          %parallel_loop3A_1631 = arith.select %parallel_loop3A_1628, %parallel_loop3A_1402, %parallel_loop3A_1619 : vector<16xi1>, vector<16xf32>
          %parallel_loop3A_1632 = arith.mulf %parallel_loop3A_1515, %parallel_loop3A_1406 : vector<16xf32>
          %parallel_loop3A_1633 = arith.addf %parallel_loop3A_1632, %parallel_loop3A_1527 : vector<16xf32>
          %parallel_loop3A_1634 = arith.mulf %parallel_loop3A_1406, %parallel_loop3A_1633 : vector<16xf32>
          %parallel_loop3A_1635 = arith.mulf %parallel_loop3A_1521, %parallel_loop3A_1410 : vector<16xf32>
          %parallel_loop3A_1636 = arith.addf %parallel_loop3A_1635, %parallel_loop3A_1533 : vector<16xf32>
          %parallel_loop3A_1637 = arith.mulf %parallel_loop3A_1410, %parallel_loop3A_1636 : vector<16xf32>
          %parallel_loop3A_1638 = arith.addf %parallel_loop3A_1634, %parallel_loop3A_1637 : vector<16xf32>
          %parallel_loop3A_1639 = arith.addf %parallel_loop3A_1638, %parallel_loop3A_1539 : vector<16xf32>
          %parallel_loop3A_1640 = arith.cmpf olt, %parallel_loop3A_1639, %parallel_loop3A_1629 : vector<16xf32>
          %parallel_loop3A_1641 = arith.select %parallel_loop3A_1640, %parallel_loop3A_1639, %parallel_loop3A_1629 : vector<16xi1>, vector<16xf32>
          %parallel_loop3A_1642 = arith.select %parallel_loop3A_1640, %parallel_loop3A_1406, %parallel_loop3A_1630 : vector<16xi1>, vector<16xf32>
          %parallel_loop3A_1643 = arith.select %parallel_loop3A_1640, %parallel_loop3A_1410, %parallel_loop3A_1631 : vector<16xi1>, vector<16xf32>
          %parallel_loop3A_1644 = arith.mulf %parallel_loop3A_1515, %parallel_loop3A_1414 : vector<16xf32>
          %parallel_loop3A_1645 = arith.addf %parallel_loop3A_1644, %parallel_loop3A_1527 : vector<16xf32>
          %parallel_loop3A_1646 = arith.mulf %parallel_loop3A_1414, %parallel_loop3A_1645 : vector<16xf32>
          %parallel_loop3A_1647 = arith.mulf %parallel_loop3A_1521, %parallel_loop3A_1418 : vector<16xf32>
          %parallel_loop3A_1648 = arith.addf %parallel_loop3A_1647, %parallel_loop3A_1533 : vector<16xf32>
          %parallel_loop3A_1649 = arith.mulf %parallel_loop3A_1418, %parallel_loop3A_1648 : vector<16xf32>
          %parallel_loop3A_1650 = arith.addf %parallel_loop3A_1646, %parallel_loop3A_1649 : vector<16xf32>
          %parallel_loop3A_1651 = arith.addf %parallel_loop3A_1650, %parallel_loop3A_1539 : vector<16xf32>
          %parallel_loop3A_1652 = arith.cmpf olt, %parallel_loop3A_1651, %parallel_loop3A_1641 : vector<16xf32>
          %parallel_loop3A_1653 = arith.select %parallel_loop3A_1652, %parallel_loop3A_1651, %parallel_loop3A_1641 : vector<16xi1>, vector<16xf32>
          %parallel_loop3A_1654 = arith.select %parallel_loop3A_1652, %parallel_loop3A_1414, %parallel_loop3A_1642 : vector<16xi1>, vector<16xf32>
          %parallel_loop3A_1655 = arith.select %parallel_loop3A_1652, %parallel_loop3A_1418, %parallel_loop3A_1643 : vector<16xi1>, vector<16xf32>
          %parallel_loop3A_1656 = arith.mulf %parallel_loop3A_1515, %parallel_loop3A_1422 : vector<16xf32>
          %parallel_loop3A_1657 = arith.addf %parallel_loop3A_1656, %parallel_loop3A_1527 : vector<16xf32>
          %parallel_loop3A_1658 = arith.mulf %parallel_loop3A_1422, %parallel_loop3A_1657 : vector<16xf32>
          %parallel_loop3A_1659 = arith.mulf %parallel_loop3A_1521, %parallel_loop3A_1426 : vector<16xf32>
          %parallel_loop3A_1660 = arith.addf %parallel_loop3A_1659, %parallel_loop3A_1533 : vector<16xf32>
          %parallel_loop3A_1661 = arith.mulf %parallel_loop3A_1426, %parallel_loop3A_1660 : vector<16xf32>
          %parallel_loop3A_1662 = arith.addf %parallel_loop3A_1658, %parallel_loop3A_1661 : vector<16xf32>
          %parallel_loop3A_1663 = arith.addf %parallel_loop3A_1662, %parallel_loop3A_1539 : vector<16xf32>
          %parallel_loop3A_1664 = arith.cmpf olt, %parallel_loop3A_1663, %parallel_loop3A_1653 : vector<16xf32>
          %parallel_loop3A_1665 = arith.select %parallel_loop3A_1664, %parallel_loop3A_1663, %parallel_loop3A_1653 : vector<16xi1>, vector<16xf32>
          %parallel_loop3A_1666 = arith.select %parallel_loop3A_1664, %parallel_loop3A_1422, %parallel_loop3A_1654 : vector<16xi1>, vector<16xf32>
          %parallel_loop3A_1667 = arith.select %parallel_loop3A_1664, %parallel_loop3A_1426, %parallel_loop3A_1655 : vector<16xi1>, vector<16xf32>
          %parallel_loop3A_1668 = arith.mulf %parallel_loop3A_1515, %parallel_loop3A_1430 : vector<16xf32>
          %parallel_loop3A_1669 = arith.addf %parallel_loop3A_1668, %parallel_loop3A_1527 : vector<16xf32>
          %parallel_loop3A_1670 = arith.mulf %parallel_loop3A_1430, %parallel_loop3A_1669 : vector<16xf32>
          %parallel_loop3A_1671 = arith.mulf %parallel_loop3A_1521, %parallel_loop3A_1434 : vector<16xf32>
          %parallel_loop3A_1672 = arith.addf %parallel_loop3A_1671, %parallel_loop3A_1533 : vector<16xf32>
          %parallel_loop3A_1673 = arith.mulf %parallel_loop3A_1434, %parallel_loop3A_1672 : vector<16xf32>
          %parallel_loop3A_1674 = arith.addf %parallel_loop3A_1670, %parallel_loop3A_1673 : vector<16xf32>
          %parallel_loop3A_1675 = arith.addf %parallel_loop3A_1674, %parallel_loop3A_1539 : vector<16xf32>
          %parallel_loop3A_1676 = arith.cmpf olt, %parallel_loop3A_1675, %parallel_loop3A_1665 : vector<16xf32>
          %parallel_loop3A_1677 = arith.select %parallel_loop3A_1676, %parallel_loop3A_1675, %parallel_loop3A_1665 : vector<16xi1>, vector<16xf32>
          %parallel_loop3A_1678 = arith.select %parallel_loop3A_1676, %parallel_loop3A_1430, %parallel_loop3A_1666 : vector<16xi1>, vector<16xf32>
          %parallel_loop3A_1679 = arith.select %parallel_loop3A_1676, %parallel_loop3A_1434, %parallel_loop3A_1667 : vector<16xi1>, vector<16xf32>
          %parallel_loop3A_1680 = arith.mulf %parallel_loop3A_1545, %parallel_loop3A_1678 : vector<16xf32>
          %parallel_loop3A_1681 = arith.mulf %parallel_loop3A_1551, %parallel_loop3A_1679 : vector<16xf32>
          %parallel_loop3A_1682 = arith.addf %parallel_loop3A_1680, %parallel_loop3A_1681 : vector<16xf32>
          %parallel_loop3A_1683 = arith.addf %parallel_loop3A_1682, %parallel_loop3A_1569 : vector<16xf32>
          %parallel_loop3A_1684 = arith.mulf %parallel_loop3A_1557, %parallel_loop3A_1678 : vector<16xf32>
          %parallel_loop3A_1685 = arith.mulf %parallel_loop3A_1563, %parallel_loop3A_1679 : vector<16xf32>
          %parallel_loop3A_1686 = arith.addf %parallel_loop3A_1684, %parallel_loop3A_1685 : vector<16xf32>
          %parallel_loop3A_1687 = arith.addf %parallel_loop3A_1686, %parallel_loop3A_1575 : vector<16xf32>
          %parallel_loop3A_1688 = arith.constant 0.000000e+00 : f32
          %parallel_loop3A_1689 = vector.broadcast %parallel_loop3A_1688 : f32 to vector<16xf32>
          %parallel_loop3A_1690 = arith.subf %parallel_loop3A_1689, %parallel_loop3A_1677 : vector<16xf32>
          %parallel_loop3A_1691 = math.exp %parallel_loop3A_1690 : vector<16xf32>
          %parallel_loop3A_1692 = arith.subf %parallel_loop3A_1683, %parallel_loop3A_1366 : vector<16xf32>
          %parallel_loop3A_1693 = arith.subf %parallel_loop3A_1683, %parallel_loop3A_1366 : vector<16xf32>
          %parallel_loop3A_1694 = arith.mulf %parallel_loop3A_1692, %parallel_loop3A_1693 : vector<16xf32>
          %parallel_loop3A_1695 = arith.subf %parallel_loop3A_1687, %parallel_loop3A_1370 : vector<16xf32>
          %parallel_loop3A_1696 = arith.subf %parallel_loop3A_1687, %parallel_loop3A_1370 : vector<16xf32>
          %parallel_loop3A_1697 = arith.mulf %parallel_loop3A_1695, %parallel_loop3A_1696 : vector<16xf32>
          %parallel_loop3A_1698 = arith.addf %parallel_loop3A_1694, %parallel_loop3A_1697 : vector<16xf32>
          %parallel_loop3A_1699 = arith.constant 0.000000e+00 : f32
          %parallel_loop3A_1700 = vector.broadcast %parallel_loop3A_1699 : f32 to vector<16xf32>
          %parallel_loop3A_1701 = arith.subf %parallel_loop3A_1700, %parallel_loop3A_1698 : vector<16xf32>
          %parallel_loop3A_1702 = math.exp %parallel_loop3A_1701 : vector<16xf32>
          %parallel_loop3A_1703 = arith.mulf %parallel_loop3A_1691, %parallel_loop3A_1702 : vector<16xf32>
          %parallel_loop3A_1704 = arith.addf %scan3A_1501, %parallel_loop3A_1703 : vector<16xf32>
          %parallel_loop3A_1705 = arith.subf %parallel_loop3A_1683, %parallel_loop3A_1374 : vector<16xf32>
          %parallel_loop3A_1706 = arith.subf %parallel_loop3A_1683, %parallel_loop3A_1374 : vector<16xf32>
          %parallel_loop3A_1707 = arith.mulf %parallel_loop3A_1705, %parallel_loop3A_1706 : vector<16xf32>
          %parallel_loop3A_1708 = arith.subf %parallel_loop3A_1687, %parallel_loop3A_1378 : vector<16xf32>
          %parallel_loop3A_1709 = arith.subf %parallel_loop3A_1687, %parallel_loop3A_1378 : vector<16xf32>
          %parallel_loop3A_1710 = arith.mulf %parallel_loop3A_1708, %parallel_loop3A_1709 : vector<16xf32>
          %parallel_loop3A_1711 = arith.addf %parallel_loop3A_1707, %parallel_loop3A_1710 : vector<16xf32>
          %parallel_loop3A_1712 = arith.constant 0.000000e+00 : f32
          %parallel_loop3A_1713 = vector.broadcast %parallel_loop3A_1712 : f32 to vector<16xf32>
          %parallel_loop3A_1714 = arith.subf %parallel_loop3A_1713, %parallel_loop3A_1711 : vector<16xf32>
          %parallel_loop3A_1715 = math.exp %parallel_loop3A_1714 : vector<16xf32>
          %parallel_loop3A_1716 = arith.mulf %parallel_loop3A_1691, %parallel_loop3A_1715 : vector<16xf32>
          %parallel_loop3A_1717 = arith.addf %scan3A_1502, %parallel_loop3A_1716 : vector<16xf32>
          %parallel_loop3A_1718 = arith.subf %parallel_loop3A_1683, %parallel_loop3A_1382 : vector<16xf32>
          %parallel_loop3A_1719 = arith.subf %parallel_loop3A_1683, %parallel_loop3A_1382 : vector<16xf32>
          %parallel_loop3A_1720 = arith.mulf %parallel_loop3A_1718, %parallel_loop3A_1719 : vector<16xf32>
          %parallel_loop3A_1721 = arith.subf %parallel_loop3A_1687, %parallel_loop3A_1386 : vector<16xf32>
          %parallel_loop3A_1722 = arith.subf %parallel_loop3A_1687, %parallel_loop3A_1386 : vector<16xf32>
          %parallel_loop3A_1723 = arith.mulf %parallel_loop3A_1721, %parallel_loop3A_1722 : vector<16xf32>
          %parallel_loop3A_1724 = arith.addf %parallel_loop3A_1720, %parallel_loop3A_1723 : vector<16xf32>
          %parallel_loop3A_1725 = arith.constant 0.000000e+00 : f32
          %parallel_loop3A_1726 = vector.broadcast %parallel_loop3A_1725 : f32 to vector<16xf32>
          %parallel_loop3A_1727 = arith.subf %parallel_loop3A_1726, %parallel_loop3A_1724 : vector<16xf32>
          %parallel_loop3A_1728 = math.exp %parallel_loop3A_1727 : vector<16xf32>
          %parallel_loop3A_1729 = arith.mulf %parallel_loop3A_1691, %parallel_loop3A_1728 : vector<16xf32>
          %parallel_loop3A_1730 = arith.addf %scan3A_1503, %parallel_loop3A_1729 : vector<16xf32>
          %parallel_loop3A_1731 = arith.subf %parallel_loop3A_1683, %parallel_loop3A_1390 : vector<16xf32>
          %parallel_loop3A_1732 = arith.subf %parallel_loop3A_1683, %parallel_loop3A_1390 : vector<16xf32>
          %parallel_loop3A_1733 = arith.mulf %parallel_loop3A_1731, %parallel_loop3A_1732 : vector<16xf32>
          %parallel_loop3A_1734 = arith.subf %parallel_loop3A_1687, %parallel_loop3A_1394 : vector<16xf32>
          %parallel_loop3A_1735 = arith.subf %parallel_loop3A_1687, %parallel_loop3A_1394 : vector<16xf32>
          %parallel_loop3A_1736 = arith.mulf %parallel_loop3A_1734, %parallel_loop3A_1735 : vector<16xf32>
          %parallel_loop3A_1737 = arith.addf %parallel_loop3A_1733, %parallel_loop3A_1736 : vector<16xf32>
          %parallel_loop3A_1738 = arith.constant 0.000000e+00 : f32
          %parallel_loop3A_1739 = vector.broadcast %parallel_loop3A_1738 : f32 to vector<16xf32>
          %parallel_loop3A_1740 = arith.subf %parallel_loop3A_1739, %parallel_loop3A_1737 : vector<16xf32>
          %parallel_loop3A_1741 = math.exp %parallel_loop3A_1740 : vector<16xf32>
          %parallel_loop3A_1742 = arith.mulf %parallel_loop3A_1691, %parallel_loop3A_1741 : vector<16xf32>
          %parallel_loop3A_1743 = arith.addf %scan3A_1504, %parallel_loop3A_1742 : vector<16xf32>
          %parallel_loop3A_1744 = arith.subf %parallel_loop3A_1683, %parallel_loop3A_1398 : vector<16xf32>
          %parallel_loop3A_1745 = arith.subf %parallel_loop3A_1683, %parallel_loop3A_1398 : vector<16xf32>
          %parallel_loop3A_1746 = arith.mulf %parallel_loop3A_1744, %parallel_loop3A_1745 : vector<16xf32>
          %parallel_loop3A_1747 = arith.subf %parallel_loop3A_1687, %parallel_loop3A_1402 : vector<16xf32>
          %parallel_loop3A_1748 = arith.subf %parallel_loop3A_1687, %parallel_loop3A_1402 : vector<16xf32>
          %parallel_loop3A_1749 = arith.mulf %parallel_loop3A_1747, %parallel_loop3A_1748 : vector<16xf32>
          %parallel_loop3A_1750 = arith.addf %parallel_loop3A_1746, %parallel_loop3A_1749 : vector<16xf32>
          %parallel_loop3A_1751 = arith.constant 0.000000e+00 : f32
          %parallel_loop3A_1752 = vector.broadcast %parallel_loop3A_1751 : f32 to vector<16xf32>
          %parallel_loop3A_1753 = arith.subf %parallel_loop3A_1752, %parallel_loop3A_1750 : vector<16xf32>
          %parallel_loop3A_1754 = math.exp %parallel_loop3A_1753 : vector<16xf32>
          %parallel_loop3A_1755 = arith.mulf %parallel_loop3A_1691, %parallel_loop3A_1754 : vector<16xf32>
          %parallel_loop3A_1756 = arith.addf %scan3A_1505, %parallel_loop3A_1755 : vector<16xf32>
          %parallel_loop3A_1757 = arith.subf %parallel_loop3A_1683, %parallel_loop3A_1406 : vector<16xf32>
          %parallel_loop3A_1758 = arith.subf %parallel_loop3A_1683, %parallel_loop3A_1406 : vector<16xf32>
          %parallel_loop3A_1759 = arith.mulf %parallel_loop3A_1757, %parallel_loop3A_1758 : vector<16xf32>
          %parallel_loop3A_1760 = arith.subf %parallel_loop3A_1687, %parallel_loop3A_1410 : vector<16xf32>
          %parallel_loop3A_1761 = arith.subf %parallel_loop3A_1687, %parallel_loop3A_1410 : vector<16xf32>
          %parallel_loop3A_1762 = arith.mulf %parallel_loop3A_1760, %parallel_loop3A_1761 : vector<16xf32>
          %parallel_loop3A_1763 = arith.addf %parallel_loop3A_1759, %parallel_loop3A_1762 : vector<16xf32>
          %parallel_loop3A_1764 = arith.constant 0.000000e+00 : f32
          %parallel_loop3A_1765 = vector.broadcast %parallel_loop3A_1764 : f32 to vector<16xf32>
          %parallel_loop3A_1766 = arith.subf %parallel_loop3A_1765, %parallel_loop3A_1763 : vector<16xf32>
          %parallel_loop3A_1767 = math.exp %parallel_loop3A_1766 : vector<16xf32>
          %parallel_loop3A_1768 = arith.mulf %parallel_loop3A_1691, %parallel_loop3A_1767 : vector<16xf32>
          %parallel_loop3A_1769 = arith.addf %scan3A_1506, %parallel_loop3A_1768 : vector<16xf32>
          %parallel_loop3A_1770 = arith.subf %parallel_loop3A_1683, %parallel_loop3A_1414 : vector<16xf32>
          %parallel_loop3A_1771 = arith.subf %parallel_loop3A_1683, %parallel_loop3A_1414 : vector<16xf32>
          %parallel_loop3A_1772 = arith.mulf %parallel_loop3A_1770, %parallel_loop3A_1771 : vector<16xf32>
          %parallel_loop3A_1773 = arith.subf %parallel_loop3A_1687, %parallel_loop3A_1418 : vector<16xf32>
          %parallel_loop3A_1774 = arith.subf %parallel_loop3A_1687, %parallel_loop3A_1418 : vector<16xf32>
          %parallel_loop3A_1775 = arith.mulf %parallel_loop3A_1773, %parallel_loop3A_1774 : vector<16xf32>
          %parallel_loop3A_1776 = arith.addf %parallel_loop3A_1772, %parallel_loop3A_1775 : vector<16xf32>
          %parallel_loop3A_1777 = arith.constant 0.000000e+00 : f32
          %parallel_loop3A_1778 = vector.broadcast %parallel_loop3A_1777 : f32 to vector<16xf32>
          %parallel_loop3A_1779 = arith.subf %parallel_loop3A_1778, %parallel_loop3A_1776 : vector<16xf32>
          %parallel_loop3A_1780 = math.exp %parallel_loop3A_1779 : vector<16xf32>
          %parallel_loop3A_1781 = arith.mulf %parallel_loop3A_1691, %parallel_loop3A_1780 : vector<16xf32>
          %parallel_loop3A_1782 = arith.addf %scan3A_1507, %parallel_loop3A_1781 : vector<16xf32>
          %parallel_loop3A_1783 = arith.subf %parallel_loop3A_1683, %parallel_loop3A_1422 : vector<16xf32>
          %parallel_loop3A_1784 = arith.subf %parallel_loop3A_1683, %parallel_loop3A_1422 : vector<16xf32>
          %parallel_loop3A_1785 = arith.mulf %parallel_loop3A_1783, %parallel_loop3A_1784 : vector<16xf32>
          %parallel_loop3A_1786 = arith.subf %parallel_loop3A_1687, %parallel_loop3A_1426 : vector<16xf32>
          %parallel_loop3A_1787 = arith.subf %parallel_loop3A_1687, %parallel_loop3A_1426 : vector<16xf32>
          %parallel_loop3A_1788 = arith.mulf %parallel_loop3A_1786, %parallel_loop3A_1787 : vector<16xf32>
          %parallel_loop3A_1789 = arith.addf %parallel_loop3A_1785, %parallel_loop3A_1788 : vector<16xf32>
          %parallel_loop3A_1790 = arith.constant 0.000000e+00 : f32
          %parallel_loop3A_1791 = vector.broadcast %parallel_loop3A_1790 : f32 to vector<16xf32>
          %parallel_loop3A_1792 = arith.subf %parallel_loop3A_1791, %parallel_loop3A_1789 : vector<16xf32>
          %parallel_loop3A_1793 = math.exp %parallel_loop3A_1792 : vector<16xf32>
          %parallel_loop3A_1794 = arith.mulf %parallel_loop3A_1691, %parallel_loop3A_1793 : vector<16xf32>
          %parallel_loop3A_1795 = arith.addf %scan3A_1508, %parallel_loop3A_1794 : vector<16xf32>
          %parallel_loop3A_1796 = arith.subf %parallel_loop3A_1683, %parallel_loop3A_1430 : vector<16xf32>
          %parallel_loop3A_1797 = arith.subf %parallel_loop3A_1683, %parallel_loop3A_1430 : vector<16xf32>
          %parallel_loop3A_1798 = arith.mulf %parallel_loop3A_1796, %parallel_loop3A_1797 : vector<16xf32>
          %parallel_loop3A_1799 = arith.subf %parallel_loop3A_1687, %parallel_loop3A_1434 : vector<16xf32>
          %parallel_loop3A_1800 = arith.subf %parallel_loop3A_1687, %parallel_loop3A_1434 : vector<16xf32>
          %parallel_loop3A_1801 = arith.mulf %parallel_loop3A_1799, %parallel_loop3A_1800 : vector<16xf32>
          %parallel_loop3A_1802 = arith.addf %parallel_loop3A_1798, %parallel_loop3A_1801 : vector<16xf32>
          %parallel_loop3A_1803 = arith.constant 0.000000e+00 : f32
          %parallel_loop3A_1804 = vector.broadcast %parallel_loop3A_1803 : f32 to vector<16xf32>
          %parallel_loop3A_1805 = arith.subf %parallel_loop3A_1804, %parallel_loop3A_1802 : vector<16xf32>
          %parallel_loop3A_1806 = math.exp %parallel_loop3A_1805 : vector<16xf32>
          %parallel_loop3A_1807 = arith.mulf %parallel_loop3A_1691, %parallel_loop3A_1806 : vector<16xf32>
          %parallel_loop3A_1808 = arith.addf %scan3A_1509, %parallel_loop3A_1807 : vector<16xf32>
          scf.yield %parallel_loop3A_1704, %parallel_loop3A_1717, %parallel_loop3A_1730, %parallel_loop3A_1743, %parallel_loop3A_1756, %parallel_loop3A_1769, %parallel_loop3A_1782, %parallel_loop3A_1795, %parallel_loop3A_1808 : vector<16xf32>, vector<16xf32>, vector<16xf32>, vector<16xf32>, vector<16xf32>, vector<16xf32>, vector<16xf32>, vector<16xf32>, vector<16xf32>
        }
        %parallel_loop3A_1458 = arith.constant 16 : i32
        %parallel_loop3A_1459 = arith.constant 128 : i32
        %parallel_loop3A_1460 = arith.muli %scan3A_1305, %parallel_loop3A_1459 : i32
        %parallel_loop3A_1461 = arith.constant 16 : i32
        %parallel_loop3A_1462 = arith.muli %parallel_loop3A_1359, %parallel_loop3A_1461 : i32
        %parallel_loop3A_1463 = arith.addi %parallel_loop3A_1460, %parallel_loop3A_1462 : i32
        %parallel_loop3A_1464 = arith.constant 0 : i32
        %parallel_loop3A_1465 = arith.index_cast %parallel_loop3A_1464 : i32 to index
        %parallel_loop3A_1466 = arith.index_cast %parallel_loop3A_1463 : i32 to index
        %parallel_loop3A_1467 = tpu.vector_load %arg7[%parallel_loop3A_1465, %parallel_loop3A_1466] {strides = array<i32>} : memref<9x512xf32, #tpu.memory_space<vmem>>, vector<16xf32>,
        tpu.vector_store %arg7[%parallel_loop3A_1465, %parallel_loop3A_1466], %parallel_loop3A_1457#0 {strides = array<i32>} : memref<9x512xf32, #tpu.memory_space<vmem>>, vector<16xf32>,
        %parallel_loop3A_1468 = arith.constant 1 : i32
        %parallel_loop3A_1469 = arith.index_cast %parallel_loop3A_1468 : i32 to index
        %parallel_loop3A_1470 = arith.index_cast %parallel_loop3A_1463 : i32 to index
        %parallel_loop3A_1471 = tpu.vector_load %arg7[%parallel_loop3A_1469, %parallel_loop3A_1470] {strides = array<i32>} : memref<9x512xf32, #tpu.memory_space<vmem>>, vector<16xf32>,
        tpu.vector_store %arg7[%parallel_loop3A_1469, %parallel_loop3A_1470], %parallel_loop3A_1457#1 {strides = array<i32>} : memref<9x512xf32, #tpu.memory_space<vmem>>, vector<16xf32>,
        %parallel_loop3A_1472 = arith.constant 2 : i32
        %parallel_loop3A_1473 = arith.index_cast %parallel_loop3A_1472 : i32 to index
        %parallel_loop3A_1474 = arith.index_cast %parallel_loop3A_1463 : i32 to index
        %parallel_loop3A_1475 = tpu.vector_load %arg7[%parallel_loop3A_1473, %parallel_loop3A_1474] {strides = array<i32>} : memref<9x512xf32, #tpu.memory_space<vmem>>, vector<16xf32>,
        tpu.vector_store %arg7[%parallel_loop3A_1473, %parallel_loop3A_1474], %parallel_loop3A_1457#2 {strides = array<i32>} : memref<9x512xf32, #tpu.memory_space<vmem>>, vector<16xf32>,
        %parallel_loop3A_1476 = arith.constant 3 : i32
        %parallel_loop3A_1477 = arith.index_cast %parallel_loop3A_1476 : i32 to index
        %parallel_loop3A_1478 = arith.index_cast %parallel_loop3A_1463 : i32 to index
        %parallel_loop3A_1479 = tpu.vector_load %arg7[%parallel_loop3A_1477, %parallel_loop3A_1478] {strides = array<i32>} : memref<9x512xf32, #tpu.memory_space<vmem>>, vector<16xf32>,
        tpu.vector_store %arg7[%parallel_loop3A_1477, %parallel_loop3A_1478], %parallel_loop3A_1457#3 {strides = array<i32>} : memref<9x512xf32, #tpu.memory_space<vmem>>, vector<16xf32>,
        %parallel_loop3A_1480 = arith.constant 4 : i32
        %parallel_loop3A_1481 = arith.index_cast %parallel_loop3A_1480 : i32 to index
        %parallel_loop3A_1482 = arith.index_cast %parallel_loop3A_1463 : i32 to index
        %parallel_loop3A_1483 = tpu.vector_load %arg7[%parallel_loop3A_1481, %parallel_loop3A_1482] {strides = array<i32>} : memref<9x512xf32, #tpu.memory_space<vmem>>, vector<16xf32>,
        tpu.vector_store %arg7[%parallel_loop3A_1481, %parallel_loop3A_1482], %parallel_loop3A_1457#4 {strides = array<i32>} : memref<9x512xf32, #tpu.memory_space<vmem>>, vector<16xf32>,
        %parallel_loop3A_1484 = arith.constant 5 : i32
        %parallel_loop3A_1485 = arith.index_cast %parallel_loop3A_1484 : i32 to index
        %parallel_loop3A_1486 = arith.index_cast %parallel_loop3A_1463 : i32 to index
        %parallel_loop3A_1487 = tpu.vector_load %arg7[%parallel_loop3A_1485, %parallel_loop3A_1486] {strides = array<i32>} : memref<9x512xf32, #tpu.memory_space<vmem>>, vector<16xf32>,
        tpu.vector_store %arg7[%parallel_loop3A_1485, %parallel_loop3A_1486], %parallel_loop3A_1457#5 {strides = array<i32>} : memref<9x512xf32, #tpu.memory_space<vmem>>, vector<16xf32>,
        %parallel_loop3A_1488 = arith.constant 6 : i32
        %parallel_loop3A_1489 = arith.index_cast %parallel_loop3A_1488 : i32 to index
        %parallel_loop3A_1490 = arith.index_cast %parallel_loop3A_1463 : i32 to index
        %parallel_loop3A_1491 = tpu.vector_load %arg7[%parallel_loop3A_1489, %parallel_loop3A_1490] {strides = array<i32>} : memref<9x512xf32, #tpu.memory_space<vmem>>, vector<16xf32>,
        tpu.vector_store %arg7[%parallel_loop3A_1489, %parallel_loop3A_1490], %parallel_loop3A_1457#6 {strides = array<i32>} : memref<9x512xf32, #tpu.memory_space<vmem>>, vector<16xf32>,
        %parallel_loop3A_1492 = arith.constant 7 : i32
        %parallel_loop3A_1493 = arith.index_cast %parallel_loop3A_1492 : i32 to index
        %parallel_loop3A_1494 = arith.index_cast %parallel_loop3A_1463 : i32 to index
        %parallel_loop3A_1495 = tpu.vector_load %arg7[%parallel_loop3A_1493, %parallel_loop3A_1494] {strides = array<i32>} : memref<9x512xf32, #tpu.memory_space<vmem>>, vector<16xf32>,
        tpu.vector_store %arg7[%parallel_loop3A_1493, %parallel_loop3A_1494], %parallel_loop3A_1457#7 {strides = array<i32>} : memref<9x512xf32, #tpu.memory_space<vmem>>, vector<16xf32>,
        %parallel_loop3A_1496 = arith.constant 8 : i32
        %parallel_loop3A_1497 = arith.index_cast %parallel_loop3A_1496 : i32 to index
        %parallel_loop3A_1498 = arith.index_cast %parallel_loop3A_1463 : i32 to index
        %parallel_loop3A_1499 = tpu.vector_load %arg7[%parallel_loop3A_1497, %parallel_loop3A_1498] {strides = array<i32>} : memref<9x512xf32, #tpu.memory_space<vmem>>, vector<16xf32>,
        tpu.vector_store %arg7[%parallel_loop3A_1497, %parallel_loop3A_1498], %parallel_loop3A_1457#8 {strides = array<i32>} : memref<9x512xf32, #tpu.memory_space<vmem>>, vector<16xf32>,
      } {sc.loop_unroll_factor = 1 : i64, sc.parallel_access}
    }
    %scan3A_1293 = arith.constant 4 : i32
    %dma_wait3A = arith.constant 0 : i32
    %dma_wait3A_1294 = arith.constant 0 : i32
    %dma_wait3A_1295 = tpu.memref_slice %arg7[%dma_wait3A, %dma_wait3A_1294] : memref<9x512xf32, #tpu.memory_space<vmem>> -> memref<9x128xf32, #tpu.memory_space<vmem>>
    %dma_wait3A_1296 = arith.constant 0 : i32
    %dma_wait3A_1297 = tpu.memref_slice %arg4[%dma_wait3A_1296, %mul3A_2] : memref<9x16384xf32, #tpu.memory_space<hbm>> -> memref<9x128xf32, #tpu.memory_space<hbm>>
    %dma_wait3A_1298 = arith.constant 0 : i32
    %dma_wait3A_1299 = tpu.memref_slice %arg4[%dma_wait3A_1298, %mul3A_2] : memref<9x16384xf32, #tpu.memory_space<hbm>> -> memref<9x128xf32, #tpu.memory_space<hbm>>
    %dma_wait3A_1300 = arith.constant 0 : i32
    %dma_wait3A_1301 = arith.constant 0 : i32
    %dma_wait3A_1302 = tpu.memref_slice %arg7[%dma_wait3A_1300, %dma_wait3A_1301] : memref<9x512xf32, #tpu.memory_space<vmem>> -> memref<9x128xf32, #tpu.memory_space<vmem>>
    tpu.wait_dma2 semaphore(%arg10 : memref<!tpu.dma_semaphore, #tpu.memory_space<semaphore_mem>>) src(%dma_wait3A_1302 : memref<9x128xf32, #tpu.memory_space<vmem>>) dst(%dma_wait3A_1299 : memref<9x128xf32, #tpu.memory_space<hbm>>)
    %add3A_1303 = arith.constant 128 : i32
    %add3A_1304 = arith.addi %mul3A_2, %add3A_1303 : i32
    "tpu.region"() ({
      %run_scoped3A = tpu.sem_alloc : memref<!tpu.dma_semaphore, #tpu.memory_space<semaphore_mem>>
      %dma_start3A_1305 = arith.constant 0 : i32
      %dma_start3A_1306 = arith.constant 128 : i32
      %dma_start3A_1307 = tpu.memref_slice %arg7[%dma_start3A_1305, %dma_start3A_1306] : memref<9x512xf32, #tpu.memory_space<vmem>> -> memref<9x384xf32, #tpu.memory_space<vmem>>
      %dma_start3A_1308 = arith.constant 0 : i32
      %dma_start3A_1309 = tpu.memref_slice %arg4[%dma_start3A_1308, %add3A_1304] : memref<9x16384xf32, #tpu.memory_space<hbm>> -> memref<9x384xf32, #tpu.memory_space<hbm>>
      %dma_start3A_1310 = arith.constant 0 : i32
      %dma_start3A_1311 = tpu.memref_slice %arg4[%dma_start3A_1310, %add3A_1304] : memref<9x16384xf32, #tpu.memory_space<hbm>> -> memref<9x384xf32, #tpu.memory_space<hbm>>
      %dma_start3A_1312 = arith.constant 0 : i32
      %dma_start3A_1313 = arith.constant 128 : i32
      %dma_start3A_1314 = tpu.memref_slice %arg7[%dma_start3A_1312, %dma_start3A_1313] : memref<9x512xf32, #tpu.memory_space<vmem>> -> memref<9x384xf32, #tpu.memory_space<vmem>>
      tpu.enqueue_dma source(%dma_start3A_1314 : memref<9x384xf32, #tpu.memory_space<vmem>>) target(%dma_start3A_1311 : memref<9x384xf32, #tpu.memory_space<hbm>>) target_semaphore(%run_scoped3A : memref<!tpu.dma_semaphore, #tpu.memory_space<semaphore_mem>>)
      %dma_wait3A_1315 = arith.constant 0 : i32
      %dma_wait3A_1316 = arith.constant 128 : i32
      %dma_wait3A_1317 = tpu.memref_slice %arg7[%dma_wait3A_1315, %dma_wait3A_1316] : memref<9x512xf32, #tpu.memory_space<vmem>> -> memref<9x384xf32, #tpu.memory_space<vmem>>
      %dma_wait3A_1318 = arith.constant 0 : i32
      %dma_wait3A_1319 = tpu.memref_slice %arg4[%dma_wait3A_1318, %add3A_1304] : memref<9x16384xf32, #tpu.memory_space<hbm>> -> memref<9x384xf32, #tpu.memory_space<hbm>>
      %dma_wait3A_1320 = arith.constant 0 : i32
      %dma_wait3A_1321 = tpu.memref_slice %arg4[%dma_wait3A_1320, %add3A_1304] : memref<9x16384xf32, #tpu.memory_space<hbm>> -> memref<9x384xf32, #tpu.memory_space<hbm>>
      %dma_wait3A_1322 = arith.constant 0 : i32
      %dma_wait3A_1323 = arith.constant 128 : i32
      %dma_wait3A_1324 = tpu.memref_slice %arg7[%dma_wait3A_1322, %dma_wait3A_1323] : memref<9x512xf32, #tpu.memory_space<vmem>> -> memref<9x384xf32, #tpu.memory_space<vmem>>
      tpu.wait_dma2 semaphore(%run_scoped3A : memref<!tpu.dma_semaphore, #tpu.memory_space<semaphore_mem>>) src(%dma_wait3A_1324 : memref<9x384xf32, #tpu.memory_space<vmem>>) dst(%dma_wait3A_1321 : memref<9x384xf32, #tpu.memory_space<hbm>>)
      tpu.yield
    }) : () -> ()
    return
  }
}

</mosaic_0001>

<sc_bundles>
// kernel: kernel.3.cloned.1.call-start
scs
__scs_entry_jumppad:
0x0: {  	(pc) =	sbr.rel $0x88, $3  }
0x1: {  	(tag) =	ssettag $0x0;
	lr =	simm.s32 $0x1  }
0x2: {  	[smem:$0x3F9A] =	sst lr;
	_ =	strace $0xD0000000  }
0x3: {  	_ = 	snop  }
0x4: {  	_ = 	snop  }
0x5: {  	_ = 	snop  }
0x6: {  	_ = 	snop  }
0x7: {  	_ = 	snop  }
__scs_overlays_trampoline_lowered:
0x8: {  	[smem:$0x3FA9] =	sst s0  }
0x9: {  	[smem:$0x3FAA] =	sst s1  }
0xa: {  	[smem:$0x3FAB] =	sst s2  }
0xb: {  	[smem:$0x3FAC] =	sst s3  }
0xc: {  	[smem:$0x3FAD] =	sst s4  }
0xd: {  	[smem:$0x3FAE] =	sst s5  }
0xe: {  	[smem:$0x3FAF] =	sst s6  }
0xf: {  	[smem:$0x3FB0] =	sst s7  }
0x10: {  	[smem:$0x3FB1] =	sst s8  }
0x11: {  	[smem:$0x3FB2] =	sst s9;
	s0 =	simm.s32 @!p0 $0x0  }
0x12: {  	s1 =	sld [smem:$0x3F98];
	s0 =	simm.s32 @p0 $0x1  }
0x13: {  	[smem:$0x3FB3] =	sst s0;
	s0 =	simm.s32 @!p1 $0x0  }
0x14: {  	s2 =	sld [smem:$0x3F97];
	s0 =	simm.s32 @p1 $0x1  }
0x15: {  	[smem:$0x3FB4] =	sst s0;
	s0 =	simm.s32 @!p2 $0x0  }
0x16: {  	s3 =	sld [smem:$0x3FDB];
	s0 =	simm.s32 @p2 $0x1  }
0x17: {  	s4 =	simm.s32 $0x1BF5;
	[smem:$0x3FB6] =	sst s0  }
0x18: {  	s0 =	sld [smem:$0x3F99];
	_ =	swait.ge [sflag:s4], $0x0  }
0x19: {  	s7 =	sld [smem:$0x3F9A]  }
0x1a: {  	s8 =	sadd.s32 $0xFFFFE003, lr  }
0x1b: {  	s9 =	sadd.s32 $0xFFFFFEF7, lr;
	s5 =	simm.s32 $0xFFFFFFFF;
	p2 =	slt.u32 s8, $0xFFFFF086  }
0x1c: {  	p1 =	slt.u32 s9, $0xF7A;
	s5 =	simm.s32 @!p2 $0x0  }
0x1d: {  	s5 =	simm.s32 @p1 $0x1;
	p0 =	seq.s32 s7, s2  }
0x1e: {  	s7 =	smul.u32 @!p0 $0xF7A, s2;
	p2 =	seq.s32 @!p0 s5, $0x0  }
0x1f: {  	s9 =	smul.u32 $0xF7A, s1;
	s8 =	simm.s32 @!p0 $0x1BF5;
	p2 =	por !p2, p0  }
0x20: {  	[sflag:s8] =	ssyncset.s32 @!p0 $0xFFFFF086;
	s6 =	sadd.s32 @!p0 s3, s7;
	s7 =	simm.s32 @!p0 $0x108  }
0x21: {  	s3 =	sadd.s32 s3, s9;
	s6 =	sadd.s32 @!p0 $0x88, s6;
	s7 =	simm.s32 @p2 $0x1082  }
0x22: {  	[simem:s7], [sflag:s8] =	dma.local @!p0 [hbm:s6], $0xF7A  }
0x23: {  	s9 =	sor.u32 $0xD0000000, s2;
	s6 =	simm.s32 $0x108;
	_ =	swait.ge @!p0 [sflag:s8], $0x0  }
0x24: {  	s3 =	sadd.s32 $0x88, s3;
	s6 =	simm.s32 @!p1 $0x1082;
	[sflag:s4] =	ssyncset.s32 $0xFFFFF086  }
0x25: {  	[simem:s6], [sflag:s4] =	dma.local [hbm:s3], $0xF7A  }
0x26: {  	[smem:$0x3F9A] =	sst s1;
	(tag) =	ssettag s2;
	_ =	strace s9  }
0x27: {  	s1 =	sld [smem:$0x3FAA]  }
0x28: {  	s2 =	sld [smem:$0x3FAB]  }
0x29: {  	s4 =	sld [smem:$0x3FAD]  }
0x2a: {  	p0 =	seq.s32 s5, $0x0;
	s5 =	sld [smem:$0x3FAE]  }
0x2b: {  	s6 =	sld [smem:$0x3FAF]  }
0x2c: {  	s7 =	sld [smem:$0x3FB0]  }
0x2d: {  	s3 =	simm.s32 $0x108;
	s8 =	sld [smem:$0x3FB1]  }
0x2e: {  	s3 =	simm.s32 @!p0 $0x1082;
	s9 =	sld [smem:$0x3FB2]  }
0x2f: {  	lr =	sadd.s32 s0, s3;
	s0 =	sld [smem:$0x3FA9]  }
0x30: {  	s3 =	sld [smem:$0x3FAC]  }
0x31: {  	[smem:$0x3FB5] =	sst s10  }
0x32: {  	s10 =	sld [smem:$0x3FB3];
	_ =	sdelay $0x3  }
0x33: {  	p0 =	seq.s32 s10, $0x1;
	s10 =	sld [smem:$0x3FB5];
	_ =	sdelay $0x3  }
0x34: {  	[smem:$0x3FB5] =	sst s10  }
0x35: {  	s10 =	sld [smem:$0x3FB4];
	_ =	sdelay $0x3  }
0x36: {  	p1 =	seq.s32 s10, $0x1;
	s10 =	sld [smem:$0x3FB5];
	_ =	sdelay $0x3  }
0x37: {  	[smem:$0x3FB5] =	sst s10  }
0x38: {  	s10 =	sld [smem:$0x3FB6]  }
0x39: {  	_ = 	snop;
	(pc) =	sbr.ind lr, $3  }
0x3a: {  	_ = 	snop  }
0x3b: {  	_ = 	snop  }
0x3c: {  	p2 =	seq.s32 s10, $0x1;
	s10 =	sld [smem:$0x3FB5]  }
0x3d: {  	_ =	shalt  }
0x3e: {  	_ =	shalt  }
0x3f: {  	_ =	shalt  }
0x40: {  	_ =	shalt  }
0x41: {  	_ =	shalt  }
0x42: {  	_ =	shalt  }
0x43: {  	_ =	shalt  }
0x44: {  	_ =	shalt  }
0x45: {  	_ =	shalt  }
0x46: {  	_ =	shalt  }
0x47: {  	_ =	shalt  }
0x48: {  	_ =	shalt  }
0x49: {  	_ =	shalt  }
0x4a: {  	_ =	shalt  }
0x4b: {  	_ =	shalt  }
0x4c: {  	_ =	shalt  }
0x4d: {  	_ =	shalt  }
0x4e: {  	_ =	shalt  }
0x4f: {  	_ =	shalt  }
0x50: {  	_ =	shalt  }
0x51: {  	_ =	shalt  }
0x52: {  	_ =	shalt  }
0x53: {  	_ =	shalt  }
0x54: {  	_ =	shalt  }
0x55: {  	_ =	shalt  }
0x56: {  	_ =	shalt  }
0x57: {  	_ =	shalt  }
0x58: {  	_ =	shalt  }
0x59: {  	_ =	shalt  }
0x5a: {  	_ =	shalt  }
0x5b: {  	_ =	shalt  }
0x5c: {  	_ =	shalt  }
0x5d: {  	_ =	shalt  }
0x5e: {  	_ =	shalt  }
0x5f: {  	_ =	shalt  }
0x60: {  	_ =	shalt  }
0x61: {  	_ =	shalt  }
0x62: {  	_ =	shalt  }
0x63: {  	_ =	shalt  }
0x64: {  	_ =	shalt  }
0x65: {  	_ =	shalt  }
0x66: {  	_ =	shalt  }
0x67: {  	_ =	shalt  }
0x68: {  	_ =	shalt  }
0x69: {  	_ =	shalt  }
0x6a: {  	_ =	shalt  }
0x6b: {  	_ =	shalt  }
0x6c: {  	_ =	shalt  }
0x6d: {  	_ =	shalt  }
0x6e: {  	_ =	shalt  }
0x6f: {  	_ =	shalt  }
0x70: {  	_ =	shalt  }
0x71: {  	_ =	shalt  }
0x72: {  	_ =	shalt  }
0x73: {  	_ =	shalt  }
0x74: {  	_ =	shalt  }
0x75: {  	_ =	shalt  }
0x76: {  	_ =	shalt  }
0x77: {  	_ =	shalt  }
0x78: {  	_ =	shalt  }
0x79: {  	_ =	shalt  }
0x7a: {  	_ =	shalt  }
0x7b: {  	_ =	shalt  }
0x7c: {  	_ =	shalt  }
0x7d: {  	_ =	shalt  }
0x7e: {  	_ =	shalt  }
0x7f: {  	_ =	shalt  }
0x80: {  	_ =	shalt  }
0x81: {  	_ =	shalt  }
0x82: {  	_ =	shalt  }
0x83: {  	_ =	shalt  }
0x84: {  	_ =	shalt  }
0x85: {  	_ =	shalt  }
0x86: {  	_ =	shalt  }
0x87: {  	_ =	shalt  }
.Lfunc_end0:
.L_simem_size_0:
called_computation_lowered:
.L_overlay_start_0:
0x88: {  	s2 =	sld [smem:$0x3FD9]  }
0x89: {  	s3 =	sld [smem:$0x3FFE];
	_ =	sdelay $0x1  }
0x8a: {  	s1 =	srdreg.scid  }
0x8b: {  	s0 =	sand.u32 $0x1, s1  }
0x8c: {  	s17 =	sshll.u32 s0, $0xA;
	s2 =	sadd.s32 s3, s2  }
0x8d: {  	s2 =	sadd.s32 s2, s17  }
0x8e: {  	[smem:$0x3FC1] =	sst s2  }
0x8f: {  	_ = 	snop  }
0x90: {  	s2 =	sld [smem:$0x3FC9]  }
0x91: {  	s18 =	sld [smem:$0x3FD0];
	(tm) =	ssettm $0x1  }
0x92: {  	s4 =	sld [smem:$0x3FFB];
	_ =	sdelay $0x3  }
0x93: {  	_ =	strace s4  }
0x94: {  	s4 =	sld [smem:$0x3FFC];
	_ =	sdelay $0x3  }
0x95: {  	_ =	strace s4  }
0x96: {  	s4 =	sld [smem:$0x3FFD];
	_ =	sdelay $0x3  }
0x97: {  	_ =	strace s4  }
0x98: {  	_ =	strace $0x8FFFFFFF  }
0x99: {  	s19 =	sld [smem:$0x3FDB];
	_ =	sdelay $0x1  }
0x9a: {  	s5 =	simm.s32 $_scs_section_size  }
0x9b: {  	s6 =	simm.s32 $_size__tile_overlayer_lowered;
	s7 =	simm.s32 $_tile_overlayer_lowered  }
0x9c: {  	s22 =	simm.s32 $0x1BFF;
	s21 =	sshll.u32 s7, $0x1;
	s4 =	sadd.s32 s5, s19  }
0x9d: {  	s8 =	simm.s32 $0x0;
	s20 =	sshll.u32 s6, $0x1;
	s6 =	sadd.s32 s21, s4  }
0x9e: {  	[timem:s8], [sflag:s22] =	dma.local [hbm:s6], s20  }
0x9f: {  	_ =	swait.ge [sflag:s22], s20  }
0xa0: {  	s5 =	ssub.s32 $0x0, s20;
	[sflag:s22] =	ssyncset.done $0x0  }
0xa1: {  	[sflag:s22] =	ssyncadd.s32 s5;
	_ =	sdelay $0x1  }
0xa2: {  	s23 =	simm.s32 $0x1B8B  }
0xa3: {  	_ =	swait.ge [sflag:s23], $0x1  }
0xa4: {  	[sflag:s23] =	ssyncset.done $0x0  }
0xa5: {  	s25 =	simm.s32 $0x1B8E;
	s24 =	sld [smem:$0x3FFE];
	[sflag:s23] =	ssyncadd.s32 $0xFFFFFFFF  }
0xa6: {  	s26 =	simm.s32 $execute0_lowered;
	[smem:$0x3FD2] =	sst s25  }
0xa7: {  	s6 =	sshll.u32 s26, $0x1;
	_ =	strace $0x80000046;
	[dreg:$0x1] =	wrdreg $0xFFFFFFFF  }
0xa8: {  	s28 =	simm.s32 $_size_execute0_lowered;
	s4 =	sadd.s32 s4, s6;
	[dreg:$0x0] =	wrdreg $0x0  }
0xa9: {  	s6 =	sshll.u32 s28, $0x1;
	[dreg:$0x2] =	wrdreg s4  }
0xaa: {  	[dreg:$0x3] =	wrdreg s6  }
0xab: {  	[dreg:$0x4] =	wrdreg $0xC0  }
0xac: {  	_ =	task [dreg:s8], $0x5FFFF  }
0xad: {  	[dreg:$0x1] =	wrdreg $0xFFFFFFFF  }
0xae: {  	[dreg:$0x0] =	wrdreg $0x60  }
0xaf: {  	[dreg:$0x2] =	wrdreg s2  }
0xb0: {  	[dreg:$0x3] =	wrdreg s24  }
0xb1: {  	[dreg:$0x4] =	wrdreg s18  }
0xb2: {  	[dreg:$0x5] =	wrdreg $0x9  }
0xb3: {  	_ =	task.clear_ibuf [dreg:s8], $0x6FFFF;
	_ =	strace $0x90000046  }
0xb4: {  	s29 =	simm.s32 $0x9;
	_ =	strace $0x80000048  }
0xb5: {  	_ =	swait.ge [sflag:s29], $0x1  }
0xb6: {  	[sflag:s29] =	ssyncadd.s32 $0xFFFFFFFF  }
0xb7: {  	_ =	strace $0x90000048  }
0xb8: {  	_ =	sfence  }
0xb9: {  	s30 =	sld [smem:$0x0];
	_ =	sdelay $0x2  }
0xba: {  	s31 =	sshll.u32 s1, $0xD;
	s1 =	sshrl.u32 s1, $0x2  }
0xbb: {  	s3 =	sand.u32 $0x4000, s31;
	s1 =	sadd.s32 s1, s30  }
0xbc: {  	s0 =	sor.u32 s3, s0;
	s1 =	sshll.u32 s1, $0x11  }
0xbd: {  	s0 =	sor.u32 s1, s0  }
0xbe: {  	s0 =	sadd.s32 $0x8F2B, s0  }
0xbf: {  	[sflag:s0] =	ssyncadd.remote.s32 $0x1  }
0xc0: {  	_ =	sfence.sel $0xFFFF  }
0xc1: {  	[dreg:$0x0] =	wrdreg $0xFFFFFFFF;
	(pc) =	sbr.abs _section_cstart, $3  }
0xc2: {  	[dreg:$0x1] =	wrdreg $0xFFFFFFFF  }
0xc3: {  	_ =	task.clear_ibuf [dreg:s8], $0x2FFFF;
	_ =	strace $0x9FFFFFFF  }
0xc4: {  	(tm) =	ssettm $0x7FFFFFFF  }
0xc5: {  	_ =	shalt  }
tec
execute0_lowered:
.L_overlay_start_1:
0x0: {  	(tag) =	ssettag $0x1  }
0x1: {  	v1 =	vlaneseq.u32  }
0x2: {  	v0 =	vmul.u32 $0x6, v1;
	_ =	sdelay $0x1  }
0x3: {  	v2 =	vor.u32 $0x1, v0  }
0x4: {  	[tilespmem:$0x1FE50] =	vst v2;
	v2 =	vadd.s32 $0x2, v0  }
0x5: {  	[tilespmem:$0x1FE60] =	vst v2;
	v2 =	vadd.s32 $0x3, v0  }
0x6: {  	[tilespmem:$0x1FE70] =	vst v2;
	v2 =	vadd.s32 $0x60, v0  }
0x7: {  	s5 =	rddreg [dreg:$0x0];
	[tilespmem:$0x1FE80] =	vst v2;
	v2 =	vadd.s32 $0x61, v0  }
0x8: {  	s3 =	rddreg [dreg:$0x1];
	[tilespmem:$0x1FE90] =	vst v2;
	v2 =	vadd.s32 $0x62, v0  }
0x9: {  	s4 =	rddreg [dreg:$0x2];
	s2 =	simm.s32 $0x0;
	[tilespmem:$0x1FEA0] =	vst v2;
	v2 =	vadd.s32 $0x63, v0  }
0xa: {  	[smem:$0x7FF] =	sst s2;
	[tilespmem:$0x1FEB0] =	vst v2;
	v2 =	vadd.s32 $0xC0, v0  }
0xb: {  	s0 =	rddreg [dreg:$0x3];
	_ =	strace $0x80000047;
	[tilespmem:$0x1FEC0] =	vst v2;
	v2 =	vadd.s32 $0xC1, v0  }
0xc: {  	[tilespmem:$0x1FED0] =	vst v2;
	v2 =	vadd.s32 $0xC2, v0  }
0xd: {  	[tilespmem:$0x1FEE0] =	vst v2;
	v2 =	vadd.s32 $0xC3, v0  }
0xe: {  	[tilespmem:$0x1FEF0] =	vst v2;
	v2 =	vadd.s32 $0xC4, v0  }
0xf: {  	[tilespmem:$0x1FF00] =	vst v2;
	v2 =	vadd.s32 $0xC5, v0  }
0x10: {  	[tilespmem:$0x1FF10] =	vst v2;
	v2 =	vadd.s32 $0x120, v0  }
0x11: {  	[tilespmem:$0x1FF20] =	vst v2;
	v2 =	vadd.s32 $0x121, v0  }
0x12: {  	[tilespmem:$0x1FF30] =	vst v2;
	v2 =	vadd.s32 $0x122, v0  }
0x13: {  	[tilespmem:$0x1FF40] =	vst v2;
	v2 =	vadd.s32 $0x123, v0  }
0x14: {  	[tilespmem:$0x1FF50] =	vst v2;
	v2 =	vadd.s32 $0x124, v0  }
0x15: {  	[tilespmem:$0x1FF60] =	vst v2;
	v2 =	vadd.s32 $0x125, v0  }
0x16: {  	s6 =	srdreg.scid;
	[tilespmem:$0x1FF70] =	vst v2;
	v2 =	vor.u32 $0x180, v0  }
0x17: {  	s1 =	stileid.u32;
	s10 =	simm.s32 $0x800;
	s11 =	simm.s32 $0x1000;
	[tilespmem:$0x1FF80] =	vst v2;
	v2 =	vor.u32 $0x181, v0  }
0x18: {  	s12 =	simm.s32 $0x1800;
	s13 =	simm.s32 $0x3;
	s14 =	simm.s32 $0x1;
	[tilespmem:$0x1FF90] =	vst v2;
	v2 =	vadd.s32 $0x182, v0  }
0x19: {  	s15 =	simm.s32 $0x2;
	s16 =	simm.s32 $0x1E00;
	s6 =	sand.u32 $0x1, s6;
	[tilespmem:$0x1FFA0] =	vst v2;
	v2 =	vadd.s32 $0x183, v0  }
0x1a: {  	s17 =	simm.s32 $0x2E00;
	s7 =	sshll.u32 s1, $0xA;
	v1 =	vmul.u32 $0x2, v1;
	s8 =	sshll.u32 s6, $0x9;
	[tilespmem:$0x1FFB0] =	vst v2;
	v2 =	vadd.s32 $0x184, v0  }
0x1b: {  	s18 =	simm.s32 $0x0;
	s6 =	ssub.s32 $0x2, s6;
	s7 =	sor.u32 s8, s7;
	[tilespmem:$0x1FFC0] =	vst v2;
	v2 =	vadd.s32 $0x185, v0  }
0x1c: {  	s3 =	sadd.s32 $0x400, s3;
	s31 =	sshrl.u32 s6, $0x1;
	s4 =	sadd.s32 s4, s7;
	[tilespmem:$0x1FFD0] =	vst v2;
	v2 =	vor.u32 $0x1E0, v1  }
0x1d: {  	s8 =	ssub.s32 s6, s31;
	s5 =	sadd.s32 s5, s7;
	s6 =	sadd.s32 $0x80, s4;
	v1 =	vor.u32 $0x1E1, v1;
	[tilespmem:$0x1FFE0] =	vst v2  }
0x1e: {  	s7 =	smax.u32 s8, $0x1;
	s8 =	sadd.s32 $0x4000, s5;
	s9 =	sadd.s32 $0x8000, s5;
	[tilespmem:$0x1FFF0] =	vst v1  }
.LBB2_1:
0x1f: {  	[tilespmem:s2], [sflag:$0x1] =	stream.linear.gather [hbm4b:s5+s2], $0x400, $0x38;
	[tilespmem:$0x4500] =	vst v63  }
0x20: {  	_ = 	snop  }
0x21: {  	[tilespmem:s10], [sflag:$0x1] =	stream.linear.gather [hbm4b:s8+s2], $0x400, $0x38;
	[tilespmem:$0x4500] =	vst v63  }
0x22: {  	_ = 	snop  }
0x23: {  	[tilespmem:s11], [sflag:$0x1] =	stream.linear.gather [hbm4b:s9+s2], $0x400, $0x38;
	[tilespmem:$0x4500] =	vst v63  }
0x24: {  	_ = 	snop  }
0x25: {  	[tilespmem:s12], [sflag:$0x3] =	stream.linear.gather [hbm4b:s3+s2], $0x200, $0x38;
	[tilespmem:$0x4500] =	vst v63  }
0x26: {  	_ =	swait.ge [sflag:s13], $0x200  }
0x27: {  	[sflag:s13] =	ssyncset.done $0x0  }
0x28: {  	[sflag:s13] =	ssyncadd.s32 $0xFFFFFE00  }
0x29: {  	v1 =	vld.idx.msk [tilespmem:v0+s12+$0x0], $0xffff;
	_ =	sdelay $0x4  }
0x2a: {  	v1 =	vsub.f32 $0.0e+00, v1;
	_ =	sdelay $0x1  }
0x2b: {  	v1 =	vmul.f32 $1.442695020e+00, v1;
	_ =	sdelay $0x1  }
0x2c: {  	(erf) = vpow2.f32 v1;
	v1 =	vld [tilespmem:$0x1FE50];
	_ =	sdelay $0x7  }
0x2d: {  	v1 =	vld.idx.msk [tilespmem:v1+s12+$0x0], $0xffff;
	_ =	sdelay $0x4  }
0x2e: {  	v2 =	vpop (erf);
	v1 =	vsub.f32 $0.0e+00, v1  }
0x2f: {  	v2 =	vadd.f32 $1.000000000e+00, v2  }
0x30: {  	v1 =	vmul.f32 $1.442695020e+00, v1  }
0x31: {  	(erf) = vrcp.f32 v2  }
0x32: {  	(erf) = vpow2.f32 v1;
	_ =	sdelay $0x7  }
0x33: {  	v37 =	vpop (erf)  }
0x34: {  	v2 =	vpop (erf)  }
0x35: {  	v2 =	vadd.f32 $1.000000000e+00, v2;
	_ =	sdelay $0x1  }
0x36: {  	(erf) = vrcp.f32 v2;
	v2 =	vld [tilespmem:$0x1FE80];
	_ =	sdelay $0x7  }
0x37: {  	v52 =	vld.idx.msk [tilespmem:v2+s12+$0x0], $0xffff  }
0x38: {  	v2 =	vld [tilespmem:$0x1FE90];
	_ =	sdelay $0x4  }
0x39: {  	v1 =	vld [tilespmem:$0x1FE60];
	_ =	sdelay $0x2  }
0x3a: {  	v51 =	vld.idx.msk [tilespmem:v2+s12+$0x0], $0xffff  }
0x3b: {  	v2 =	vld [tilespmem:$0x1FEA0];
	_ =	sdelay $0x3  }
0x3c: {  	v1 =	vld.idx.msk [tilespmem:v1+s12+$0x0], $0xffff;
	_ =	sdelay $0x3  }
0x3d: {  	v50 =	vld.idx.msk [tilespmem:v2+s12+$0x0], $0xffff  }
0x3e: {  	v1 =	vsub.f32 $0.0e+00, v1;
	v2 =	vld [tilespmem:$0x1FEB0];
	_ =	sdelay $0x1  }
0x3f: {  	v1 =	vmul.f32 $1.442695020e+00, v1;
	_ =	sdelay $0x1  }
0x40: {  	(erf) = vpow2.f32 v1;
	v1 =	vld [tilespmem:$0x1FE70];
	_ =	sdelay $0x3  }
0x41: {  	v49 =	vld.idx.msk [tilespmem:v2+s12+$0x0], $0xffff  }
0x42: {  	v2 =	vld [tilespmem:$0x1FEC0];
	_ =	sdelay $0x2  }
0x43: {  	v1 =	vld.idx.msk [tilespmem:v1+s12+$0x0], $0xffff;
	_ =	sdelay $0x3  }
0x44: {  	v39 =	vpop (erf)  }
0x45: {  	v1 =	vsub.f32 $0.0e+00, v1;
	v48 =	vld.idx.msk [tilespmem:v2+s12+$0x0], $0xffff;
	v2 =	vpop (erf)  }
0x46: {  	v2 =	vadd.f32 $1.000000000e+00, v2  }
0x47: {  	v1 =	vmul.f32 $1.442695020e+00, v1  }
0x48: {  	(erf) = vrcp.f32 v2  }
0x49: {  	(erf) = vpow2.f32 v1;
	v1 =	vld [tilespmem:$0x1FF40];
	_ =	sdelay $0x7  }
0x4a: {  	v31 =	vld.idx.msk [tilespmem:v1+s12+$0x0], $0xffff  }
0x4b: {  	v1 =	vld [tilespmem:$0x1FF50];
	_ =	sdelay $0x7  }
0x4c: {  	v34 =	vld.idx.msk [tilespmem:v1+s12+$0x0], $0xffff  }
0x4d: {  	v1 =	vld [tilespmem:$0x1FF60];
	_ =	sdelay $0x7  }
0x4e: {  	v30 =	vld.idx.msk [tilespmem:v1+s12+$0x0], $0xffff  }
0x4f: {  	v1 =	vld [tilespmem:$0x1FF70];
	_ =	sdelay $0x7  }
0x50: {  	v29 =	vld.idx.msk [tilespmem:v1+s12+$0x0], $0xffff  }
0x51: {  	v1 =	vld [tilespmem:$0x1FF80];
	_ =	sdelay $0x7  }
0x52: {  	v44 =	vld.idx.msk [tilespmem:v1+s12+$0x0], $0xffff  }
0x53: {  	v1 =	vld [tilespmem:$0x1FF90];
	_ =	sdelay $0x7  }
0x54: {  	v43 =	vld.idx.msk [tilespmem:v1+s12+$0x0], $0xffff  }
0x55: {  	v1 =	vld [tilespmem:$0x1FFA0];
	_ =	sdelay $0x1  }
0x56: {  	v3 =	vld [tilespmem:$0x1FED0]  }
0x57: {  	v4 =	vld [tilespmem:$0x1FEF0]  }
0x58: {  	v58 =	vld [tilespmem:$0x1FF20]  }
0x59: {  	v59 =	vld [tilespmem:$0x1FF30]  }
0x5a: {  	v7 =	vld [tilespmem:$0x1FFD0]  }
0x5b: {  	v2 =	vld [tilespmem:$0x1FF00]  }
0x5c: {  	v42 =	vld.idx.msk [tilespmem:v1+s12+$0x0], $0xffff  }
0x5d: {  	v1 =	vld [tilespmem:$0x1FFB0]  }
0x5e: {  	v61 =	vld [tilespmem:$0x1FFE0]  }
0x5f: {  	v8 =	vld [tilespmem:$0x1FFF0]  }
0x60: {  	v46 =	vld.idx.msk [tilespmem:v3+s12+$0x0], $0xffff  }
0x61: {  	v3 =	vld [tilespmem:$0x1FEE0]  }
0x62: {  	v47 =	vld.idx.msk [tilespmem:v4+s12+$0x0], $0xffff  }
0x63: {  	v45 =	vld.idx.msk [tilespmem:v2+s12+$0x0], $0xffff  }
0x64: {  	v2 =	vld [tilespmem:$0x1FF10]  }
0x65: {  	v38 =	vld.idx.msk [tilespmem:v1+s12+$0x0], $0xffff  }
0x66: {  	v1 =	vld [tilespmem:$0x1FFC0]  }
0x67: {  	v36 =	vld.idx.msk [tilespmem:v58+s12+$0x0], $0xffff;
	v41 =	vpop (erf)  }
0x68: {  	v33 =	vld.idx.msk [tilespmem:v59+s12+$0x0], $0xffff;
	v60 =	vsub.f32 $1.000000000e+00, v37;
	v5 =	vsub.f32 $1.000000000e+00, v41  }
0x69: {  	v32 =	vld.idx.msk [tilespmem:v7+s12+$0x0], $0xffff  }
0x6a: {  	v40 =	vld.idx.msk [tilespmem:v61+s12+$0x0], $0xffff;
	v6 =	vadd.f32 v5, v60  }
0x6b: {  	v28 =	vld.idx.msk [tilespmem:v8+s12+$0x0], $0xffff  }
0x6c: {  	v3 =	vld.idx.msk [tilespmem:v3+s12+$0x0], $0xffff;
	v62 =	vbroadcast v6, $0x0  }
0x6d: {  	v63 =	vbroadcast v6, $0x1;
	v2 =	vld.idx.msk [tilespmem:v2+s12+$0x0], $0xffff  }
0x6e: {  	v10 =	vbroadcast v6, $0x3;
	v35 =	vld.idx.msk [tilespmem:v1+s12+$0x0], $0xffff;
	[tilespmem:$0x3A00] =	vst v62  }
0x6f: {  	v11 =	vbroadcast v6, $0x5;
	[tilespmem:$0x3A10] =	vst v63  }
0x70: {  	v12 =	vbroadcast v6, $0x7;
	[tilespmem:$0x3A30] =	vst v10  }
0x71: {  	v4 =	vmul.f32 v60, v52;
	v13 =	vbroadcast v6, $0x9;
	[tilespmem:$0x3A50] =	vst v11  }
0x72: {  	v5 =	vmul.f32 v5, v50;
	v14 =	vbroadcast v6, $0xA;
	[tilespmem:$0x3A70] =	vst v12  }
0x73: {  	v15 =	vbroadcast v6, $0xB;
	[tilespmem:$0x3A90] =	vst v13  }
0x74: {  	v16 =	vbroadcast v6, $0xC;
	v56 =	vadd.f32 v5, v4;
	v1 =	vpop (erf);
	[tilespmem:$0x3AA0] =	vst v14  }
0x75: {  	v17 =	vbroadcast v6, $0xD;
	[tilespmem:$0x3AB0] =	vst v15;
	v1 =	vadd.f32 $1.000000000e+00, v1  }
0x76: {  	v18 =	vbroadcast v6, $0xE;
	v8 =	vmul.f32 $-2.000000000e+00, v56;
	[tilespmem:$0x3AC0] =	vst v16  }
0x77: {  	[tilespmem:$0x3AD0] =	vst v17;
	(erf) = vrcp.f32 v1;
	v1 =	vbroadcast v6, $0x2  }
0x78: {  	v61 =	vbroadcast v8, $0x0;
	[tilespmem:$0x3AE0] =	vst v18  }
0x79: {  	[tilespmem:$0x3A20] =	vst v1;
	v1 =	vbroadcast v6, $0x4  }
0x7a: {  	v62 =	vbroadcast v8, $0x1;
	[tilespmem:$0x3C00] =	vst v61  }
0x7b: {  	[tilespmem:$0x3A40] =	vst v1;
	v1 =	vbroadcast v6, $0x6  }
0x7c: {  	v63 =	vbroadcast v8, $0x2;
	[tilespmem:$0x3C10] =	vst v62  }
0x7d: {  	v12 =	vbroadcast v8, $0x4;
	[tilespmem:$0x3A60] =	vst v1;
	v1 =	vbroadcast v6, $0x8  }
0x7e: {  	v13 =	vbroadcast v8, $0x5;
	[tilespmem:$0x3C20] =	vst v63  }
0x7f: {  	[tilespmem:$0x3C40] =	vst v12  }
0x80: {  	v14 =	vbroadcast v8, $0x6;
	[tilespmem:$0x3C50] =	vst v13  }
0x81: {  	v15 =	vbroadcast v8, $0x7;
	[tilespmem:$0x3A80] =	vst v1;
	v1 =	vpop (erf)  }
0x82: {  	v9 =	vsub.f32 $1.000000000e+00, v39;
	v16 =	vbroadcast v8, $0x8;
	[tilespmem:$0x3C60] =	vst v14;
	v10 =	vsub.f32 $1.000000000e+00, v1  }
0x83: {  	v17 =	vbroadcast v8, $0x9;
	[tilespmem:$0x3C70] =	vst v15  }
0x84: {  	v18 =	vbroadcast v8, $0xA;
	[tilespmem:$0x3C80] =	vst v16;
	v11 =	vadd.f32 v10, v9  }
0x85: {  	[tilespmem:$0x3C90] =	vst v17;
	v6 =	vbroadcast v6, $0xF  }
0x86: {  	[tilespmem:$0x3CA0] =	vst v18;
	v19 =	vbroadcast v11, $0x0  }
0x87: {  	[tilespmem:$0x3AF0] =	vst v6;
	v20 =	vbroadcast v11, $0x1  }
0x88: {  	v21 =	vbroadcast v11, $0x2;
	[tilespmem:$0x3B00] =	vst v19  }
0x89: {  	v22 =	vbroadcast v11, $0x3;
	[tilespmem:$0x3B10] =	vst v20  }
0x8a: {  	v23 =	vbroadcast v11, $0x4;
	[tilespmem:$0x3B20] =	vst v21  }
0x8b: {  	v24 =	vbroadcast v11, $0x5;
	[tilespmem:$0x3B30] =	vst v22  }
0x8c: {  	v25 =	vbroadcast v11, $0x6;
	[tilespmem:$0x3B40] =	vst v23  }
0x8d: {  	v26 =	vbroadcast v11, $0x7;
	[tilespmem:$0x3B50] =	vst v24  }
0x8e: {  	v27 =	vbroadcast v11, $0x8;
	[tilespmem:$0x3B60] =	vst v25  }
0x8f: {  	v53 =	vbroadcast v11, $0x9;
	[tilespmem:$0x3B70] =	vst v26  }
0x90: {  	v54 =	vbroadcast v11, $0xA;
	[tilespmem:$0x3B80] =	vst v27  }
0x91: {  	v55 =	vbroadcast v11, $0xB;
	[tilespmem:$0x3B90] =	vst v53  }
0x92: {  	v57 =	vbroadcast v11, $0xC;
	[tilespmem:$0x3BA0] =	vst v54  }
0x93: {  	v58 =	vbroadcast v11, $0xD;
	[tilespmem:$0x3BB0] =	vst v55  }
0x94: {  	v59 =	vbroadcast v11, $0xE;
	[tilespmem:$0x3BC0] =	vst v57  }
0x95: {  	v9 =	vmul.f32 v9, v51;
	v60 =	vbroadcast v11, $0xF;
	[tilespmem:$0x3BD0] =	vst v58  }
0x96: {  	v10 =	vmul.f32 v10, v49;
	v11 =	vbroadcast v8, $0x3;
	[tilespmem:$0x3BE0] =	vst v59  }
0x97: {  	[tilespmem:$0x3BF0] =	vst v60;
	v19 =	vbroadcast v8, $0xB  }
0x98: {  	[tilespmem:$0x3C30] =	vst v11;
	v20 =	vadd.f32 v10, v9;
	v21 =	vbroadcast v8, $0xC  }
0x99: {  	v22 =	vbroadcast v8, $0xD;
	[tilespmem:$0x3CB0] =	vst v19  }
0x9a: {  	v23 =	vbroadcast v8, $0xE;
	v11 =	vmul.f32 $-2.000000000e+00, v20;
	[tilespmem:$0x3CC0] =	vst v21  }
0x9b: {  	v24 =	vbroadcast v8, $0xF;
	[tilespmem:$0x3CD0] =	vst v22  }
0x9c: {  	[tilespmem:$0x3CE0] =	vst v23;
	v25 =	vbroadcast v11, $0x0  }
0x9d: {  	[tilespmem:$0x3CF0] =	vst v24;
	v26 =	vbroadcast v11, $0x1  }
0x9e: {  	v27 =	vbroadcast v11, $0x2;
	[tilespmem:$0x3D00] =	vst v25  }
0x9f: {  	v53 =	vbroadcast v11, $0x3;
	[tilespmem:$0x3D10] =	vst v26  }
0xa0: {  	v54 =	vbroadcast v11, $0x4;
	[tilespmem:$0x3D20] =	vst v27  }
0xa1: {  	v55 =	vbroadcast v11, $0x5;
	[tilespmem:$0x3D30] =	vst v53  }
0xa2: {  	v4 =	vmul.f32 v4, v52;
	v56 =	vbroadcast v11, $0x6;
	[tilespmem:$0x3D40] =	vst v54  }
0xa3: {  	v57 =	vbroadcast v11, $0x7;
	[tilespmem:$0x3D50] =	vst v55  }
0xa4: {  	v4 =	vadd.f32 $0.0e+00, v4;
	v58 =	vmul.f32 v9, v51;
	v59 =	vbroadcast v11, $0x8;
	[tilespmem:$0x3D60] =	vst v56  }
0xa5: {  	v60 =	vbroadcast v11, $0x9;
	[tilespmem:$0x3D70] =	vst v57  }
0xa6: {  	v5 =	vmul.f32 v5, v50;
	v4 =	vadd.f32 v58, v4;
	v61 =	vbroadcast v11, $0xA;
	[tilespmem:$0x3D80] =	vst v59  }
0xa7: {  	v62 =	vbroadcast v11, $0xB;
	[tilespmem:$0x3D90] =	vst v60  }
0xa8: {  	v63 =	vmul.f32 v10, v49;
	v4 =	vadd.f32 v5, v4;
	v9 =	vbroadcast v11, $0xC;
	[tilespmem:$0x3DA0] =	vst v61  }
0xa9: {  	v10 =	vbroadcast v11, $0xD;
	[tilespmem:$0x3DB0] =	vst v62  }
0xaa: {  	v12 =	vbroadcast v11, $0xE;
	v4 =	vadd.f32 v63, v4;
	[tilespmem:$0x3DC0] =	vst v9  }
0xab: {  	v13 =	vbroadcast v11, $0xF;
	[tilespmem:$0x3DD0] =	vst v10  }
0xac: {  	[tilespmem:$0x3DE0] =	vst v12;
	v14 =	vbroadcast v4, $0x0  }
0xad: {  	v15 =	vmul.f32 v44, v48;
	[tilespmem:$0x3DF0] =	vst v13;
	v16 =	vbroadcast v4, $0x1  }
0xae: {  	v17 =	vbroadcast v4, $0x2;
	[tilespmem:$0x3E00] =	vst v14  }
0xaf: {  	v18 =	vmul.f32 v43, v46;
	v7 =	vadd.f32 $0.0e+00, v15;
	v19 =	vbroadcast v4, $0x3;
	[tilespmem:$0x3E10] =	vst v16  }
0xb0: {  	v20 =	vmul.f32 v44, v47;
	v21 =	vbroadcast v4, $0x4;
	[tilespmem:$0x3E20] =	vst v17  }
0xb1: {  	v7 =	vadd.f32 v18, v7;
	v22 =	vmul.f32 v42, v3;
	v23 =	vbroadcast v4, $0x5;
	[tilespmem:$0x3E30] =	vst v19  }
0xb2: {  	v24 =	vmul.f32 v43, v45;
	v9 =	vadd.f32 $0.0e+00, v20;
	v25 =	vbroadcast v4, $0x6;
	[tilespmem:$0x3E40] =	vst v21  }
0xb3: {  	v49 =	vmul.f32 v42, v2;
	v26 =	vbroadcast v4, $0x7;
	[tilespmem:$0x3E50] =	vst v23  }
0xb4: {  	v7 =	vadd.f32 v22, v7;
	v27 =	vadd.f32 v24, v9;
	v50 =	vbroadcast v4, $0x8;
	[tilespmem:$0x3E60] =	vst v25  }
0xb5: {  	v51 =	vbroadcast v4, $0x9;
	[tilespmem:$0x3E70] =	vst v26  }
0xb6: {  	v52 =	vmul.f32 v7, v37;
	v53 =	vbroadcast v4, $0xA;
	v8 =	vadd.f32 v49, v27;
	[tilespmem:$0x3E80] =	vst v50  }
0xb7: {  	v54 =	vbroadcast v4, $0xB;
	[tilespmem:$0x3E90] =	vst v51  }
0xb8: {  	v9 =	vadd.f32 $0.0e+00, v52;
	v56 =	vbroadcast v4, $0xC;
	[tilespmem:$0x3EA0] =	vst v53;
	v55 =	vmul.f32 v8, v41  }
0xb9: {  	v57 =	vbroadcast v4, $0xD;
	[tilespmem:$0x3EB0] =	vst v54  }
0xba: {  	v58 =	vbroadcast v4, $0xE;
	[tilespmem:$0x3EC0] =	vst v56;
	v9 =	vadd.f32 v9, v55  }
0xbb: {  	v4 =	vbroadcast v4, $0xF;
	[tilespmem:$0x3ED0] =	vst v57  }
0xbc: {  	[tilespmem:$0x3EE0] =	vst v58;
	v59 =	vbroadcast v9, $0x0  }
0xbd: {  	[tilespmem:$0x3EF0] =	vst v4;
	v60 =	vbroadcast v9, $0x1  }
0xbe: {  	v61 =	vbroadcast v9, $0x2;
	[tilespmem:$0x3F00] =	vst v59  }
0xbf: {  	v62 =	vbroadcast v9, $0x3;
	[tilespmem:$0x3F10] =	vst v60  }
0xc0: {  	v63 =	vbroadcast v9, $0x4;
	[tilespmem:$0x3F20] =	vst v61  }
0xc1: {  	v10 =	vbroadcast v9, $0x5;
	[tilespmem:$0x3F30] =	vst v62  }
0xc2: {  	v11 =	vbroadcast v9, $0x6;
	[tilespmem:$0x3F40] =	vst v63  }
0xc3: {  	v12 =	vbroadcast v9, $0x7;
	[tilespmem:$0x3F50] =	vst v10  }
0xc4: {  	v13 =	vbroadcast v9, $0x8;
	[tilespmem:$0x3F60] =	vst v11  }
0xc5: {  	v14 =	vbroadcast v9, $0x9;
	[tilespmem:$0x3F70] =	vst v12  }
0xc6: {  	v15 =	vmul.f32 v7, v39;
	v16 =	vbroadcast v9, $0xA;
	[tilespmem:$0x3F80] =	vst v13  }
0xc7: {  	v17 =	vbroadcast v9, $0xB;
	[tilespmem:$0x3F90] =	vst v14  }
0xc8: {  	v6 =	vadd.f32 $0.0e+00, v15;
	v18 =	vmul.f32 v8, v1;
	v19 =	vbroadcast v9, $0xC;
	[tilespmem:$0x3FA0] =	vst v16  }
0xc9: {  	v20 =	vbroadcast v9, $0xD;
	[tilespmem:$0x3FB0] =	vst v17  }
0xca: {  	v6 =	vadd.f32 v6, v18;
	v21 =	vbroadcast v9, $0xE;
	[tilespmem:$0x3FC0] =	vst v19  }
0xcb: {  	v22 =	vbroadcast v9, $0xF;
	[tilespmem:$0x3FD0] =	vst v20  }
0xcc: {  	v23 =	vbroadcast v6, $0x0;
	[tilespmem:$0x3FE0] =	vst v21  }
0xcd: {  	v3 =	vmul.f32 v32, v3;
	v25 =	vbroadcast v6, $0x1;
	[tilespmem:$0x3FF0] =	vst v22  }
0xce: {  	v24 =	vmul.f32 v38, v48;
	v26 =	vbroadcast v6, $0x2;
	[tilespmem:$0x4000] =	vst v23  }
0xcf: {  	v27 =	vmul.f32 v35, v46;
	v46 =	vbroadcast v6, $0x3;
	[tilespmem:$0x4010] =	vst v25  }
0xd0: {  	v48 =	vmul.f32 v38, v47;
	v7 =	vadd.f32 $0.0e+00, v24;
	v49 =	vbroadcast v6, $0x4;
	[tilespmem:$0x4020] =	vst v26  }
0xd1: {  	v52 =	vmul.f32 v35, v45;
	v50 =	vbroadcast v6, $0x5;
	[tilespmem:$0x4030] =	vst v46  }
0xd2: {  	v51 =	vadd.f32 $0.0e+00, v48;
	v7 =	vadd.f32 v27, v7;
	v53 =	vbroadcast v6, $0x6;
	[tilespmem:$0x4040] =	vst v49  }
0xd3: {  	v2 =	vmul.f32 v32, v2;
	v54 =	vbroadcast v6, $0x7;
	[tilespmem:$0x4050] =	vst v50  }
0xd4: {  	v3 =	vadd.f32 v3, v7;
	v55 =	vadd.f32 v52, v51;
	v56 =	vbroadcast v6, $0x8;
	[tilespmem:$0x4060] =	vst v53  }
0xd5: {  	v57 =	vbroadcast v6, $0x9;
	[tilespmem:$0x4070] =	vst v54  }
0xd6: {  	v2 =	vadd.f32 v2, v55;
	v58 =	vmul.f32 v3, v37;
	v9 =	vbroadcast v6, $0xE;
	[tilespmem:$0x4080] =	vst v56  }
0xd7: {  	v59 =	vbroadcast v6, $0xA;
	[tilespmem:$0x4090] =	vst v57  }
0xd8: {  	v60 =	vbroadcast v6, $0xB;
	v7 =	vadd.f32 $0.0e+00, v58;
	v61 =	vmul.f32 v2, v41;
	[tilespmem:$0x40E0] =	vst v9  }
0xd9: {  	v62 =	vbroadcast v6, $0xC;
	[tilespmem:$0x40A0] =	vst v59  }
0xda: {  	v63 =	vbroadcast v6, $0xD;
	[tilespmem:$0x40B0] =	vst v60;
	v7 =	vadd.f32 v7, v61  }
0xdb: {  	v10 =	vbroadcast v6, $0xF;
	[tilespmem:$0x40C0] =	vst v62  }
0xdc: {  	[tilespmem:$0x40D0] =	vst v63;
	v11 =	vbroadcast v7, $0x0  }
0xdd: {  	[tilespmem:$0x40F0] =	vst v10;
	v12 =	vbroadcast v7, $0x1  }
0xde: {  	v13 =	vbroadcast v7, $0x2;
	[tilespmem:$0x4100] =	vst v11  }
0xdf: {  	v14 =	vbroadcast v7, $0x3;
	[tilespmem:$0x4110] =	vst v12  }
0xe0: {  	v15 =	vbroadcast v7, $0x4;
	[tilespmem:$0x4120] =	vst v13  }
0xe1: {  	v16 =	vbroadcast v7, $0x5;
	[tilespmem:$0x4130] =	vst v14  }
0xe2: {  	v17 =	vbroadcast v7, $0x6;
	[tilespmem:$0x4140] =	vst v15  }
0xe3: {  	v18 =	vbroadcast v7, $0x7;
	[tilespmem:$0x4150] =	vst v16  }
0xe4: {  	v19 =	vbroadcast v7, $0x8;
	[tilespmem:$0x4160] =	vst v17  }
0xe5: {  	v20 =	vbroadcast v7, $0x9;
	[tilespmem:$0x4170] =	vst v18  }
0xe6: {  	v3 =	vmul.f32 v3, v39;
	v21 =	vbroadcast v7, $0xA;
	[tilespmem:$0x4180] =	vst v19  }
0xe7: {  	v22 =	vbroadcast v7, $0xB;
	[tilespmem:$0x4190] =	vst v20  }
0xe8: {  	v3 =	vadd.f32 $0.0e+00, v3;
	v2 =	vmul.f32 v2, v1;
	v23 =	vbroadcast v7, $0xC;
	[tilespmem:$0x41A0] =	vst v21  }
0xe9: {  	v24 =	vbroadcast v7, $0xD;
	[tilespmem:$0x41B0] =	vst v22  }
0xea: {  	v2 =	vadd.f32 v3, v2;
	v3 =	vbroadcast v7, $0xE;
	[tilespmem:$0x41C0] =	vst v23  }
0xeb: {  	v25 =	vbroadcast v7, $0xF;
	[tilespmem:$0x41D0] =	vst v24  }
0xec: {  	v26 =	vmul.f32 v44, v36;
	[tilespmem:$0x41E0] =	vst v3;
	v3 =	vbroadcast v2, $0x0  }
0xed: {  	v27 =	vmul.f32 v44, v34;
	v44 =	vbroadcast v2, $0x1;
	[tilespmem:$0x41F0] =	vst v25  }
0xee: {  	v45 =	vmul.f32 v43, v33;
	v5 =	vadd.f32 $0.0e+00, v26;
	[tilespmem:$0x4200] =	vst v3;
	v3 =	vbroadcast v2, $0x2  }
0xef: {  	v48 =	vmul.f32 v42, v31;
	v6 =	vadd.f32 $0.0e+00, v27;
	v47 =	vbroadcast v2, $0x3;
	[tilespmem:$0x4210] =	vst v44  }
0xf0: {  	v46 =	vmul.f32 v43, v30;
	v5 =	vadd.f32 v45, v5;
	[tilespmem:$0x4220] =	vst v3;
	v3 =	vbroadcast v2, $0x4  }
0xf1: {  	v51 =	vadd.f32 v39, v37;
	v49 =	vmul.f32 v42, v29;
	v50 =	vbroadcast v2, $0x5;
	[tilespmem:$0x4230] =	vst v47  }
0xf2: {  	v6 =	vadd.f32 v46, v6;
	v5 =	vadd.f32 v48, v5;
	[tilespmem:$0x4240] =	vst v3;
	v3 =	vbroadcast v2, $0x6  }
0xf3: {  	v1 =	vadd.f32 v1, v41;
	v52 =	vbroadcast v2, $0x7;
	[tilespmem:$0x4250] =	vst v50  }
0xf4: {  	v6 =	vadd.f32 v49, v6;
	v5 =	vmul.f32 v5, v51;
	[tilespmem:$0x4260] =	vst v3;
	v3 =	vbroadcast v2, $0x8  }
0xf5: {  	v53 =	vbroadcast v2, $0x9;
	[tilespmem:$0x4270] =	vst v52  }
0xf6: {  	v6 =	vmul.f32 v6, v1;
	v5 =	vadd.f32 $0.0e+00, v5;
	[tilespmem:$0x4280] =	vst v3;
	v3 =	vbroadcast v2, $0xA  }
0xf7: {  	v54 =	vbroadcast v2, $0xB;
	[tilespmem:$0x4290] =	vst v53  }
0xf8: {  	v5 =	vadd.f32 v5, v6;
	[tilespmem:$0x42A0] =	vst v3;
	v3 =	vbroadcast v2, $0xC  }
0xf9: {  	v55 =	vbroadcast v2, $0xD;
	[tilespmem:$0x42B0] =	vst v54  }
0xfa: {  	v5 =	vadd.f32 v5, v40;
	[tilespmem:$0x42C0] =	vst v3;
	v3 =	vbroadcast v2, $0xE  }
0xfb: {  	v56 =	vmul.f32 v38, v36;
	[tilespmem:$0x42D0] =	vst v55;
	v2 =	vbroadcast v2, $0xF  }
0xfc: {  	v58 =	vmul.f32 v35, v33;
	[tilespmem:$0x42E0] =	vst v3;
	v3 =	vbroadcast v5, $0x0  }
0xfd: {  	v59 =	vmul.f32 v38, v34;
	[tilespmem:$0x42F0] =	vst v2;
	v2 =	vbroadcast v5, $0x1  }
0xfe: {  	v57 =	vadd.f32 $0.0e+00, v56;
	v60 =	vmul.f32 v32, v31;
	[tilespmem:$0x4300] =	vst v3;
	v3 =	vbroadcast v5, $0x2  }
0xff: {  	v61 =	vmul.f32 v35, v30;
	[tilespmem:$0x4310] =	vst v2;
	v2 =	vbroadcast v5, $0x3  }
0x100: {  	v4 =	vadd.f32 v58, v57;
	v8 =	vadd.f32 $0.0e+00, v59;
	[tilespmem:$0x4320] =	vst v3;
	v3 =	vbroadcast v5, $0x4  }
0x101: {  	v63 =	vmul.f32 v32, v29;
	[tilespmem:$0x4330] =	vst v2;
	v2 =	vbroadcast v5, $0x5  }
0x102: {  	v4 =	vadd.f32 v60, v4;
	v62 =	vadd.f32 v61, v8;
	[tilespmem:$0x4340] =	vst v3;
	v3 =	vbroadcast v5, $0x6  }
0x103: {  	[tilespmem:$0x4350] =	vst v2;
	v2 =	vbroadcast v5, $0x7  }
0x104: {  	v4 =	vmul.f32 v4, v51;
	v6 =	vadd.f32 v63, v62;
	[tilespmem:$0x4360] =	vst v3;
	v3 =	vbroadcast v5, $0x8  }
0x105: {  	[tilespmem:$0x4370] =	vst v2;
	v2 =	vbroadcast v5, $0x9  }
0x106: {  	v4 =	vadd.f32 $0.0e+00, v4;
	v1 =	vmul.f32 v6, v1;
	[tilespmem:$0x4380] =	vst v3;
	v3 =	vbroadcast v5, $0xA  }
0x107: {  	[tilespmem:$0x4390] =	vst v2;
	v2 =	vbroadcast v5, $0xB  }
0x108: {  	v1 =	vadd.f32 v4, v1;
	[tilespmem:$0x43A0] =	vst v3;
	v3 =	vbroadcast v5, $0xC  }
0x109: {  	[tilespmem:$0x43B0] =	vst v2;
	v2 =	vbroadcast v5, $0xD  }
0x10a: {  	v1 =	vadd.f32 v1, v28;
	[tilespmem:$0x43C0] =	vst v3;
	v3 =	vbroadcast v5, $0xE  }
0x10b: {  	[tilespmem:$0x43D0] =	vst v2;
	v2 =	vbroadcast v5, $0xF  }
0x10c: {  	[tilespmem:$0x43E0] =	vst v3;
	v3 =	vbroadcast v1, $0x0  }
0x10d: {  	[tilespmem:$0x43F0] =	vst v2;
	v2 =	vbroadcast v1, $0x1  }
0x10e: {  	[tilespmem:$0x4400] =	vst v3;
	v3 =	vbroadcast v1, $0x2  }
0x10f: {  	[tilespmem:$0x4410] =	vst v2;
	v2 =	vbroadcast v1, $0x3  }
0x110: {  	[tilespmem:$0x4420] =	vst v3;
	v3 =	vbroadcast v1, $0x4  }
0x111: {  	[tilespmem:$0x4430] =	vst v2;
	v2 =	vbroadcast v1, $0x5  }
0x112: {  	[tilespmem:$0x4440] =	vst v3;
	v3 =	vbroadcast v1, $0x6  }
0x113: {  	[tilespmem:$0x4450] =	vst v2;
	v2 =	vbroadcast v1, $0x7  }
0x114: {  	[tilespmem:$0x4460] =	vst v3;
	v3 =	vbroadcast v1, $0x8  }
0x115: {  	[tilespmem:$0x4470] =	vst v2;
	v2 =	vbroadcast v1, $0x9  }
0x116: {  	[tilespmem:$0x4480] =	vst v3;
	v3 =	vbroadcast v1, $0xA  }
0x117: {  	[tilespmem:$0x4490] =	vst v2;
	v2 =	vbroadcast v1, $0xB  }
0x118: {  	[tilespmem:$0x44A0] =	vst v3;
	v3 =	vbroadcast v1, $0xC  }
0x119: {  	[tilespmem:$0x44B0] =	vst v2;
	v2 =	vbroadcast v1, $0xD  }
0x11a: {  	[tilespmem:$0x44C0] =	vst v3;
	v3 =	vbroadcast v1, $0xE  }
0x11b: {  	[tilespmem:$0x44D0] =	vst v2;
	v1 =	vbroadcast v1, $0xF  }
0x11c: {  	[tilespmem:$0x44E0] =	vst v3  }
0x11d: {  	s19 =	simm.s32 $0x0;
	[tilespmem:$0x44F0] =	vst v1  }
.LBB2_3:
0x11e: {  	s20 =	smov.u32 s19;
	_ =	swait.ge [sflag:s14], $0xC00  }
0x11f: {  	s19 =	sadd.s32 $0x1, s19;
	[sflag:s14] =	ssyncset.done $0x0;
	p0 =	seq.s32 s20, $0x3  }
0x120: {  	[sflag:s14] =	ssyncadd.s32 $0xFFFFF400;
	s21 =	sshll.u32 @!p0 s19, $0xA;
	s22 =	sshll.u32 @!p0 s19, $0x7  }
0x121: {  	s23 =	simm.s32 @!p0 $0x0;
	s21 =	sand.u32 @!p0 $0x400, s21;
	s22 =	sadd.s32 @!p0 s22, s5  }
0x122: {  	[tilespmem:s21], [sflag:$0x1] =	stream.linear.gather @!p0 [hbm4b:s22+s23], $0x400, $0x38;
	[tilespmem:$0x4500] =	vst v63  }
0x123: {  	s24 =	sadd.s32 @!p0 $0x4000, s22;
	s25 =	sor.u32 @!p0 $0x800, s21  }
0x124: {  	[tilespmem:s25], [sflag:$0x1] =	stream.linear.gather @!p0 [hbm4b:s24+s23], $0x400, $0x38;
	[tilespmem:$0x4500] =	vst v63  }
0x125: {  	p1 =	sne.s32 @!p0 s20, $0x1;
	s22 =	sadd.s32 @!p0 $0x8000, s22;
	s21 =	sor.u32 @!p0 $0x1000, s21  }
0x126: {  	[tilespmem:s21], [sflag:$0x1] =	stream.linear.gather @!p0 [hbm4b:s22+s23], $0x400, $0x38;
	[tilespmem:$0x4500] =	vst v63  }
0x127: {  	p0 =	por p1, p0  }
0x128: {  	s21 =	simm.s32 @!p0 $0x0;
	s22 =	simm.s32 @!p0 $0x1A00  }
0x129: {  	[hbm4b:s4+s21] =	stream.linear.scatter @!p0 [tilespmem:s22], [sflag:$0x2], $0x400, $0x38;
	[tilespmem:$0x4500] =	vst v63  }
0x12a: {  	s29 =	sshll.u32 s20, $0xA;
	s23 =	simm.s32 @!p0 $0x2A00;
	s22 =	sadd.s32 @!p0 $0x4000, s4  }
0x12b: {  	[hbm4b:s22+s21] =	stream.linear.scatter @!p0 [tilespmem:s23], [sflag:$0x2], $0x400, $0x38;
	[tilespmem:$0x4500] =	vst v63  }
0x12c: {  	s21 =	sand.u32 $0x3FFFFC00, s29  }
0x12d: {  	s20 =	sshll.u32 s20, $0x7;
	s30 =	sadd.s32 $0x1A00, s21;
	s31 =	sadd.s32 $0x2A00, s21  }
0x12e: {  	s20 =	sand.u32 $0x80, s20;
	s22 =	simm.s32 $0x0;
	s21 =	simm.s32 $0x0;
	v28 =	vmov s30;
	v29 =	vmov s31  }
.LBB2_4:
0x12f: {  	s23 =	sshll.u32 s22, $0x4;
	s26 =	simm.s32 $0x3A00  }
0x130: {  	s28 =	sand.u32 $0xF0, s21;
	s24 =	sor.u32 s20, s23;
	v1 =	vld [tilespmem:s26+$0x0]  }
0x131: {  	v2 =	vld [tilespmem:s28+$0x3B00];
	s24 =	sshll.u32 s24, $0x3  }
0x132: {  	v4 =	vld [tilespmem:s28+$0x3C00];
	s25 =	sand.u32 $0x400, s24  }
0x133: {  	v7 =	vld [tilespmem:s28+$0x3D00];
	s25 =	sadd.s32 s23, s25  }
0x134: {  	v39 =	vld [tilespmem:s25+$0x200]  }
0x135: {  	v36 =	vld [tilespmem:s25+$0x300]  }
0x136: {  	v33 =	vld [tilespmem:s25+$0x800]  }
0x137: {  	v32 =	vld [tilespmem:s25+$0x900]  }
0x138: {  	v31 =	vld [tilespmem:s25+$0xA00]  }
0x139: {  	v30 =	vld [tilespmem:s25+$0xB00]  }
0x13a: {  	v42 =	vld [tilespmem:s25+$0x1000]  }
0x13b: {  	v43 =	vld [tilespmem:s25+$0x1080]  }
0x13c: {  	v34 =	vld [tilespmem:s25+$0xB80]  }
0x13d: {  	v38 =	vld [tilespmem:s25+$0xA80]  }
0x13e: {  	s24 =	sor.u32 s24, s23;
	v40 =	vld [tilespmem:s25+$0x980]  }
0x13f: {  	s24 =	sor.u32 $0x380, s24;
	v41 =	vld [tilespmem:s25+$0x880];
	v3 =	vmul.f32 v1, v42  }
0x140: {  	v35 =	vld [tilespmem:s24+$0x0];
	v5 =	vmul.f32 v1, v30;
	v6 =	vmul.f32 v2, v43  }
0x141: {  	v37 =	vld [tilespmem:s25+$0x280];
	v8 =	vmul.f32 v1, v31;
	v9 =	vmul.f32 v2, v34  }
0x142: {  	v45 =	vld [tilespmem:s25+$0x0];
	v10 =	vmul.f32 v1, v32;
	v11 =	vmul.f32 v2, v38  }
0x143: {  	v44 =	vld [tilespmem:s25+$0x100];
	v12 =	vmul.f32 v1, v33;
	v13 =	vmul.f32 v2, v40  }
0x144: {  	v47 =	vld [tilespmem:s25+$0x80];
	v14 =	vmul.f32 v1, v36;
	v15 =	vmul.f32 v2, v41  }
0x145: {  	v46 =	vld [tilespmem:s25+$0x180];
	v16 =	vmul.f32 v1, v39;
	v17 =	vmul.f32 v2, v35;
	v3 =	vadd.f32 v4, v3  }
0x146: {  	v18 =	vmul.f32 v2, v37;
	v5 =	vadd.f32 v4, v5;
	v6 =	vadd.f32 v7, v6  }
0x147: {  	v19 =	vmul.f32 v1, v45;
	v8 =	vadd.f32 v4, v8;
	v9 =	vadd.f32 v7, v9  }
0x148: {  	v1 =	vmul.f32 v1, v44;
	v10 =	vadd.f32 v4, v10;
	v11 =	vadd.f32 v7, v11  }
0x149: {  	v20 =	vmul.f32 v2, v47;
	v12 =	vadd.f32 v4, v12;
	v15 =	vadd.f32 v7, v15  }
0x14a: {  	v2 =	vmul.f32 v2, v46;
	v19 =	vadd.f32 v4, v19;
	v16 =	vadd.f32 v4, v16  }
0x14b: {  	v20 =	vadd.f32 v7, v20;
	v1 =	vadd.f32 v4, v1;
	v3 =	vmul.f32 v3, v42  }
0x14c: {  	v2 =	vadd.f32 v7, v2;
	v5 =	vmul.f32 v5, v30;
	v6 =	vmul.f32 v6, v43  }
0x14d: {  	v48 =	vld [tilespmem:s28+$0x3E00];
	v18 =	vadd.f32 v7, v18;
	v19 =	vmul.f32 v19, v45;
	v1 =	vmul.f32 v1, v44  }
0x14e: {  	v4 =	vadd.f32 v4, v14;
	v20 =	vmul.f32 v20, v47;
	v2 =	vmul.f32 v2, v46  }
0x14f: {  	v17 =	vadd.f32 v7, v17;
	v14 =	vmul.f32 v16, v39;
	v16 =	vmul.f32 v18, v37  }
0x150: {  	v4 =	vmul.f32 v4, v36;
	v18 =	vadd.f32 v20, v19;
	v1 =	vadd.f32 v2, v1  }
0x151: {  	v8 =	vmul.f32 v8, v31;
	v2 =	vmul.f32 v9, v34;
	v9 =	vadd.f32 v16, v14  }
0x152: {  	v16 =	vmul.f32 v17, v35;
	v14 =	vadd.f32 v18, v48;
	v1 =	vadd.f32 v1, v48  }
0x153: {  	v7 =	vadd.f32 v7, v13;
	v12 =	vmul.f32 v12, v33;
	v15 =	vmul.f32 v15, v41  }
0x154: {  	v9 =	vadd.f32 v9, v48;
	v4 =	vadd.f32 v16, v4;
	vm0 =	vlt.f32 v1, v14  }
0x155: {  	v10 =	vmul.f32 v10, v32;
	v7 =	vmul.f32 v7, v40;
	v1 =	vsel vm0, v1, v14  }
0x156: {  	v12 =	vadd.f32 v15, v12;
	v4 =	vadd.f32 v4, v48;
	vm1 =	vlt.f32 v9, v1  }
0x157: {  	v3 =	vadd.f32 v6, v3;
	v7 =	vadd.f32 v7, v10;
	v1 =	vsel vm1, v9, v1  }
0x158: {  	v6 =	vadd.f32 v12, v48;
	v9 =	vmul.f32 v11, v38;
	vm2 =	vlt.f32 v4, v1  }
0x159: {  	v2 =	vadd.f32 v2, v5;
	v5 =	vadd.f32 v7, v48;
	v1 =	vsel vm2, v4, v1  }
0x15a: {  	v3 =	vadd.f32 v3, v48;
	v4 =	vadd.f32 v9, v8;
	vm3 =	vlt.f32 v6, v1  }
0x15b: {  	v2 =	vadd.f32 v2, v48;
	v7 =	vsel vm0, v46, v47;
	v1 =	vsel vm3, v6, v1  }
0x15c: {  	v4 =	vadd.f32 v4, v48;
	v6 =	vsel vm0, v44, v45;
	vm4 =	vlt.f32 v5, v1  }
0x15d: {  	v7 =	vsel vm1, v37, v7;
	v8 =	vld [tilespmem:s28+$0x3F00];
	v6 =	vsel vm1, v39, v6;
	v1 =	vsel vm4, v5, v1  }
0x15e: {  	v7 =	vsel vm2, v35, v7;
	v9 =	vld [tilespmem:s28+$0x4100];
	v6 =	vsel vm2, v36, v6;
	vm5 =	vlt.f32 v4, v1  }
0x15f: {  	v7 =	vsel vm3, v41, v7;
	v5 =	vld [tilespmem:s28+$0x4000];
	v6 =	vsel vm3, v33, v6;
	v1 =	vsel vm5, v4, v1  }
0x160: {  	v7 =	vsel vm4, v40, v7;
	v4 =	vld [tilespmem:s28+$0x4200];
	v6 =	vsel vm4, v32, v6;
	vm6 =	vlt.f32 v2, v1  }
0x161: {  	v7 =	vsel vm5, v38, v7;
	v6 =	vsel vm5, v31, v6;
	v1 =	vsel vm6, v2, v1  }
0x162: {  	v2 =	vsel vm6, v30, v6;
	v6 =	vsel vm6, v34, v7;
	vm7 =	vlt.f32 v3, v1  }
0x163: {  	v7 =	vld [tilespmem:s28+$0x4300];
	v2 =	vsel vm7, v42, v2;
	v6 =	vsel vm7, v43, v6  }
0x164: {  	v10 =	vld [tilespmem:s28+$0x4400];
	v8 =	vmul.f32 v2, v8;
	v5 =	vmul.f32 v6, v5  }
0x165: {  	v2 =	vmul.f32 v2, v9;
	v4 =	vmul.f32 v6, v4  }
0x166: {  	v5 =	vadd.f32 v5, v8  }
0x167: {  	v2 =	vadd.f32 v4, v2  }
0x168: {  	v4 =	vadd.f32 v5, v7  }
0x169: {  	v1 =	vsel vm7, v3, v1;
	v2 =	vadd.f32 v2, v10  }
0x16a: {  	v1 =	vsub.f32 $0.0e+00, v1;
	v5 =	vsub.f32 v4, v42  }
0x16b: {  	v6 =	vsub.f32 v2, v43;
	v7 =	vsub.f32 v4, v45  }
0x16c: {  	v8 =	vsub.f32 v2, v47;
	v9 =	vsub.f32 v4, v39  }
0x16d: {  	v1 =	vmul.f32 $1.442695020e+00, v1;
	v10 =	vsub.f32 v2, v37;
	v11 =	vsub.f32 v4, v36  }
0x16e: {  	v12 =	vsub.f32 v2, v35;
	v5 =	vmul.f32 v5, v5;
	v6 =	vmul.f32 v6, v6  }
0x16f: {  	(erf) = vpow2.f32 v1;
	v13 =	vsub.f32 v4, v33;
	v1 =	vsub.f32 v2, v41  }
0x170: {  	v14 =	vsub.f32 v4, v32;
	v3 =	vadd.f32 v6, v5  }
0x171: {  	v15 =	vsub.f32 v4, v31;
	v16 =	vsub.f32 v2, v38  }
0x172: {  	v8 =	vmul.f32 v8, v8;
	v9 =	vmul.f32 v9, v9;
	v3 =	vsub.f32 $0.0e+00, v3  }
0x173: {  	v10 =	vmul.f32 v10, v10;
	v6 =	vmul.f32 v7, v7;
	v7 =	vsub.f32 v2, v46  }
0x174: {  	v1 =	vmul.f32 v1, v1;
	v5 =	vsub.f32 v4, v44;
	v3 =	vmul.f32 $1.442695020e+00, v3  }
0x175: {  	v4 =	vsub.f32 v4, v30;
	v9 =	vadd.f32 v10, v9;
	v7 =	vmul.f32 v7, v7  }
0x176: {  	v6 =	vadd.f32 v8, v6;
	(erf) = vpow2.f32 v3;
	v3 =	vmul.f32 v5, v5  }
0x177: {  	v8 =	vmul.f32 v11, v11;
	v11 =	vmul.f32 v12, v12;
	v5 =	vsub.f32 v2, v40  }
0x178: {  	v10 =	vmul.f32 v14, v14;
	v2 =	vsub.f32 v2, v34;
	v3 =	vadd.f32 v7, v3  }
0x179: {  	v4 =	vmul.f32 v4, v4;
	v8 =	vadd.f32 v11, v8;
	v6 =	vsub.f32 $0.0e+00, v6  }
0x17a: {  	s30 =	simm.s32 $0x3A10;
	v11 =	vmul.f32 v15, v15;
	v12 =	vmul.f32 v2, v2;
	v2 =	vsub.f32 $0.0e+00, v3  }
0x17b: {  	v6 =	vmul.f32 $1.442695020e+00, v6;
	v7 =	vmul.f32 v13, v13;
	v13 =	vld [tilespmem:s30+$0x0];
	v3 =	vsub.f32 $0.0e+00, v9  }
0x17c: {  	v5 =	vmul.f32 v5, v5;
	v14 =	vmul.f32 $1.442695020e+00, v2  }
0x17d: {  	s29 =	simm.s32 $0x10;
	v8 =	vsub.f32 $0.0e+00, v8;
	(erf) = vpow2.f32 v6;
	v3 =	vmul.f32 $1.442695020e+00, v3  }
0x17e: {  	s24 =	sand.u32 $0xF0, s29;
	v1 =	vadd.f32 v1, v7;
	v7 =	vmul.f32 v16, v16;
	(erf) = vpow2.f32 v14  }
0x17f: {  	v48 =	vpop (erf);
	v2 =	vmul.f32 $1.442695020e+00, v8;
	(erf) = vpow2.f32 v3;
	v3 =	vadd.f32 v5, v10;
	v5 =	vld [tilespmem:s24+$0x3C00]  }
0x180: {  	v6 =	vmul.f32 v13, v42;
	v8 =	vmul.f32 v13, v30;
	v9 =	vpop (erf)  }
0x181: {  	v4 =	vadd.f32 v12, v4;
	v12 =	vmul.f32 v13, v32;
	v49 =	vmul.f32 v9, v48;
	v9 =	vld [tilespmem:s24+$0x3B00]  }
0x182: {  	v1 =	vsub.f32 $0.0e+00, v1;
	v17 =	vmul.f32 v13, v33;
	v19 =	vmul.f32 v13, v36  }
0x183: {  	v7 =	vadd.f32 v7, v11;
	v50 =	vmul.f32 v13, v39;
	v14 =	vmul.f32 v13, v31  }
0x184: {  	v53 =	vmul.f32 v13, v45;
	v1 =	vmul.f32 $1.442695020e+00, v1;
	v6 =	vadd.f32 v5, v6  }
0x185: {  	v13 =	vmul.f32 v13, v44;
	v8 =	vadd.f32 v5, v8;
	v14 =	vadd.f32 v5, v14  }
0x186: {  	v12 =	vadd.f32 v5, v12;
	v10 =	vmul.f32 v9, v43;
	v15 =	vmul.f32 v9, v34  }
0x187: {  	v17 =	vadd.f32 v5, v17;
	v16 =	vmul.f32 v9, v38;
	v18 =	vmul.f32 v9, v40  }
0x188: {  	v11 =	vld [tilespmem:s24+$0x3D00];
	v53 =	vadd.f32 v5, v53;
	v20 =	vmul.f32 v9, v41;
	v51 =	vmul.f32 v9, v35  }
0x189: {  	v50 =	vadd.f32 v5, v50;
	v52 =	vmul.f32 v9, v37;
	v54 =	vmul.f32 v9, v47  }
0x18a: {  	v13 =	vadd.f32 v5, v13;
	v9 =	vmul.f32 v9, v46;
	v6 =	vmul.f32 v6, v42  }
0x18b: {  	v5 =	vadd.f32 v5, v19;
	v8 =	vmul.f32 v8, v30;
	v53 =	vmul.f32 v53, v45  }
0x18c: {  	v4 =	vsub.f32 $0.0e+00, v4;
	v13 =	vmul.f32 v13, v44;
	v19 =	vmul.f32 v50, v39  }
0x18d: {  	v5 =	vmul.f32 v5, v36;
	v54 =	vadd.f32 v11, v54;
	v9 =	vadd.f32 v11, v9  }
0x18e: {  	v55 =	vld [tilespmem:s24+$0x3E00];
	v14 =	vmul.f32 v14, v31;
	v17 =	vmul.f32 v17, v33;
	v52 =	vadd.f32 v11, v52  }
0x18f: {  	v10 =	vadd.f32 v11, v10;
	v54 =	vmul.f32 v54, v47;
	v9 =	vmul.f32 v9, v46  }
0x190: {  	v15 =	vadd.f32 v11, v15;
	v51 =	vadd.f32 v11, v51;
	v60 =	vmul.f32 v52, v37  }
0x191: {  	v12 =	vmul.f32 v12, v32;
	v61 =	vadd.f32 v54, v53;
	v9 =	vadd.f32 v9, v13  }
0x192: {  	v20 =	vadd.f32 v11, v20;
	v13 =	vmul.f32 v15, v34;
	v15 =	vadd.f32 v60, v19  }
0x193: {  	v62 =	vmul.f32 v51, v35;
	v19 =	vadd.f32 v61, v55;
	v9 =	vadd.f32 v9, v55  }
0x194: {  	v16 =	vadd.f32 v11, v16;
	v11 =	vadd.f32 v11, v18;
	v20 =	vmul.f32 v20, v41  }
0x195: {  	v5 =	vadd.f32 v62, v5;
	v15 =	vadd.f32 v15, v55;
	vm8 =	vlt.f32 v9, v19  }
0x196: {  	v10 =	vmul.f32 v10, v43;
	v11 =	vmul.f32 v11, v40;
	v9 =	vsel vm8, v9, v19  }
0x197: {  	v17 =	vadd.f32 v20, v17;
	v5 =	vadd.f32 v5, v55;
	vm9 =	vlt.f32 v15, v9  }
0x198: {  	v6 =	vadd.f32 v10, v6;
	v11 =	vadd.f32 v11, v12;
	v9 =	vsel vm9, v15, v9  }
0x199: {  	v10 =	vadd.f32 v17, v55;
	v15 =	vmul.f32 v16, v38;
	vm10 =	vlt.f32 v5, v9  }
0x19a: {  	v8 =	vadd.f32 v13, v8;
	v11 =	vadd.f32 v11, v55;
	v5 =	vsel vm10, v5, v9  }
0x19b: {  	v6 =	vadd.f32 v6, v55;
	v9 =	vadd.f32 v15, v14;
	vm11 =	vlt.f32 v10, v5  }
0x19c: {  	v8 =	vadd.f32 v8, v55;
	v12 =	vsel vm8, v46, v47;
	v5 =	vsel vm11, v10, v5  }
0x19d: {  	v9 =	vadd.f32 v9, v55;
	v10 =	vsel vm8, v44, v45;
	vm12 =	vlt.f32 v11, v5  }
0x19e: {  	v13 =	vld [tilespmem:s24+$0x3F00];
	v12 =	vsel vm9, v37, v12;
	v10 =	vsel vm9, v39, v10;
	v5 =	vsel vm12, v11, v5  }
0x19f: {  	v12 =	vsel vm10, v35, v12;
	v14 =	vld [tilespmem:s24+$0x4100];
	v10 =	vsel vm10, v36, v10;
	vm13 =	vlt.f32 v9, v5  }
0x1a0: {  	v12 =	vsel vm11, v41, v12;
	v11 =	vld [tilespmem:s24+$0x4000];
	v10 =	vsel vm11, v33, v10;
	v5 =	vsel vm13, v9, v5  }
0x1a1: {  	v12 =	vsel vm12, v40, v12;
	v9 =	vld [tilespmem:s24+$0x4200];
	v10 =	vsel vm12, v32, v10;
	vm14 =	vlt.f32 v8, v5  }
0x1a2: {  	v12 =	vsel vm13, v38, v12;
	v10 =	vsel vm13, v31, v10;
	v5 =	vsel vm14, v8, v5  }
0x1a3: {  	v8 =	vsel vm14, v30, v10;
	v10 =	vsel vm14, v34, v12;
	vm15 =	vlt.f32 v6, v5  }
0x1a4: {  	v4 =	vmul.f32 $1.442695020e+00, v4;
	v12 =	vld [tilespmem:s24+$0x4300];
	v8 =	vsel vm15, v42, v8;
	v10 =	vsel vm15, v43, v10  }
0x1a5: {  	v3 =	vsub.f32 $0.0e+00, v3;
	v15 =	vld [tilespmem:s24+$0x4400];
	v13 =	vmul.f32 v8, v13;
	v11 =	vmul.f32 v10, v11  }
0x1a6: {  	v7 =	vsub.f32 $0.0e+00, v7;
	v8 =	vmul.f32 v8, v14;
	v9 =	vmul.f32 v10, v9  }
0x1a7: {  	(erf) = vpow2.f32 v2;
	v3 =	vmul.f32 $1.442695020e+00, v3;
	v2 =	vadd.f32 v11, v13  }
0x1a8: {  	v7 =	vmul.f32 $1.442695020e+00, v7;
	(erf) = vpow2.f32 v1;
	v8 =	vadd.f32 v9, v8  }
0x1a9: {  	(erf) = vpow2.f32 v3;
	v5 =	vsel vm15, v6, v5;
	v10 =	vpop (erf);
	v2 =	vadd.f32 v2, v12  }
0x1aa: {  	v5 =	vsub.f32 $0.0e+00, v5;
	(erf) = vpow2.f32 v7;
	v1 =	vpop (erf);
	v3 =	vadd.f32 v8, v15  }
0x1ab: {  	(erf) = vpow2.f32 v4;
	v8 =	vmul.f32 v1, v48;
	v1 =	vpop (erf);
	v4 =	vsub.f32 v2, v42  }
0x1ac: {  	v11 =	vmul.f32 v1, v48;
	v7 =	vsub.f32 v3, v43;
	v1 =	vsub.f32 v2, v45  }
0x1ad: {  	v9 =	vsub.f32 v3, v47;
	v12 =	vsub.f32 v2, v44  }
0x1ae: {  	v13 =	vsub.f32 v3, v46;
	v14 =	vsub.f32 v2, v39  }
0x1af: {  	v5 =	vmul.f32 $1.442695020e+00, v5;
	v6 =	vsub.f32 v3, v37;
	v15 =	vsub.f32 v3, v35  }
0x1b0: {  	v16 =	vsub.f32 v2, v33;
	v4 =	vmul.f32 v4, v4;
	v7 =	vmul.f32 v7, v7  }
0x1b1: {  	v10 =	vmul.f32 v10, v48;
	v17 =	vsub.f32 v3, v41;
	v19 =	vsub.f32 v3, v40  }
0x1b2: {  	(erf) = vpow2.f32 v5;
	v63 =	vsub.f32 v3, v38;
	v4 =	vadd.f32 v7, v4  }
0x1b3: {  	v3 =	vsub.f32 v3, v34;
	v1 =	vmul.f32 v1, v1;
	v12 =	vmul.f32 v12, v12  }
0x1b4: {  	v5 =	vmul.f32 v14, v14;
	v6 =	vmul.f32 v6, v6;
	v4 =	vsub.f32 $0.0e+00, v4  }
0x1b5: {  	v18 =	vsub.f32 v2, v32;
	v14 =	vmul.f32 v17, v17;
	v3 =	vmul.f32 v3, v3  }
0x1b6: {  	v20 =	vsub.f32 v2, v31;
	v7 =	vmul.f32 v9, v9;
	v4 =	vmul.f32 $1.442695020e+00, v4  }
0x1b7: {  	v9 =	vsub.f32 v2, v36;
	v5 =	vadd.f32 v6, v5;
	v6 =	vmul.f32 v18, v18  }
0x1b8: {  	v2 =	vsub.f32 v2, v30;
	(erf) = vpow2.f32 v4;
	v4 =	vmul.f32 v13, v13  }
0x1b9: {  	v1 =	vadd.f32 v7, v1;
	v7 =	vmul.f32 v9, v9;
	v9 =	vmul.f32 v15, v15  }
0x1ba: {  	v2 =	vmul.f32 v2, v2;
	v4 =	vadd.f32 v4, v12;
	v12 =	vmul.f32 v16, v16  }
0x1bb: {  	v5 =	vsub.f32 $0.0e+00, v5;
	v7 =	vadd.f32 v9, v7;
	v9 =	vmul.f32 v19, v19  }
0x1bc: {  	v13 =	vpop (erf);
	v16 =	vmul.f32 v20, v20;
	v12 =	vadd.f32 v14, v12;
	v14 =	vmul.f32 v63, v63  }
0x1bd: {  	v1 =	vsub.f32 $0.0e+00, v1;
	v5 =	vmul.f32 $1.442695020e+00, v5;
	v6 =	vadd.f32 v9, v6;
	v15 =	vpop (erf)  }
0x1be: {  	v52 =	vpop (erf);
	v4 =	vsub.f32 $0.0e+00, v4;
	v9 =	vadd.f32 v14, v16;
	v14 =	vmul.f32 v13, v48  }
0x1bf: {  	v53 =	vpop (erf);
	v13 =	vmul.f32 $1.442695020e+00, v1;
	v1 =	vadd.f32 v3, v2;
	v3 =	vsub.f32 $0.0e+00, v7  }
0x1c0: {  	s24 =	simm.s32 $0x3A20;
	v6 =	vsub.f32 $0.0e+00, v6;
	v51 =	vpop (erf);
	v7 =	vsub.f32 $0.0e+00, v12;
	v16 =	vmul.f32 $1.442695020e+00, v4  }
0x1c1: {  	v61 =	vpop (erf);
	v4 =	vld [tilespmem:s24+$0x0];
	v17 =	vsub.f32 $0.0e+00, v9;
	v3 =	vmul.f32 $1.442695020e+00, v3;
	(erf) = vpow2.f32 v13  }
0x1c2: {  	s31 =	simm.s32 $0x20;
	v18 =	vsub.f32 $0.0e+00, v1;
	v1 =	vmul.f32 $1.442695020e+00, v6;
	v2 =	vpop (erf);
	(erf) = vpow2.f32 v16  }
0x1c3: {  	s25 =	sand.u32 $0xF0, s31;
	v50 =	vimm.f32 $0.0e+00;
	v12 =	vmul.f32 v2, v61;
	v2 =	vmul.f32 $1.442695020e+00, v7  }
0x1c4: {  	v60 =	vimm.f32 $0.0e+00;
	v9 =	vld [tilespmem:s25+$0x3B00];
	v63 =	vmul.f32 $1.442695020e+00, v17;
	v62 =	vmul.f32 $1.442695020e+00, v18  }
0x1c5: {  	v57 =	vadd.f32 v10, v50;
	v7 =	vmul.f32 v15, v48;
	(erf) = vpow2.f32 v5  }
0x1c6: {  	v55 =	vadd.f32 v11, v50;
	v59 =	vmul.f32 v4, v42;
	v5 =	vmul.f32 v4, v30  }
0x1c7: {  	v10 =	vld [tilespmem:s25+$0x3C00];
	v13 =	vadd.f32 v49, v50;
	v18 =	vmul.f32 v4, v31;
	v15 =	vmul.f32 v4, v32  }
0x1c8: {  	v11 =	vmul.f32 v4, v36;
	v17 =	vmul.f32 v4, v39;
	v54 =	vadd.f32 v7, v50;
	v7 =	vld [tilespmem:s25+$0x3D00]  }
0x1c9: {  	v49 =	vadd.f32 v12, v13;
	v13 =	vmul.f32 v4, v33;
	v6 =	vmul.f32 v9, v43  }
0x1ca: {  	v56 =	vadd.f32 v8, v50;
	v19 =	vmul.f32 v9, v34;
	v16 =	vmul.f32 v9, v38  }
0x1cb: {  	v58 =	vadd.f32 v14, v50;
	v8 =	vmul.f32 v9, v40;
	v20 =	vmul.f32 v9, v41  }
0x1cc: {  	s26 =	simm.s32 $0x30;
	v12 =	vmul.f32 v9, v35;
	v14 =	vadd.f32 v10, v59;
	v59 =	vimm.f32 $0.0e+00  }
.LBB2_5:
0x1cd: {  	p0 =	sne.s32 s26, $0xF0;
	v21 =	vmul.f32 v9, v37;
	v22 =	vadd.f32 v10, v5;
	v23 =	vadd.f32 v7, v6;
	v6 =	vpop (erf)  }
0x1ce: {  	v24 =	vmul.f32 v4, v45;
	v18 =	vadd.f32 v10, v18;
	v19 =	vadd.f32 v7, v19;
	v5 =	vpop (erf)  }
0x1cf: {  	v25 =	vmul.f32 v4, v44;
	v15 =	vadd.f32 v10, v15;
	v16 =	vadd.f32 v7, v16;
	v4 =	vpop (erf)  }
0x1d0: {  	v26 =	vmul.f32 v9, v47;
	v13 =	vadd.f32 v10, v13;
	v20 =	vadd.f32 v7, v20  }
0x1d1: {  	v9 =	vmul.f32 v9, v46;
	v17 =	vadd.f32 v10, v17;
	v24 =	vadd.f32 v10, v24  }
0x1d2: {  	v14 =	vmul.f32 v14, v42;
	v26 =	vadd.f32 v7, v26;
	v25 =	vadd.f32 v10, v25  }
0x1d3: {  	v9 =	vadd.f32 v7, v9;
	v22 =	vmul.f32 v22, v30;
	v23 =	vmul.f32 v23, v43  }
0x1d4: {  	v21 =	vadd.f32 v7, v21;
	v24 =	vmul.f32 v24, v45;
	v25 =	vmul.f32 v25, v44;
	v27 =	vld [tilespmem:s25+$0x3E00]  }
0x1d5: {  	v10 =	vadd.f32 v10, v11;
	v26 =	vmul.f32 v26, v47;
	v9 =	vmul.f32 v9, v46  }
0x1d6: {  	v12 =	vadd.f32 v7, v12;
	v11 =	vmul.f32 v17, v39;
	v17 =	vmul.f32 v21, v37  }
0x1d7: {  	v19 =	vmul.f32 v19, v34;
	v21 =	vadd.f32 v26, v24;
	v9 =	vadd.f32 v9, v25  }
0x1d8: {  	v10 =	vmul.f32 v10, v36;
	v11 =	vadd.f32 v17, v11;
	v17 =	vmul.f32 v18, v31  }
0x1d9: {  	v12 =	vmul.f32 v12, v35;
	v18 =	vadd.f32 v21, v27;
	v9 =	vadd.f32 v9, v27  }
0x1da: {  	v13 =	vmul.f32 v13, v33;
	v20 =	vmul.f32 v20, v41;
	v7 =	vadd.f32 v7, v8  }
0x1db: {  	v10 =	vadd.f32 v12, v10;
	v8 =	vadd.f32 v11, v27;
	vm0 =	vlt.f32 v9, v18  }
0x1dc: {  	v7 =	vmul.f32 v7, v40;
	v11 =	vmul.f32 v15, v32;
	v9 =	vsel vm0, v9, v18  }
0x1dd: {  	v12 =	vadd.f32 v20, v13;
	v10 =	vadd.f32 v10, v27;
	vm1 =	vlt.f32 v8, v9  }
0x1de: {  	v13 =	vadd.f32 v23, v14;
	v8 =	vsel vm1, v8, v9;
	v9 =	vmul.f32 v16, v38  }
0x1df: {  	v12 =	vadd.f32 v12, v27;
	v7 =	vadd.f32 v7, v11;
	vm2 =	vlt.f32 v10, v8  }
0x1e0: {  	v8 =	vsel vm2, v10, v8;
	v9 =	vadd.f32 v9, v17;
	v10 =	vadd.f32 v19, v22  }
0x1e1: {  	v11 =	vadd.f32 v13, v27;
	v7 =	vadd.f32 v7, v27;
	vm3 =	vlt.f32 v12, v8  }
0x1e2: {  	v8 =	vsel vm3, v12, v8;
	v9 =	vadd.f32 v9, v27;
	v10 =	vadd.f32 v10, v27  }
0x1e3: {  	v13 =	vsel vm0, v46, v47;
	v12 =	vsel vm0, v44, v45;
	vm0 =	vlt.f32 v7, v8  }
0x1e4: {  	v13 =	vsel vm1, v37, v13;
	v12 =	vsel vm1, v39, v12;
	v14 =	vld [tilespmem:s25+$0x3F00];
	v7 =	vsel vm0, v7, v8  }
0x1e5: {  	v13 =	vsel vm2, v35, v13;
	v12 =	vsel vm2, v36, v12;
	v8 =	vld [tilespmem:s25+$0x4000];
	vm1 =	vlt.f32 v9, v7  }
0x1e6: {  	v13 =	vsel vm3, v41, v13;
	v12 =	vsel vm3, v33, v12;
	v15 =	vld [tilespmem:s25+$0x4100];
	v7 =	vsel vm1, v9, v7  }
0x1e7: {  	v13 =	vsel vm0, v40, v13;
	v12 =	vsel vm0, v32, v12;
	v9 =	vld [tilespmem:s25+$0x4200];
	vm0 =	vlt.f32 v10, v7  }
0x1e8: {  	v13 =	vsel vm1, v38, v13;
	v12 =	vsel vm1, v31, v12;
	v7 =	vsel vm0, v10, v7  }
0x1e9: {  	v10 =	vsel vm0, v30, v12;
	v12 =	vsel vm0, v34, v13;
	vm0 =	vlt.f32 v11, v7  }
0x1ea: {  	v13 =	vld [tilespmem:s25+$0x4300];
	v10 =	vsel vm0, v42, v10;
	v12 =	vsel vm0, v43, v12;
	(erf) = vpow2.f32 v3  }
0x1eb: {  	v3 =	vld [tilespmem:s25+$0x4400];
	v14 =	vmul.f32 v10, v14;
	v8 =	vmul.f32 v12, v8  }
0x1ec: {  	v10 =	vmul.f32 v10, v15;
	v9 =	vmul.f32 v12, v9  }
0x1ed: {  	v6 =	vmul.f32 v6, v61;
	(erf) = vpow2.f32 v2  }
0x1ee: {  	v2 =	vadd.f32 v8, v14;
	v8 =	vadd.f32 v9, v10;
	(erf) = vpow2.f32 v1  }
0x1ef: {  	v57 =	vadd.f32 v6, v57;
	v1 =	vmul.f32 v5, v61;
	(erf) = vpow2.f32 v63  }
0x1f0: {  	v2 =	vadd.f32 v2, v13;
	v3 =	vadd.f32 v8, v3;
	(erf) = vpow2.f32 v62  }
0x1f1: {  	v5 =	vmul.f32 v52, v48;
	v56 =	vadd.f32 v1, v56;
	v1 =	vmul.f32 v4, v61  }
0x1f2: {  	v8 =	vmul.f32 v53, v48;
	v4 =	vsub.f32 v2, v42;
	v6 =	vsub.f32 v3, v43  }
0x1f3: {  	v13 =	vmul.f32 v51, v48;
	v9 =	vsub.f32 v2, v45;
	v10 =	vsub.f32 v3, v47;
	v12 =	vpop (erf)  }
0x1f4: {  	v48 =	vmovc v61;
	v14 =	vsub.f32 v2, v44;
	v4 =	vmul.f32 v4, v4;
	v17 =	vmul.f32 v6, v6  }
0x1f5: {  	v16 =	vsub.f32 v2, v39;
	v15 =	vsub.f32 v3, v46;
	v9 =	vmul.f32 v9, v9  }
0x1f6: {  	v7 =	vsel vm0, v11, v7;
	v11 =	vsub.f32 v3, v37;
	v4 =	vadd.f32 v17, v4;
	v6 =	vpop (erf)  }
0x1f7: {  	v7 =	vsub.f32 $0.0e+00, v7;
	v10 =	vmul.f32 v10, v10;
	v17 =	vsub.f32 v2, v36;
	v52 =	vpop (erf)  }
0x1f8: {  	v18 =	vsub.f32 v3, v35;
	v14 =	vmul.f32 v14, v14;
	v4 =	vsub.f32 $0.0e+00, v4;
	v53 =	vpop (erf)  }
0x1f9: {  	v7 =	vmul.f32 $1.442695020e+00, v7;
	v19 =	vsub.f32 v2, v33;
	v20 =	vsub.f32 v3, v41;
	v51 =	vpop (erf)  }
0x1fa: {  	v21 =	vsub.f32 v2, v32;
	v22 =	vsub.f32 v3, v40;
	v4 =	vmul.f32 $1.442695020e+00, v4  }
0x1fb: {  	v23 =	vsub.f32 v2, v31;
	v24 =	vsub.f32 v3, v38;
	(erf) = vpow2.f32 v7  }
0x1fc: {  	v3 =	vsub.f32 v3, v34;
	v2 =	vsub.f32 v2, v30;
	(erf) = vpow2.f32 v4  }
0x1fd: {  	v7 =	vmul.f32 v15, v15;
	v4 =	vadd.f32 v10, v9;
	v9 =	vmul.f32 v16, v16  }
0x1fe: {  	v55 =	vadd.f32 v1, v55;
	v10 =	vmul.f32 v11, v11;
	v11 =	vmul.f32 v17, v17  }
0x1ff: {  	v1 =	vadd.f32 v7, v14;
	v7 =	vmul.f32 v18, v18;
	v14 =	vmul.f32 v19, v19  }
0x200: {  	v15 =	vmul.f32 v21, v21;
	v9 =	vadd.f32 v10, v9;
	v10 =	vmul.f32 v20, v20  }
0x201: {  	v16 =	vmul.f32 v23, v23;
	v7 =	vadd.f32 v7, v11;
	v11 =	vmul.f32 v22, v22  }
0x202: {  	v2 =	vmul.f32 v2, v2;
	v10 =	vadd.f32 v10, v14;
	v14 =	vmul.f32 v24, v24  }
0x203: {  	v17 =	vmul.f32 v3, v3;
	v4 =	vsub.f32 $0.0e+00, v4;
	v11 =	vadd.f32 v11, v15  }
0x204: {  	v12 =	vmul.f32 v12, v48;
	v1 =	vsub.f32 $0.0e+00, v1;
	v14 =	vadd.f32 v14, v16;
	v61 =	vpop (erf)  }
0x205: {  	v2 =	vadd.f32 v17, v2;
	v9 =	vsub.f32 $0.0e+00, v9;
	v15 =	vmul.f32 $1.442695020e+00, v4;
	v3 =	vpop (erf)  }
0x206: {  	v7 =	vsub.f32 $0.0e+00, v7;
	v10 =	vsub.f32 $0.0e+00, v10;
	v3 =	vmul.f32 v3, v61  }
0x207: {  	s24 =	sadd.s32 $0x10, s24;
	v16 =	vmul.f32 $1.442695020e+00, v1;
	v1 =	vsub.f32 $0.0e+00, v11;
	v11 =	vsub.f32 $0.0e+00, v14  }
0x208: {  	s25 =	sand.u32 $0xF0, s26;
	v17 =	vsub.f32 $0.0e+00, v2;
	v14 =	vmul.f32 $1.442695020e+00, v9;
	v4 =	vld [tilespmem:s24+$0x0];
	v49 =	vadd.f32 v3, v49  }
0x209: {  	v58 =	vadd.f32 v12, v58;
	v2 =	vmul.f32 $1.442695020e+00, v10;
	v3 =	vmul.f32 $1.442695020e+00, v7;
	v9 =	vld [tilespmem:s25+$0x3B00]  }
0x20a: {  	v50 =	vadd.f32 v5, v50;
	v1 =	vmul.f32 $1.442695020e+00, v1;
	v63 =	vmul.f32 $1.442695020e+00, v11  }
0x20b: {  	v59 =	vadd.f32 v8, v59;
	v62 =	vmul.f32 $1.442695020e+00, v17;
	(erf) = vpow2.f32 v15  }
0x20c: {  	v60 =	vadd.f32 v13, v60;
	v7 =	vmul.f32 v6, v48;
	(erf) = vpow2.f32 v16  }
0x20d: {  	v21 =	vmul.f32 v4, v42;
	(erf) = vpow2.f32 v14  }
0x20e: {  	v54 =	vadd.f32 v7, v54;
	v5 =	vmul.f32 v4, v30;
	v10 =	vld [tilespmem:s25+$0x3C00];
	v6 =	vmul.f32 v9, v43  }
.Ltmp0:
0x20f: {  	v18 =	vmul.f32 v4, v31;
	v19 =	vmul.f32 v9, v34;
	v7 =	vld [tilespmem:s25+$0x3D00];
	(pc) =	sbr.rel @p0 .LBB2_5-.Ltmp0, $4  }
0x210: {  	v15 =	vmul.f32 v4, v32;
	v16 =	vmul.f32 v9, v38  }
0x211: {  	v13 =	vmul.f32 v4, v33;
	v8 =	vmul.f32 v9, v40  }
0x212: {  	v11 =	vmul.f32 v4, v36;
	v20 =	vmul.f32 v9, v41  }
0x213: {  	s26 =	sadd.s32 $0x10, s26;
	v17 =	vmul.f32 v4, v39;
	v12 =	vmul.f32 v9, v35;
	v14 =	vadd.f32 v10, v21  }
0x214: {  	v21 =	vmul.f32 v9, v37;
	v5 =	vadd.f32 v10, v5;
	v6 =	vadd.f32 v7, v6  }
0x215: {  	v22 =	vmul.f32 v4, v45;
	v18 =	vadd.f32 v10, v18;
	v19 =	vadd.f32 v7, v19  }
0x216: {  	v26 =	vmul.f32 v4, v44;
	v15 =	vadd.f32 v10, v15;
	v16 =	vadd.f32 v7, v16  }
0x217: {  	v23 =	vmul.f32 v9, v47;
	v13 =	vadd.f32 v10, v13;
	v20 =	vadd.f32 v7, v20  }
0x218: {  	v24 =	vmul.f32 v9, v46;
	v17 =	vadd.f32 v10, v17;
	v22 =	vadd.f32 v10, v22  }
0x219: {  	v14 =	vmul.f32 v14, v42;
	v23 =	vadd.f32 v7, v23;
	v4 =	vadd.f32 v10, v26  }
0x21a: {  	v9 =	vadd.f32 v7, v24;
	v5 =	vmul.f32 v5, v30;
	v6 =	vmul.f32 v6, v43  }
0x21b: {  	v24 =	vld [tilespmem:s25+$0x3E00];
	v21 =	vadd.f32 v7, v21;
	v22 =	vmul.f32 v22, v45;
	v4 =	vmul.f32 v4, v44  }
0x21c: {  	v12 =	vadd.f32 v7, v12;
	v23 =	vmul.f32 v23, v47;
	v9 =	vmul.f32 v9, v46  }
0x21d: {  	v10 =	vadd.f32 v10, v11;
	v11 =	vmul.f32 v17, v39;
	v25 =	vmul.f32 v21, v37  }
0x21e: {  	v13 =	vmul.f32 v13, v33;
	v26 =	vadd.f32 v23, v22;
	v4 =	vadd.f32 v9, v4  }
0x21f: {  	v17 =	vmul.f32 v18, v31;
	v12 =	vmul.f32 v12, v35;
	v11 =	vadd.f32 v25, v11  }
0x220: {  	v10 =	vmul.f32 v10, v36;
	v22 =	vadd.f32 v26, v24;
	v4 =	vadd.f32 v4, v24  }
0x221: {  	v18 =	vmul.f32 v15, v32;
	v23 =	vmul.f32 v20, v41;
	v25 =	vadd.f32 v7, v8  }
0x222: {  	v10 =	vadd.f32 v12, v10;
	v26 =	vadd.f32 v11, v24;
	vm0 =	vlt.f32 v4, v22  }
0x223: {  	v9 =	vmul.f32 v19, v34;
	v7 =	vmul.f32 v25, v40;
	v4 =	vsel vm0, v4, v22  }
0x224: {  	v10 =	vadd.f32 v10, v24;
	v19 =	vadd.f32 v23, v13;
	vm1 =	vlt.f32 v26, v4  }
0x225: {  	v6 =	vadd.f32 v6, v14;
	v20 =	vmul.f32 v16, v38;
	v4 =	vsel vm1, v26, v4  }
0x226: {  	v12 =	vadd.f32 v19, v24;
	v7 =	vadd.f32 v7, v18;
	vm2 =	vlt.f32 v10, v4  }
0x227: {  	v8 =	vadd.f32 v20, v17;
	v5 =	vadd.f32 v9, v5;
	v4 =	vsel vm2, v10, v4  }
0x228: {  	v6 =	vadd.f32 v6, v24;
	v7 =	vadd.f32 v7, v24;
	vm3 =	vlt.f32 v12, v4  }
0x229: {  	v8 =	vadd.f32 v8, v24;
	v5 =	vadd.f32 v5, v24;
	v4 =	vsel vm3, v12, v4  }
0x22a: {  	v21 =	vsel vm0, v44, v45;
	v22 =	vsel vm0, v46, v47;
	vm12 =	vlt.f32 v7, v4  }
0x22b: {  	v23 =	vld [tilespmem:s25+$0x3F00];
	v9 =	vsel vm1, v39, v21;
	v10 =	vsel vm1, v37, v22;
	v4 =	vsel vm12, v7, v4  }
0x22c: {  	v25 =	vld [tilespmem:s25+$0x4100];
	v9 =	vsel vm2, v36, v9;
	v10 =	vsel vm2, v35, v10;
	vm13 =	vlt.f32 v8, v4  }
0x22d: {  	v24 =	vld [tilespmem:s25+$0x4000];
	v9 =	vsel vm3, v33, v9;
	v10 =	vsel vm3, v41, v10;
	v4 =	vsel vm13, v8, v4  }
0x22e: {  	v26 =	vld [tilespmem:s25+$0x4200];
	v9 =	vsel vm12, v32, v9;
	v10 =	vsel vm12, v40, v10;
	vm14 =	vlt.f32 v5, v4  }
0x22f: {  	v9 =	vsel vm13, v31, v9;
	v10 =	vsel vm13, v38, v10;
	v4 =	vsel vm14, v5, v4  }
0x230: {  	v14 =	vsel vm14, v30, v9;
	v15 =	vsel vm14, v34, v10;
	vm15 =	vlt.f32 v6, v4  }
0x231: {  	v16 =	vld [tilespmem:s25+$0x4300];
	v5 =	vsel vm15, v42, v14;
	v9 =	vsel vm15, v43, v15  }
0x232: {  	v17 =	vld [tilespmem:s25+$0x4400];
	v11 =	vmul.f32 v5, v23;
	v7 =	vmul.f32 v9, v24  }
0x233: {  	v5 =	vmul.f32 v5, v25;
	v8 =	vmul.f32 v9, v26  }
0x234: {  	(erf) = vpow2.f32 v3;
	v7 =	vadd.f32 v7, v11  }
0x235: {  	(erf) = vpow2.f32 v2;
	v5 =	vadd.f32 v8, v5  }
0x236: {  	v18 =	vpop (erf);
	(erf) = vpow2.f32 v1;
	v2 =	vadd.f32 v7, v16  }
0x237: {  	v3 =	vmul.f32 v18, v61;
	v4 =	vsel vm15, v6, v4;
	v5 =	vadd.f32 v5, v17  }
0x238: {  	v19 =	vpop (erf);
	(erf) = vpow2.f32 v63;
	v4 =	vsub.f32 $0.0e+00, v4;
	v21 =	vsub.f32 v2, v42  }
0x239: {  	v1 =	vmul.f32 v19, v61;
	v22 =	vsub.f32 v5, v43;
	v10 =	vsub.f32 v2, v45  }
0x23a: {  	v20 =	vpop (erf);
	(erf) = vpow2.f32 v62;
	v23 =	vsub.f32 v5, v47;
	v24 =	vsub.f32 v2, v44  }
0x23b: {  	v4 =	vmul.f32 $1.442695020e+00, v4;
	v13 =	vsub.f32 v5, v46;
	v25 =	vsub.f32 v2, v39  }
0x23c: {  	v7 =	vmul.f32 v20, v61;
	v37 =	vsub.f32 v5, v37;
	v42 =	vsub.f32 v2, v36  }
0x23d: {  	(erf) = vpow2.f32 v4;
	v43 =	vsub.f32 v5, v35;
	v44 =	vsub.f32 v2, v33  }
0x23e: {  	v45 =	vsub.f32 v5, v41;
	v46 =	vsub.f32 v2, v32;
	v41 =	vmul.f32 v52, v48  }
0x23f: {  	v47 =	vsub.f32 v5, v40;
	v8 =	vmul.f32 v21, v21;
	v9 =	vmul.f32 v22, v22  }
0x240: {  	v62 =	vsub.f32 v2, v31;
	v10 =	vmul.f32 v10, v10;
	v39 =	vmul.f32 v23, v23  }
0x241: {  	v12 =	vmul.f32 v24, v24;
	v21 =	vmul.f32 v13, v13;
	v26 =	vadd.f32 v9, v8  }
0x242: {  	v63 =	vsub.f32 v5, v38;
	v22 =	vmul.f32 v25, v25;
	v23 =	vmul.f32 v42, v42  }
0x243: {  	v24 =	vmul.f32 v43, v43;
	v25 =	vmul.f32 v44, v44;
	v6 =	vsub.f32 $0.0e+00, v26  }
0x244: {  	v2 =	vsub.f32 v2, v30;
	v32 =	vmul.f32 v46, v46;
	v33 =	vmul.f32 v47, v47  }
0x245: {  	v5 =	vsub.f32 v5, v34;
	v34 =	vmul.f32 v62, v62;
	v6 =	vmul.f32 $1.442695020e+00, v6  }
0x246: {  	v4 =	vmul.f32 v63, v63;
	v9 =	vadd.f32 v39, v10;
	v8 =	vmul.f32 v37, v37  }
0x247: {  	v2 =	vmul.f32 v2, v2;
	(erf) = vpow2.f32 v6;
	v6 =	vadd.f32 v21, v12  }
0x248: {  	v5 =	vmul.f32 v5, v5;
	v8 =	vadd.f32 v8, v22;
	v9 =	vsub.f32 $0.0e+00, v9  }
0x249: {  	v10 =	vadd.f32 v24, v23;
	v26 =	vmul.f32 v45, v45;
	v6 =	vsub.f32 $0.0e+00, v6  }
0x24a: {  	v35 =	vadd.f32 v33, v32;
	v9 =	vmul.f32 $1.442695020e+00, v9;
	v8 =	vsub.f32 $0.0e+00, v8  }
0x24b: {  	v10 =	vsub.f32 $0.0e+00, v10;
	v12 =	vadd.f32 v26, v25;
	v6 =	vmul.f32 $1.442695020e+00, v6  }
0x24c: {  	v4 =	vadd.f32 v4, v34;
	v8 =	vmul.f32 $1.442695020e+00, v8;
	(erf) = vpow2.f32 v9  }
0x24d: {  	v36 =	vpop (erf);
	v10 =	vmul.f32 $1.442695020e+00, v10;
	v37 =	vsub.f32 $0.0e+00, v12;
	(erf) = vpow2.f32 v6  }
0x24e: {  	v38 =	vpop (erf);
	v2 =	vadd.f32 v5, v2;
	v39 =	vsub.f32 $0.0e+00, v35;
	(erf) = vpow2.f32 v8  }
0x24f: {  	v40 =	vpop (erf);
	v4 =	vsub.f32 $0.0e+00, v4;
	v11 =	vmul.f32 $1.442695020e+00, v37;
	(erf) = vpow2.f32 v10  }
0x250: {  	v52 =	vmul.f32 v51, v48;
	v42 =	vpop (erf);
	v2 =	vsub.f32 $0.0e+00, v2;
	v5 =	vmul.f32 $1.442695020e+00, v39  }
0x251: {  	v44 =	vpop (erf);
	v4 =	vmul.f32 $1.442695020e+00, v4;
	(erf) = vpow2.f32 v11  }
0x252: {  	v3 =	vadd.f32 v3, v57;
	v2 =	vmul.f32 $1.442695020e+00, v2;
	(erf) = vpow2.f32 v5  }
0x253: {  	v1 =	vadd.f32 v1, v56;
	v43 =	vmul.f32 v53, v48;
	v45 =	vpop (erf);
	(erf) = vpow2.f32 v4  }
0x254: {  	v7 =	vadd.f32 v7, v55;
	v8 =	vmul.f32 v38, v61;
	v47 =	vpop (erf);
	(erf) = vpow2.f32 v2  }
0x255: {  	v46 =	vmul.f32 v36, v61;
	v9 =	vmul.f32 v40, v61;
	v10 =	vadd.f32 v41, v50;
	v53 =	vpop (erf)  }
0x256: {  	v13 =	vadd.f32 v43, v59;
	v8 =	vadd.f32 v8, v54;
	v15 =	vmul.f32 v53, v45;
	v2 =	vpop (erf)  }
0x257: {  	v5 =	vadd.f32 v46, v58;
	v9 =	vadd.f32 v9, v10;
	v55 =	vpop (erf);
	v2 =	vmul.f32 v2, v45  }
0x258: {  	v58 =	vmul.f32 v44, v61;
	v4 =	vadd.f32 v52, v60;
	v3 =	vadd.f32 v15, v3;
	v56 =	vpop (erf)  }
0x259: {  	v16 =	vmul.f32 v55, v45;
	v57 =	vmul.f32 v56, v45;
	v1 =	vadd.f32 v2, v1  }
0x25a: {  	v4 =	vadd.f32 v58, v4;
	[tilespmem:v28+s23+$0x0 ss:$0x1] =	vst.idx.msk $0xffff, v3;
	v2 =	vmul.f32 v42, v61;
	v59 =	vpop (erf)  }
0x25b: {  	v7 =	vadd.f32 v16, v7;
	v60 =	vpop (erf);
	v61 =	vmul.f32 v59, v45;
	v5 =	vadd.f32 v57, v5  }
0x25c: {  	v2 =	vadd.f32 v2, v13;
	v3 =	vpop (erf);
	v10 =	vmul.f32 v60, v45;
	[tilespmem:v28+s23+$0x80 ss:$0x1] =	vst.idx.msk $0xffff, v1  }
0x25d: {  	s22 =	sadd.s32 $0x1, s22;
	v8 =	vadd.f32 v61, v8;
	v3 =	vmul.f32 v3, v45;
	[tilespmem:v28+s23+$0x100 ss:$0x1] =	vst.idx.msk $0xffff, v7;
	v1 =	vpop (erf)  }
0x25e: {  	p0 =	seq.s32 s22, $0x8;
	v62 =	vadd.f32 v10, v9;
	[tilespmem:v28+s23+$0x180 ss:$0x1] =	vst.idx.msk $0xffff, v5;
	v1 =	vmul.f32 v1, v45  }
.Ltmp1:
0x25f: {  	v63 =	vmul.f32 v47, v45;
	v2 =	vadd.f32 v3, v2;
	[tilespmem:v28+s23+$0x200 ss:$0x1] =	vst.idx.msk $0xffff, v8;
	(pc) =	sbr.rel @!p0 .LBB2_4-.Ltmp1, $4  }
0x260: {  	[tilespmem:v28+s23+$0x280 ss:$0x1] =	vst.idx.msk $0xffff, v62;
	v1 =	vadd.f32 v1, v4  }
0x261: {  	v3 =	vadd.f32 v63, v49;
	[tilespmem:v28+s23+$0x300 ss:$0x1] =	vst.idx.msk $0xffff, v2  }
0x262: {  	[tilespmem:v28+s23+$0x380 ss:$0x1] =	vst.idx.msk $0xffff, v1  }
0x263: {  	[tilespmem:v29+s23+$0x0 ss:$0x1] =	vst.idx.msk $0xffff, v3  }
0x264: {  	p0 =	seq.s32 s19, $0x4  }
.Ltmp2:
0x265: {  	_ = 	snop;
	(pc) =	sbr.rel @!p0 .LBB2_3-.Ltmp2, $1  }
0x266: {  	_ =	sdelay $0x3  }
0x267: {  	_ =	swait.ge [sflag:s15], $0x800  }
0x268: {  	s18 =	sadd.s32 $0x1, s18;
	[sflag:s15] =	ssyncset.done $0x0  }
0x269: {  	p0 =	sne.s32 s18, s7;
	[sflag:s15] =	ssyncadd.s32 $0xFFFFF800  }
0x26a: {  	[hbm4b:s6+s2] =	stream.linear.scatter [tilespmem:s16], [sflag:$0x3], $0xC00, $0x38;
	[tilespmem:$0x4500] =	vst v63  }
.Ltmp3:
0x26b: {  	s19 =	sadd.s32 $0x4000, s6;
	(pc) =	sbr.rel @p0 .LBB2_1-.Ltmp3, $4  }
0x26c: {  	[hbm4b:s19+s2] =	stream.linear.scatter [tilespmem:s17], [sflag:$0x3], $0xC00, $0x38;
	[tilespmem:$0x4500] =	vst v63  }
0x26d: {  	_ =	swait.ge [sflag:s13], $0x1800  }
0x26e: {  	[sflag:s13] =	ssyncset.done $0x0  }
0x26f: {  	[sflag:s13] =	ssyncadd.s32 $0xFFFFE800  }
0x270: {  	_ =	sfence.sel $0x180000  }
0x271: {  	[bflag:$0x0] =	sbarrier.arrive $0xFFFF  }
0x272: {  	p0 =	sne.s32 s1, $0x0;
	_ =	strace $0x90000047  }
0x273: {  	s0 =	sadd.s32 @!p0 $0x100000, s0;
	[bflag:$0x2] =	sbarrier.arrive $0xFFFF  }
0x274: {  	[sflag:s0] =	ssyncadd.tile.s32 @!p0 $0x1;
	_ =	shalt  }
.Lfunc_end2:
_tile_overlayer_lowered:
.L_overlay_start_2:
0x275: {  	(tag) =	ssettag $0x2  }
0x276: {  	s0 =	rddreg [dreg:$0x0];
	s2 =	stileid.u32  }
0x277: {  	s1 =	rddreg [dreg:$0x1];
	p0 =	sne.s32 s2, $0x0  }
0x278: {  	s3 =	rddreg [dreg:$0x2];
	[bflag:$0x3] =	sbarrier.arrive $0xFFFF;
	s2 =	simm.s32 @!p0 $0x1C03  }
0x279: {  	[timem:s3], [sflag:s2] =	dma.local @!p0 [hbm:s0], s1  }
0x27a: {  	s0 =	simm.s32 @!p0 $0x3  }
0x27b: {  	_ =	swait.ge @!p0 [sflag:s0], s1  }
0x27c: {  	s1 =	ssub.s32 @!p0 $0x0, s1;
	[sflag:s0] =	ssyncset.done @!p0 $0x0  }
0x27d: {  	[sflag:s0] =	ssyncadd.s32 @!p0 s1  }
0x27e: {  	[bflag:$0x3] =	sbarrier.arrive $0xFFFF  }
0x27f: {  	_ =	shalt  }

</sc_bundles>
